<compile_context>
chip_gen: v7x
topology: tpu7x:2x2x1
jax: 0.10.2.dev20260603
libtpu: 0.0.44.dev20260713+nightly
codegen_flags: <defaults>
</compile_context>

<pallas_src>
import functools

import jax
import jax.numpy as jnp
from jax import lax
from jax.experimental import pallas as pl
from jax.experimental.pallas import tpu as pltpu
from jax.experimental.pallas import tpu_sc as plsc

_B, _F, _C, _R = 512, 2000, 8, 4
_T = 2048
_L = 16
_NC, _NS = 2, 16
_NW = _NC * _NS

_NIN = _F * _C * 4
_NOUT = _B * _C * 16
_W = 512
_NTT = _T // 128
_QS = 32


def _make_packing_kernel(interpret=False):
    mesh = plsc.VectorSubcoreMesh(
        core_axis_name="c", subcore_axis_name="s",
        num_cores=_NC, num_subcores=_NS)

    @functools.partial(
        pl.kernel,
        out_type=jax.ShapeDtypeStruct((_NOUT, _W), jnp.float32),
        mesh=mesh,
        scratch_types=[
            pltpu.VMEM((_T,), jnp.int32),
            pltpu.VMEM((4, _QS), jnp.int32),
            pltpu.VMEM((2, 128), jnp.int32),
            pltpu.VMEM((2 * _QS + 1, _W), jnp.float32),
            pltpu.VMEM((128, _W), jnp.float32),
            pltpu.SemaphoreType.DMA,
            pltpu.SemaphoreType.DMA,
            pltpu.SemaphoreType.DMA,
        ],
        interpret=interpret,
        compiler_params=pltpu.CompilerParams(
            needs_layout_passes=False, use_tc_tiling_on_sc=False),
    )
    def packing(lv_hbm, perm_hbm, ov_hbm,
                perm_v, gidx_v, sidx_v, inb_v, outb_v, gsem0, gsem1, wsem):
        wid = lax.axis_index("s") * _NC + lax.axis_index("c")
        c = wid // 4
        bt = wid % 4
        pltpu.async_copy(perm_hbm, perm_v, wsem)

        lane = lax.iota(jnp.int32, _L)
        zeros = jnp.zeros((_L,), jnp.float32)
        gsems = (gsem0, gsem1)

        for q in range(_W // _L):
            inb_v[2 * _QS, pl.ds(q * _L, _L)] = zeros
        pltpu.make_async_copy(perm_hbm, perm_v, wsem).wait()

        obase = bt * 128 * _C * 16 + c * 16

        def build_gidx(tt, q, row):
            for u in range(_QS // _L):
                pv = perm_v[pl.ds(tt * 128 + q * _QS + u * _L, _L)]
                gidx_v[row, pl.ds(u * _L, _L)] = (
                    jnp.minimum(pv, _F - 1) * (_C * 4) + (c * 4 + bt))

        def fire_gather(row, half):
            pltpu.async_copy(
                lv_hbm.at[gidx_v.at[row]],
                inb_v.at[pl.ds(half * _QS, _QS)], gsems[half])

        def wait_gather(row, half):
            pltpu.make_async_copy(
                lv_hbm.at[gidx_v.at[row]],
                inb_v.at[pl.ds(half * _QS, _QS)], gsems[half]).wait()

        def drain_scatter(par):
            pltpu.make_async_copy(
                outb_v, ov_hbm.at[sidx_v.at[par]], wsem).wait()

        build_gidx(0, 0, 0)
        fire_gather(0, 0)

        def tt_body(tt, carry):
            for q in range(128 // _L):
                sidx_v[tt % 2, pl.ds(q * _L, _L)] = (
                    (lane + q * _L) * (_C * 16) + (obase + tt))

            for q in range(4):
                half = q % 2
                if q < 3:
                    build_gidx(tt, q + 1, q + 1)
                    fire_gather(q + 1, (q + 1) % 2)
                else:
                    @pl.when(tt != _NTT - 1)
                    def _():
                        build_gidx(tt + 1, 0, 0)
                        fire_gather(0, 0)

                wait_gather(q, half)

                if q == 0:
                    @pl.when(tt != 0)
                    def _():
                        drain_scatter((tt + 1) % 2)

                fi = []
                for tlc in range(_QS // _L):
                    pv = perm_v[pl.ds(tt * 128 + q * _QS + tlc * _L, _L)]
                    fi.append(jnp.where(pv < _F,
                                        lane + (half * _QS + tlc * _L),
                                        2 * _QS))

                ones = jnp.ones((_L,), jnp.int32)
                col0 = tuple(jnp.full((_L,), r * 128, jnp.int32)
                             for r in range(_R))

                @plsc.parallel_loop(0, 128, unroll=8, carry=col0)
                def j_body(j, cols):
                    for r in range(_R):
                        for tlc in range(_QS // _L):
                            v = plsc.load_gather(inb_v, [fi[tlc], cols[r]])
                            outb_v[j, pl.ds(r * 128 + q * _QS + tlc * _L,
                                            _L)] = v
                    return tuple(cv + ones for cv in cols)

            pltpu.async_copy(outb_v, ov_hbm.at[sidx_v.at[tt % 2]], wsem)
            return carry

        lax.fori_loop(0, _NTT, tt_body, 0, unroll=False)
        drain_scatter((_NTT - 1) % 2)

    return packing


_packing = _make_packing_kernel()


def kernel(ll, perm):
    lv = (ll.reshape(4, 128, _F, _C, _R)
            .transpose(2, 3, 0, 4, 1)
            .reshape(_NIN, _W))
    ov = _packing(lv, perm)
    out = (ov.reshape(_B, _C, _NTT, _R, 128)
             .transpose(0, 2, 4, 1, 3)
             .reshape(_B, _T, _C, _R))
    return out

# --- scband reference (transcript-rebuilt; emitter-appended) ---
"""Pipeline reference for scband-latent-feature-packing-51625506898546 (READ-ONLY COPY).

The authoritative reference and input builder live on the scoring server;
editing this copy changes nothing except your own understanding.
"""

import jax, jax.numpy as jnp
import numpy as np

B, F, C, R = 512, 2000, 8, 4
T = 2048  # target_features

def setup_inputs(seed: int = 0) -> dict:
    key = jax.random.key(seed)
    k1, k2 = jax.random.split(key)
    ll = jax.random.normal(k1, (B, F, C, R), dtype=jnp.float32)
    # perm must be a true permutation of [0, T) so that perm_inv exists
    perm = jax.random.permutation(k2, T).astype(jnp.int32)
    return {"ll": ll, "perm": perm}

def reference(ll, perm):
    # _LatentFeaturePacking.log_likelihood:
    #   pack input log-likelihoods (b, f, c, r) into (b, T, c, r) with zero padding
    #   for the extra latent features, then permute the feature axis by perm.
    b, f, c, r = ll.shape
    packed = jnp.zeros((b, T, c, r), dtype=ll.dtype)
    packed = packed.at[:, :f].set(ll)
    packed = jnp.take(packed, perm, axis=1)
    return packed

if __name__ == "__main__":
    import jax
    _d = setup_inputs()
    print(jax.jit(kernel)(*tuple(_d.values())))

</pallas_src>

<mosaic_0001>
#map = affine_map<(d0, d1) -> (0, 0)>
#map1 = affine_map<(d0, d1) -> (0)>
module attributes {stable_mosaic.version = 14 : i64} {
  func.func @packing(%arg0: i32, %arg1: i32, %arg2: memref<64000x512xf32, #tpu.memory_space<hbm>>, %arg3: memref<2048xi32, #tpu.memory_space<hbm>>, %arg4: memref<65536x512xf32, #tpu.memory_space<hbm>>, %arg5: memref<2048xi32, #tpu.memory_space<vmem>>, %arg6: memref<4x32xi32, #tpu.memory_space<vmem>>, %arg7: memref<2x128xi32, #tpu.memory_space<vmem>>, %arg8: memref<65x512xf32, #tpu.memory_space<vmem>>, %arg9: memref<128x512xf32, #tpu.memory_space<vmem>>, %arg10: memref<!tpu.dma_semaphore, #tpu.memory_space<semaphore_mem>>, %arg11: memref<!tpu.dma_semaphore, #tpu.memory_space<semaphore_mem>>, %arg12: memref<!tpu.dma_semaphore, #tpu.memory_space<semaphore_mem>>) attributes {dimension_semantics = [#tpu.dimension_semantics<core_parallel>, #tpu.dimension_semantics<subcore_parallel>], iteration_bounds = array<i64: 2, 16>, scalar_prefetch = 0 : i64, scratch_operands = 8 : i64, tpu.core_type = #tpu.core_type<sc_vector_subcore>, window_params = [{transform_indices = #map}, {transform_indices = #map1}, {transform_indices = #map}]} {
    %mul3A = arith.constant 2 : i32
    %mul3A_0 = arith.muli %arg1, %mul3A : i32
    %add3A = arith.addi %mul3A_0, %arg0 : i32
    %jit3A = arith.constant 4 : i32
    %div3A = arith.divsi %add3A, %jit3A : i32
    %sign3A = arith.constant 0 : i32
    %sign3A_1 = arith.cmpi sgt, %add3A, %sign3A : i32
    %sign3A_2 = arith.extui %sign3A_1 : i1 to i32
    %sign3A_3 = arith.constant 0 : i32
    %sign3A_4 = arith.cmpi slt, %add3A, %sign3A_3 : i32
    %sign3A_5 = arith.extui %sign3A_4 : i1 to i32
    %sign3A_6 = arith.subi %sign3A_2, %sign3A_5 : i32
    %sign3A_7 = arith.constant 0 : i32
    %sign3A_8 = arith.cmpi sgt, %jit3A, %sign3A_7 : i32
    %sign3A_9 = arith.extui %sign3A_8 : i1 to i32
    %sign3A_10 = arith.constant 0 : i32
    %sign3A_11 = arith.cmpi slt, %jit3A, %sign3A_10 : i32
    %sign3A_12 = arith.extui %sign3A_11 : i1 to i32
    %sign3A_13 = arith.subi %sign3A_9, %sign3A_12 : i32
    %ne3A = arith.cmpi ne, %sign3A_6, %sign3A_13 : i32
    %rem3A = arith.remsi %add3A, %jit3A : i32
    %ne3A_14 = arith.constant 0 : i32
    %ne3A_15 = arith.cmpi ne, %rem3A, %ne3A_14 : i32
    %and3A = arith.andi %ne3A, %ne3A_15 : i1
    %sub3A = arith.constant 1 : i32
    %sub3A_16 = arith.subi %div3A, %sub3A : i32
    %select_n3A = arith.select %and3A, %sub3A_16, %div3A : i32
    %jit3A_17 = arith.constant 4 : i32
    %eq3A = arith.constant 0 : i32
    %eq3A_18 = arith.cmpi eq, %jit3A_17, %eq3A : i32
    %jit3A_19 = arith.constant 1 : i32
    %select_n3A_20 = arith.select %eq3A_18, %jit3A_19, %jit3A_17 : i32
    %rem3A_21 = arith.remsi %add3A, %select_n3A_20 : i32
    %ne3A_22 = arith.constant 0 : i32
    %ne3A_23 = arith.cmpi ne, %rem3A_21, %ne3A_22 : i32
    %lt3A = arith.constant 0 : i32
    %lt3A_24 = arith.cmpi slt, %rem3A_21, %lt3A : i32
    %lt3A_25 = arith.constant 0 : i32
    %lt3A_26 = arith.cmpi slt, %select_n3A_20, %lt3A_25 : i32
    %ne3A_27 = arith.xori %lt3A_24, %lt3A_26 : i1
    %and3A_28 = arith.andi %ne3A_27, %ne3A_23 : i1
    %add3A_29 = arith.addi %rem3A_21, %select_n3A_20 : i32
    %select_n3A_30 = arith.select %and3A_28, %add3A_29, %rem3A_21 : i32
    tpu.enqueue_dma source(%arg3 : memref<2048xi32, #tpu.memory_space<hbm>>) target(%arg5 : memref<2048xi32, #tpu.memory_space<vmem>>) target_semaphore(%arg12 : memref<!tpu.dma_semaphore, #tpu.memory_space<semaphore_mem>>)
    %iota3A = tpu.iota {dimensions = array<i32: 0>} : vector<16xi32>
    %broadcast_in_dim3A = arith.constant 0.000000e+00 : f32
    %broadcast_in_dim3A_31 = vector.broadcast %broadcast_in_dim3A : f32 to vector<16xf32>
    %swap3A = arith.constant 64 : i32
    %swap3A_32 = arith.index_cast %swap3A : i32 to index
    %swap3A_33 = arith.constant 0 : index
    %swap3A_34 = tpu.vector_load %arg8[%swap3A_32, %swap3A_33] {strides = array<i32>} : memref<65x512xf32, #tpu.memory_space<vmem>>, vector<16xf32>,
    tpu.vector_store %arg8[%swap3A_32, %swap3A_33], %broadcast_in_dim3A_31 {strides = array<i32>} : memref<65x512xf32, #tpu.memory_space<vmem>>, vector<16xf32>,
    %swap3A_35 = arith.constant 64 : i32
    %swap3A_36 = arith.index_cast %swap3A_35 : i32 to index
    %swap3A_37 = arith.constant 16 : index
    %swap3A_38 = tpu.vector_load %arg8[%swap3A_36, %swap3A_37] {strides = array<i32>} : memref<65x512xf32, #tpu.memory_space<vmem>>, vector<16xf32>,
    tpu.vector_store %arg8[%swap3A_36, %swap3A_37], %broadcast_in_dim3A_31 {strides = array<i32>} : memref<65x512xf32, #tpu.memory_space<vmem>>, vector<16xf32>,
    %swap3A_39 = arith.constant 64 : i32
    %swap3A_40 = arith.index_cast %swap3A_39 : i32 to index
    %swap3A_41 = arith.constant 32 : index
    %swap3A_42 = tpu.vector_load %arg8[%swap3A_40, %swap3A_41] {strides = array<i32>} : memref<65x512xf32, #tpu.memory_space<vmem>>, vector<16xf32>,
    tpu.vector_store %arg8[%swap3A_40, %swap3A_41], %broadcast_in_dim3A_31 {strides = array<i32>} : memref<65x512xf32, #tpu.memory_space<vmem>>, vector<16xf32>,
    %swap3A_43 = arith.constant 64 : i32
    %swap3A_44 = arith.index_cast %swap3A_43 : i32 to index
    %swap3A_45 = arith.constant 48 : index
    %swap3A_46 = tpu.vector_load %arg8[%swap3A_44, %swap3A_45] {strides = array<i32>} : memref<65x512xf32, #tpu.memory_space<vmem>>, vector<16xf32>,
    tpu.vector_store %arg8[%swap3A_44, %swap3A_45], %broadcast_in_dim3A_31 {strides = array<i32>} : memref<65x512xf32, #tpu.memory_space<vmem>>, vector<16xf32>,
    %swap3A_47 = arith.constant 64 : i32
    %swap3A_48 = arith.index_cast %swap3A_47 : i32 to index
    %swap3A_49 = arith.constant 64 : index
    %swap3A_50 = tpu.vector_load %arg8[%swap3A_48, %swap3A_49] {strides = array<i32>} : memref<65x512xf32, #tpu.memory_space<vmem>>, vector<16xf32>,
    tpu.vector_store %arg8[%swap3A_48, %swap3A_49], %broadcast_in_dim3A_31 {strides = array<i32>} : memref<65x512xf32, #tpu.memory_space<vmem>>, vector<16xf32>,
    %swap3A_51 = arith.constant 64 : i32
    %swap3A_52 = arith.index_cast %swap3A_51 : i32 to index
    %swap3A_53 = arith.constant 80 : index
    %swap3A_54 = tpu.vector_load %arg8[%swap3A_52, %swap3A_53] {strides = array<i32>} : memref<65x512xf32, #tpu.memory_space<vmem>>, vector<16xf32>,
    tpu.vector_store %arg8[%swap3A_52, %swap3A_53], %broadcast_in_dim3A_31 {strides = array<i32>} : memref<65x512xf32, #tpu.memory_space<vmem>>, vector<16xf32>,
    %swap3A_55 = arith.constant 64 : i32
    %swap3A_56 = arith.index_cast %swap3A_55 : i32 to index
    %swap3A_57 = arith.constant 96 : index
    %swap3A_58 = tpu.vector_load %arg8[%swap3A_56, %swap3A_57] {strides = array<i32>} : memref<65x512xf32, #tpu.memory_space<vmem>>, vector<16xf32>,
    tpu.vector_store %arg8[%swap3A_56, %swap3A_57], %broadcast_in_dim3A_31 {strides = array<i32>} : memref<65x512xf32, #tpu.memory_space<vmem>>, vector<16xf32>,
    %swap3A_59 = arith.constant 64 : i32
    %swap3A_60 = arith.index_cast %swap3A_59 : i32 to index
    %swap3A_61 = arith.constant 112 : index
    %swap3A_62 = tpu.vector_load %arg8[%swap3A_60, %swap3A_61] {strides = array<i32>} : memref<65x512xf32, #tpu.memory_space<vmem>>, vector<16xf32>,
    tpu.vector_store %arg8[%swap3A_60, %swap3A_61], %broadcast_in_dim3A_31 {strides = array<i32>} : memref<65x512xf32, #tpu.memory_space<vmem>>, vector<16xf32>,
    %swap3A_63 = arith.constant 64 : i32
    %swap3A_64 = arith.index_cast %swap3A_63 : i32 to index
    %swap3A_65 = arith.constant 128 : index
    %swap3A_66 = tpu.vector_load %arg8[%swap3A_64, %swap3A_65] {strides = array<i32>} : memref<65x512xf32, #tpu.memory_space<vmem>>, vector<16xf32>,
    tpu.vector_store %arg8[%swap3A_64, %swap3A_65], %broadcast_in_dim3A_31 {strides = array<i32>} : memref<65x512xf32, #tpu.memory_space<vmem>>, vector<16xf32>,
    %swap3A_67 = arith.constant 64 : i32
    %swap3A_68 = arith.index_cast %swap3A_67 : i32 to index
    %swap3A_69 = arith.constant 144 : index
    %swap3A_70 = tpu.vector_load %arg8[%swap3A_68, %swap3A_69] {strides = array<i32>} : memref<65x512xf32, #tpu.memory_space<vmem>>, vector<16xf32>,
    tpu.vector_store %arg8[%swap3A_68, %swap3A_69], %broadcast_in_dim3A_31 {strides = array<i32>} : memref<65x512xf32, #tpu.memory_space<vmem>>, vector<16xf32>,
    %swap3A_71 = arith.constant 64 : i32
    %swap3A_72 = arith.index_cast %swap3A_71 : i32 to index
    %swap3A_73 = arith.constant 160 : index
    %swap3A_74 = tpu.vector_load %arg8[%swap3A_72, %swap3A_73] {strides = array<i32>} : memref<65x512xf32, #tpu.memory_space<vmem>>, vector<16xf32>,
    tpu.vector_store %arg8[%swap3A_72, %swap3A_73], %broadcast_in_dim3A_31 {strides = array<i32>} : memref<65x512xf32, #tpu.memory_space<vmem>>, vector<16xf32>,
    %swap3A_75 = arith.constant 64 : i32
    %swap3A_76 = arith.index_cast %swap3A_75 : i32 to index
    %swap3A_77 = arith.constant 176 : index
    %swap3A_78 = tpu.vector_load %arg8[%swap3A_76, %swap3A_77] {strides = array<i32>} : memref<65x512xf32, #tpu.memory_space<vmem>>, vector<16xf32>,
    tpu.vector_store %arg8[%swap3A_76, %swap3A_77], %broadcast_in_dim3A_31 {strides = array<i32>} : memref<65x512xf32, #tpu.memory_space<vmem>>, vector<16xf32>,
    %swap3A_79 = arith.constant 64 : i32
    %swap3A_80 = arith.index_cast %swap3A_79 : i32 to index
    %swap3A_81 = arith.constant 192 : index
    %swap3A_82 = tpu.vector_load %arg8[%swap3A_80, %swap3A_81] {strides = array<i32>} : memref<65x512xf32, #tpu.memory_space<vmem>>, vector<16xf32>,
    tpu.vector_store %arg8[%swap3A_80, %swap3A_81], %broadcast_in_dim3A_31 {strides = array<i32>} : memref<65x512xf32, #tpu.memory_space<vmem>>, vector<16xf32>,
    %swap3A_83 = arith.constant 64 : i32
    %swap3A_84 = arith.index_cast %swap3A_83 : i32 to index
    %swap3A_85 = arith.constant 208 : index
    %swap3A_86 = tpu.vector_load %arg8[%swap3A_84, %swap3A_85] {strides = array<i32>} : memref<65x512xf32, #tpu.memory_space<vmem>>, vector<16xf32>,
    tpu.vector_store %arg8[%swap3A_84, %swap3A_85], %broadcast_in_dim3A_31 {strides = array<i32>} : memref<65x512xf32, #tpu.memory_space<vmem>>, vector<16xf32>,
    %swap3A_87 = arith.constant 64 : i32
    %swap3A_88 = arith.index_cast %swap3A_87 : i32 to index
    %swap3A_89 = arith.constant 224 : index
    %swap3A_90 = tpu.vector_load %arg8[%swap3A_88, %swap3A_89] {strides = array<i32>} : memref<65x512xf32, #tpu.memory_space<vmem>>, vector<16xf32>,
    tpu.vector_store %arg8[%swap3A_88, %swap3A_89], %broadcast_in_dim3A_31 {strides = array<i32>} : memref<65x512xf32, #tpu.memory_space<vmem>>, vector<16xf32>,
    %swap3A_91 = arith.constant 64 : i32
    %swap3A_92 = arith.index_cast %swap3A_91 : i32 to index
    %swap3A_93 = arith.constant 240 : index
    %swap3A_94 = tpu.vector_load %arg8[%swap3A_92, %swap3A_93] {strides = array<i32>} : memref<65x512xf32, #tpu.memory_space<vmem>>, vector<16xf32>,
    tpu.vector_store %arg8[%swap3A_92, %swap3A_93], %broadcast_in_dim3A_31 {strides = array<i32>} : memref<65x512xf32, #tpu.memory_space<vmem>>, vector<16xf32>,
    %swap3A_95 = arith.constant 64 : i32
    %swap3A_96 = arith.index_cast %swap3A_95 : i32 to index
    %swap3A_97 = arith.constant 256 : index
    %swap3A_98 = tpu.vector_load %arg8[%swap3A_96, %swap3A_97] {strides = array<i32>} : memref<65x512xf32, #tpu.memory_space<vmem>>, vector<16xf32>,
    tpu.vector_store %arg8[%swap3A_96, %swap3A_97], %broadcast_in_dim3A_31 {strides = array<i32>} : memref<65x512xf32, #tpu.memory_space<vmem>>, vector<16xf32>,
    %swap3A_99 = arith.constant 64 : i32
    %swap3A_100 = arith.index_cast %swap3A_99 : i32 to index
    %swap3A_101 = arith.constant 272 : index
    %swap3A_102 = tpu.vector_load %arg8[%swap3A_100, %swap3A_101] {strides = array<i32>} : memref<65x512xf32, #tpu.memory_space<vmem>>, vector<16xf32>,
    tpu.vector_store %arg8[%swap3A_100, %swap3A_101], %broadcast_in_dim3A_31 {strides = array<i32>} : memref<65x512xf32, #tpu.memory_space<vmem>>, vector<16xf32>,
    %swap3A_103 = arith.constant 64 : i32
    %swap3A_104 = arith.index_cast %swap3A_103 : i32 to index
    %swap3A_105 = arith.constant 288 : index
    %swap3A_106 = tpu.vector_load %arg8[%swap3A_104, %swap3A_105] {strides = array<i32>} : memref<65x512xf32, #tpu.memory_space<vmem>>, vector<16xf32>,
    tpu.vector_store %arg8[%swap3A_104, %swap3A_105], %broadcast_in_dim3A_31 {strides = array<i32>} : memref<65x512xf32, #tpu.memory_space<vmem>>, vector<16xf32>,
    %swap3A_107 = arith.constant 64 : i32
    %swap3A_108 = arith.index_cast %swap3A_107 : i32 to index
    %swap3A_109 = arith.constant 304 : index
    %swap3A_110 = tpu.vector_load %arg8[%swap3A_108, %swap3A_109] {strides = array<i32>} : memref<65x512xf32, #tpu.memory_space<vmem>>, vector<16xf32>,
    tpu.vector_store %arg8[%swap3A_108, %swap3A_109], %broadcast_in_dim3A_31 {strides = array<i32>} : memref<65x512xf32, #tpu.memory_space<vmem>>, vector<16xf32>,
    %swap3A_111 = arith.constant 64 : i32
    %swap3A_112 = arith.index_cast %swap3A_111 : i32 to index
    %swap3A_113 = arith.constant 320 : index
    %swap3A_114 = tpu.vector_load %arg8[%swap3A_112, %swap3A_113] {strides = array<i32>} : memref<65x512xf32, #tpu.memory_space<vmem>>, vector<16xf32>,
    tpu.vector_store %arg8[%swap3A_112, %swap3A_113], %broadcast_in_dim3A_31 {strides = array<i32>} : memref<65x512xf32, #tpu.memory_space<vmem>>, vector<16xf32>,
    %swap3A_115 = arith.constant 64 : i32
    %swap3A_116 = arith.index_cast %swap3A_115 : i32 to index
    %swap3A_117 = arith.constant 336 : index
    %swap3A_118 = tpu.vector_load %arg8[%swap3A_116, %swap3A_117] {strides = array<i32>} : memref<65x512xf32, #tpu.memory_space<vmem>>, vector<16xf32>,
    tpu.vector_store %arg8[%swap3A_116, %swap3A_117], %broadcast_in_dim3A_31 {strides = array<i32>} : memref<65x512xf32, #tpu.memory_space<vmem>>, vector<16xf32>,
    %swap3A_119 = arith.constant 64 : i32
    %swap3A_120 = arith.index_cast %swap3A_119 : i32 to index
    %swap3A_121 = arith.constant 352 : index
    %swap3A_122 = tpu.vector_load %arg8[%swap3A_120, %swap3A_121] {strides = array<i32>} : memref<65x512xf32, #tpu.memory_space<vmem>>, vector<16xf32>,
    tpu.vector_store %arg8[%swap3A_120, %swap3A_121], %broadcast_in_dim3A_31 {strides = array<i32>} : memref<65x512xf32, #tpu.memory_space<vmem>>, vector<16xf32>,
    %swap3A_123 = arith.constant 64 : i32
    %swap3A_124 = arith.index_cast %swap3A_123 : i32 to index
    %swap3A_125 = arith.constant 368 : index
    %swap3A_126 = tpu.vector_load %arg8[%swap3A_124, %swap3A_125] {strides = array<i32>} : memref<65x512xf32, #tpu.memory_space<vmem>>, vector<16xf32>,
    tpu.vector_store %arg8[%swap3A_124, %swap3A_125], %broadcast_in_dim3A_31 {strides = array<i32>} : memref<65x512xf32, #tpu.memory_space<vmem>>, vector<16xf32>,
    %swap3A_127 = arith.constant 64 : i32
    %swap3A_128 = arith.index_cast %swap3A_127 : i32 to index
    %swap3A_129 = arith.constant 384 : index
    %swap3A_130 = tpu.vector_load %arg8[%swap3A_128, %swap3A_129] {strides = array<i32>} : memref<65x512xf32, #tpu.memory_space<vmem>>, vector<16xf32>,
    tpu.vector_store %arg8[%swap3A_128, %swap3A_129], %broadcast_in_dim3A_31 {strides = array<i32>} : memref<65x512xf32, #tpu.memory_space<vmem>>, vector<16xf32>,
    %swap3A_131 = arith.constant 64 : i32
    %swap3A_132 = arith.index_cast %swap3A_131 : i32 to index
    %swap3A_133 = arith.constant 400 : index
    %swap3A_134 = tpu.vector_load %arg8[%swap3A_132, %swap3A_133] {strides = array<i32>} : memref<65x512xf32, #tpu.memory_space<vmem>>, vector<16xf32>,
    tpu.vector_store %arg8[%swap3A_132, %swap3A_133], %broadcast_in_dim3A_31 {strides = array<i32>} : memref<65x512xf32, #tpu.memory_space<vmem>>, vector<16xf32>,
    %swap3A_135 = arith.constant 64 : i32
    %swap3A_136 = arith.index_cast %swap3A_135 : i32 to index
    %swap3A_137 = arith.constant 416 : index
    %swap3A_138 = tpu.vector_load %arg8[%swap3A_136, %swap3A_137] {strides = array<i32>} : memref<65x512xf32, #tpu.memory_space<vmem>>, vector<16xf32>,
    tpu.vector_store %arg8[%swap3A_136, %swap3A_137], %broadcast_in_dim3A_31 {strides = array<i32>} : memref<65x512xf32, #tpu.memory_space<vmem>>, vector<16xf32>,
    %swap3A_139 = arith.constant 64 : i32
    %swap3A_140 = arith.index_cast %swap3A_139 : i32 to index
    %swap3A_141 = arith.constant 432 : index
    %swap3A_142 = tpu.vector_load %arg8[%swap3A_140, %swap3A_141] {strides = array<i32>} : memref<65x512xf32, #tpu.memory_space<vmem>>, vector<16xf32>,
    tpu.vector_store %arg8[%swap3A_140, %swap3A_141], %broadcast_in_dim3A_31 {strides = array<i32>} : memref<65x512xf32, #tpu.memory_space<vmem>>, vector<16xf32>,
    %swap3A_143 = arith.constant 64 : i32
    %swap3A_144 = arith.index_cast %swap3A_143 : i32 to index
    %swap3A_145 = arith.constant 448 : index
    %swap3A_146 = tpu.vector_load %arg8[%swap3A_144, %swap3A_145] {strides = array<i32>} : memref<65x512xf32, #tpu.memory_space<vmem>>, vector<16xf32>,
    tpu.vector_store %arg8[%swap3A_144, %swap3A_145], %broadcast_in_dim3A_31 {strides = array<i32>} : memref<65x512xf32, #tpu.memory_space<vmem>>, vector<16xf32>,
    %swap3A_147 = arith.constant 64 : i32
    %swap3A_148 = arith.index_cast %swap3A_147 : i32 to index
    %swap3A_149 = arith.constant 464 : index
    %swap3A_150 = tpu.vector_load %arg8[%swap3A_148, %swap3A_149] {strides = array<i32>} : memref<65x512xf32, #tpu.memory_space<vmem>>, vector<16xf32>,
    tpu.vector_store %arg8[%swap3A_148, %swap3A_149], %broadcast_in_dim3A_31 {strides = array<i32>} : memref<65x512xf32, #tpu.memory_space<vmem>>, vector<16xf32>,
    %swap3A_151 = arith.constant 64 : i32
    %swap3A_152 = arith.index_cast %swap3A_151 : i32 to index
    %swap3A_153 = arith.constant 480 : index
    %swap3A_154 = tpu.vector_load %arg8[%swap3A_152, %swap3A_153] {strides = array<i32>} : memref<65x512xf32, #tpu.memory_space<vmem>>, vector<16xf32>,
    tpu.vector_store %arg8[%swap3A_152, %swap3A_153], %broadcast_in_dim3A_31 {strides = array<i32>} : memref<65x512xf32, #tpu.memory_space<vmem>>, vector<16xf32>,
    %swap3A_155 = arith.constant 64 : i32
    %swap3A_156 = arith.index_cast %swap3A_155 : i32 to index
    %swap3A_157 = arith.constant 496 : index
    %swap3A_158 = tpu.vector_load %arg8[%swap3A_156, %swap3A_157] {strides = array<i32>} : memref<65x512xf32, #tpu.memory_space<vmem>>, vector<16xf32>,
    tpu.vector_store %arg8[%swap3A_156, %swap3A_157], %broadcast_in_dim3A_31 {strides = array<i32>} : memref<65x512xf32, #tpu.memory_space<vmem>>, vector<16xf32>,
    tpu.wait_dma2 semaphore(%arg12 : memref<!tpu.dma_semaphore, #tpu.memory_space<semaphore_mem>>) src(%arg3 : memref<2048xi32, #tpu.memory_space<hbm>>) dst(%arg5 : memref<2048xi32, #tpu.memory_space<vmem>>)
    %mul3A_159 = arith.constant 128 : i32
    %mul3A_160 = arith.muli %select_n3A_30, %mul3A_159 : i32
    %mul3A_161 = arith.constant 8 : i32
    %mul3A_162 = arith.muli %mul3A_160, %mul3A_161 : i32
    %mul3A_163 = arith.constant 16 : i32
    %mul3A_164 = arith.muli %mul3A_162, %mul3A_163 : i32
    %mul3A_165 = arith.constant 16 : i32
    %mul3A_166 = arith.muli %select_n3A, %mul3A_165 : i32
    %add3A_167 = arith.addi %mul3A_164, %mul3A_166 : i32
    %get3A = arith.constant 0 : index
    %get3A_168 = tpu.vector_load %arg5[%get3A] {strides = array<i32>} : memref<2048xi32, #tpu.memory_space<vmem>>, vector<16xi32>,
    %min3A = arith.constant 1999 : i32
    %min3A_169 = vector.broadcast %min3A : i32 to vector<16xi32>
    %min3A_170 = arith.minsi %get3A_168, %min3A_169 : vector<16xi32>
    %mul3A_171 = arith.constant 32 : i32
    %mul3A_172 = vector.broadcast %mul3A_171 : i32 to vector<16xi32>
    %mul3A_173 = arith.muli %min3A_170, %mul3A_172 : vector<16xi32>
    %mul3A_174 = arith.constant 4 : i32
    %mul3A_175 = arith.muli %select_n3A, %mul3A_174 : i32
    %add3A_176 = arith.addi %mul3A_175, %select_n3A_30 : i32
    %add3A_177 = vector.broadcast %add3A_176 : i32 to vector<16xi32>
    %add3A_178 = arith.addi %mul3A_173, %add3A_177 : vector<16xi32>
    %swap3A_179 = arith.constant 0 : i32
    %swap3A_180 = arith.index_cast %swap3A_179 : i32 to index
    %swap3A_181 = arith.constant 0 : index
    %swap3A_182 = tpu.vector_load %arg6[%swap3A_180, %swap3A_181] {strides = array<i32>} : memref<4x32xi32, #tpu.memory_space<vmem>>, vector<16xi32>,
    tpu.vector_store %arg6[%swap3A_180, %swap3A_181], %add3A_178 {strides = array<i32>} : memref<4x32xi32, #tpu.memory_space<vmem>>, vector<16xi32>,
    %get3A_183 = arith.constant 16 : index
    %get3A_184 = tpu.vector_load %arg5[%get3A_183] {strides = array<i32>} : memref<2048xi32, #tpu.memory_space<vmem>>, vector<16xi32>,
    %min3A_185 = arith.constant 1999 : i32
    %min3A_186 = vector.broadcast %min3A_185 : i32 to vector<16xi32>
    %min3A_187 = arith.minsi %get3A_184, %min3A_186 : vector<16xi32>
    %mul3A_188 = arith.constant 32 : i32
    %mul3A_189 = vector.broadcast %mul3A_188 : i32 to vector<16xi32>
    %mul3A_190 = arith.muli %min3A_187, %mul3A_189 : vector<16xi32>
    %mul3A_191 = arith.constant 4 : i32
    %mul3A_192 = arith.muli %select_n3A, %mul3A_191 : i32
    %add3A_193 = arith.addi %mul3A_192, %select_n3A_30 : i32
    %add3A_194 = vector.broadcast %add3A_193 : i32 to vector<16xi32>
    %add3A_195 = arith.addi %mul3A_190, %add3A_194 : vector<16xi32>
    %swap3A_196 = arith.constant 0 : i32
    %swap3A_197 = arith.index_cast %swap3A_196 : i32 to index
    %swap3A_198 = arith.constant 16 : index
    %swap3A_199 = tpu.vector_load %arg6[%swap3A_197, %swap3A_198] {strides = array<i32>} : memref<4x32xi32, #tpu.memory_space<vmem>>, vector<16xi32>,
    tpu.vector_store %arg6[%swap3A_197, %swap3A_198], %add3A_195 {strides = array<i32>} : memref<4x32xi32, #tpu.memory_space<vmem>>, vector<16xi32>,
    %dma_start3A = arith.constant 0 : i32
    %dma_start3A_200 = arith.constant 0 : i32
    %dma_start3A_201 = arith.constant 0 : i32
    %dma_start3A_202 = tpu.memref_slice %arg8[%dma_start3A_200, %dma_start3A_201] : memref<65x512xf32, #tpu.memory_space<vmem>> -> memref<32x512xf32, #tpu.memory_space<vmem>>
    %dma_start3A_203 = arith.constant 0 : i32
    %dma_start3A_204 = tpu.memref_slice %arg6[%dma_start3A, %dma_start3A_203] : memref<4x32xi32, #tpu.memory_space<vmem>> -> memref<1x32xi32, #tpu.memory_space<vmem>>
    %dma_start3A_205 = tpu.memref_squeeze %dma_start3A_204 : memref<1x32xi32, #tpu.memory_space<vmem>> -> memref<32xi32, #tpu.memory_space<vmem>>
    %dma_start3A_206 = arith.constant 0 : i32
    %dma_start3A_207 = arith.constant 0 : i32
    %dma_start3A_208 = tpu.memref_slice %arg2[%dma_start3A_206, %dma_start3A_207] : memref<64000x512xf32, #tpu.memory_space<hbm>> -> memref<64000x512xf32, #tpu.memory_space<hbm>>
    tpu.enqueue_indirect_dma source(%dma_start3A_208 : memref<64000x512xf32, #tpu.memory_space<hbm>>) target(%dma_start3A_202 : memref<32x512xf32, #tpu.memory_space<vmem>>) offsets(%dma_start3A_205 : memref<32xi32, #tpu.memory_space<vmem>>) semaphore(%arg10 : memref<!tpu.dma_semaphore, #tpu.memory_space<semaphore_mem>>)
    %scan3A = arith.constant 0 : i32
    %scan3A_209 = arith.constant 0 : i32
    %scan3A_210 = arith.constant 16 : i32
    %scan3A_211 = arith.addi %scan3A_209, %scan3A_210 : i32
    %scan3A_212 = arith.constant 1 : i32
    scf.for %scan3A_220 = %scan3A_209 to %scan3A_211 step %scan3A_212  : i32 {
      %add3A_221 = arith.constant 0 : i32
      %add3A_222 = vector.broadcast %add3A_221 : i32 to vector<16xi32>
      %add3A_223 = arith.addi %iota3A, %add3A_222 : vector<16xi32>
      %mul3A_224 = arith.constant 128 : i32
      %mul3A_225 = vector.broadcast %mul3A_224 : i32 to vector<16xi32>
      %mul3A_226 = arith.muli %add3A_223, %mul3A_225 : vector<16xi32>
      %add3A_227 = arith.addi %add3A_167, %scan3A_220 : i32
      %add3A_228 = vector.broadcast %add3A_227 : i32 to vector<16xi32>
      %add3A_229 = arith.addi %mul3A_226, %add3A_228 : vector<16xi32>
      %jit3A_230 = arith.constant 2 : i32
      %eq3A_231 = arith.constant 0 : i32
      %eq3A_232 = arith.cmpi eq, %jit3A_230, %eq3A_231 : i32
      %jit3A_233 = arith.constant 1 : i32
      %select_n3A_234 = arith.select %eq3A_232, %jit3A_233, %jit3A_230 : i32
      %rem3A_235 = arith.remsi %scan3A_220, %select_n3A_234 : i32
      %ne3A_236 = arith.constant 0 : i32
      %ne3A_237 = arith.cmpi ne, %rem3A_235, %ne3A_236 : i32
      %lt3A_238 = arith.constant 0 : i32
      %lt3A_239 = arith.cmpi slt, %rem3A_235, %lt3A_238 : i32
      %lt3A_240 = arith.constant 0 : i32
      %lt3A_241 = arith.cmpi slt, %select_n3A_234, %lt3A_240 : i32
      %ne3A_242 = arith.xori %lt3A_239, %lt3A_241 : i1
      %and3A_243 = arith.andi %ne3A_242, %ne3A_237 : i1
      %add3A_244 = arith.addi %rem3A_235, %select_n3A_234 : i32
      %select_n3A_245 = arith.select %and3A_243, %add3A_244, %rem3A_235 : i32
      %swap3A_246 = arith.index_cast %select_n3A_245 : i32 to index
      %swap3A_247 = arith.constant 0 : index
      %swap3A_248 = tpu.vector_load %arg7[%swap3A_246, %swap3A_247] {strides = array<i32>} : memref<2x128xi32, #tpu.memory_space<vmem>>, vector<16xi32>,
      tpu.vector_store %arg7[%swap3A_246, %swap3A_247], %add3A_229 {strides = array<i32>} : memref<2x128xi32, #tpu.memory_space<vmem>>, vector<16xi32>,
      %add3A_249 = arith.constant 16 : i32
      %add3A_250 = vector.broadcast %add3A_249 : i32 to vector<16xi32>
      %add3A_251 = arith.addi %iota3A, %add3A_250 : vector<16xi32>
      %mul3A_252 = arith.constant 128 : i32
      %mul3A_253 = vector.broadcast %mul3A_252 : i32 to vector<16xi32>
      %mul3A_254 = arith.muli %add3A_251, %mul3A_253 : vector<16xi32>
      %add3A_255 = arith.addi %add3A_167, %scan3A_220 : i32
      %add3A_256 = vector.broadcast %add3A_255 : i32 to vector<16xi32>
      %add3A_257 = arith.addi %mul3A_254, %add3A_256 : vector<16xi32>
      %jit3A_258 = arith.constant 2 : i32
      %eq3A_259 = arith.constant 0 : i32
      %eq3A_260 = arith.cmpi eq, %jit3A_258, %eq3A_259 : i32
      %jit3A_261 = arith.constant 1 : i32
      %select_n3A_262 = arith.select %eq3A_260, %jit3A_261, %jit3A_258 : i32
      %rem3A_263 = arith.remsi %scan3A_220, %select_n3A_262 : i32
      %ne3A_264 = arith.constant 0 : i32
      %ne3A_265 = arith.cmpi ne, %rem3A_263, %ne3A_264 : i32
      %lt3A_266 = arith.constant 0 : i32
      %lt3A_267 = arith.cmpi slt, %rem3A_263, %lt3A_266 : i32
      %lt3A_268 = arith.constant 0 : i32
      %lt3A_269 = arith.cmpi slt, %select_n3A_262, %lt3A_268 : i32
      %ne3A_270 = arith.xori %lt3A_267, %lt3A_269 : i1
      %and3A_271 = arith.andi %ne3A_270, %ne3A_265 : i1
      %add3A_272 = arith.addi %rem3A_263, %select_n3A_262 : i32
      %select_n3A_273 = arith.select %and3A_271, %add3A_272, %rem3A_263 : i32
      %swap3A_274 = arith.index_cast %select_n3A_273 : i32 to index
      %swap3A_275 = arith.constant 16 : index
      %swap3A_276 = tpu.vector_load %arg7[%swap3A_274, %swap3A_275] {strides = array<i32>} : memref<2x128xi32, #tpu.memory_space<vmem>>, vector<16xi32>,
      tpu.vector_store %arg7[%swap3A_274, %swap3A_275], %add3A_257 {strides = array<i32>} : memref<2x128xi32, #tpu.memory_space<vmem>>, vector<16xi32>,
      %add3A_277 = arith.constant 32 : i32
      %add3A_278 = vector.broadcast %add3A_277 : i32 to vector<16xi32>
      %add3A_279 = arith.addi %iota3A, %add3A_278 : vector<16xi32>
      %mul3A_280 = arith.constant 128 : i32
      %mul3A_281 = vector.broadcast %mul3A_280 : i32 to vector<16xi32>
      %mul3A_282 = arith.muli %add3A_279, %mul3A_281 : vector<16xi32>
      %add3A_283 = arith.addi %add3A_167, %scan3A_220 : i32
      %add3A_284 = vector.broadcast %add3A_283 : i32 to vector<16xi32>
      %add3A_285 = arith.addi %mul3A_282, %add3A_284 : vector<16xi32>
      %jit3A_286 = arith.constant 2 : i32
      %eq3A_287 = arith.constant 0 : i32
      %eq3A_288 = arith.cmpi eq, %jit3A_286, %eq3A_287 : i32
      %jit3A_289 = arith.constant 1 : i32
      %select_n3A_290 = arith.select %eq3A_288, %jit3A_289, %jit3A_286 : i32
      %rem3A_291 = arith.remsi %scan3A_220, %select_n3A_290 : i32
      %ne3A_292 = arith.constant 0 : i32
      %ne3A_293 = arith.cmpi ne, %rem3A_291, %ne3A_292 : i32
      %lt3A_294 = arith.constant 0 : i32
      %lt3A_295 = arith.cmpi slt, %rem3A_291, %lt3A_294 : i32
      %lt3A_296 = arith.constant 0 : i32
      %lt3A_297 = arith.cmpi slt, %select_n3A_290, %lt3A_296 : i32
      %ne3A_298 = arith.xori %lt3A_295, %lt3A_297 : i1
      %and3A_299 = arith.andi %ne3A_298, %ne3A_293 : i1
      %add3A_300 = arith.addi %rem3A_291, %select_n3A_290 : i32
      %select_n3A_301 = arith.select %and3A_299, %add3A_300, %rem3A_291 : i32
      %swap3A_302 = arith.index_cast %select_n3A_301 : i32 to index
      %swap3A_303 = arith.constant 32 : index
      %swap3A_304 = tpu.vector_load %arg7[%swap3A_302, %swap3A_303] {strides = array<i32>} : memref<2x128xi32, #tpu.memory_space<vmem>>, vector<16xi32>,
      tpu.vector_store %arg7[%swap3A_302, %swap3A_303], %add3A_285 {strides = array<i32>} : memref<2x128xi32, #tpu.memory_space<vmem>>, vector<16xi32>,
      %add3A_305 = arith.constant 48 : i32
      %add3A_306 = vector.broadcast %add3A_305 : i32 to vector<16xi32>
      %add3A_307 = arith.addi %iota3A, %add3A_306 : vector<16xi32>
      %mul3A_308 = arith.constant 128 : i32
      %mul3A_309 = vector.broadcast %mul3A_308 : i32 to vector<16xi32>
      %mul3A_310 = arith.muli %add3A_307, %mul3A_309 : vector<16xi32>
      %add3A_311 = arith.addi %add3A_167, %scan3A_220 : i32
      %add3A_312 = vector.broadcast %add3A_311 : i32 to vector<16xi32>
      %add3A_313 = arith.addi %mul3A_310, %add3A_312 : vector<16xi32>
      %jit3A_314 = arith.constant 2 : i32
      %eq3A_315 = arith.constant 0 : i32
      %eq3A_316 = arith.cmpi eq, %jit3A_314, %eq3A_315 : i32
      %jit3A_317 = arith.constant 1 : i32
      %select_n3A_318 = arith.select %eq3A_316, %jit3A_317, %jit3A_314 : i32
      %rem3A_319 = arith.remsi %scan3A_220, %select_n3A_318 : i32
      %ne3A_320 = arith.constant 0 : i32
      %ne3A_321 = arith.cmpi ne, %rem3A_319, %ne3A_320 : i32
      %lt3A_322 = arith.constant 0 : i32
      %lt3A_323 = arith.cmpi slt, %rem3A_319, %lt3A_322 : i32
      %lt3A_324 = arith.constant 0 : i32
      %lt3A_325 = arith.cmpi slt, %select_n3A_318, %lt3A_324 : i32
      %ne3A_326 = arith.xori %lt3A_323, %lt3A_325 : i1
      %and3A_327 = arith.andi %ne3A_326, %ne3A_321 : i1
      %add3A_328 = arith.addi %rem3A_319, %select_n3A_318 : i32
      %select_n3A_329 = arith.select %and3A_327, %add3A_328, %rem3A_319 : i32
      %swap3A_330 = arith.index_cast %select_n3A_329 : i32 to index
      %swap3A_331 = arith.constant 48 : index
      %swap3A_332 = tpu.vector_load %arg7[%swap3A_330, %swap3A_331] {strides = array<i32>} : memref<2x128xi32, #tpu.memory_space<vmem>>, vector<16xi32>,
      tpu.vector_store %arg7[%swap3A_330, %swap3A_331], %add3A_313 {strides = array<i32>} : memref<2x128xi32, #tpu.memory_space<vmem>>, vector<16xi32>,
      %add3A_333 = arith.constant 64 : i32
      %add3A_334 = vector.broadcast %add3A_333 : i32 to vector<16xi32>
      %add3A_335 = arith.addi %iota3A, %add3A_334 : vector<16xi32>
      %mul3A_336 = arith.constant 128 : i32
      %mul3A_337 = vector.broadcast %mul3A_336 : i32 to vector<16xi32>
      %mul3A_338 = arith.muli %add3A_335, %mul3A_337 : vector<16xi32>
      %add3A_339 = arith.addi %add3A_167, %scan3A_220 : i32
      %add3A_340 = vector.broadcast %add3A_339 : i32 to vector<16xi32>
      %add3A_341 = arith.addi %mul3A_338, %add3A_340 : vector<16xi32>
      %jit3A_342 = arith.constant 2 : i32
      %eq3A_343 = arith.constant 0 : i32
      %eq3A_344 = arith.cmpi eq, %jit3A_342, %eq3A_343 : i32
      %jit3A_345 = arith.constant 1 : i32
      %select_n3A_346 = arith.select %eq3A_344, %jit3A_345, %jit3A_342 : i32
      %rem3A_347 = arith.remsi %scan3A_220, %select_n3A_346 : i32
      %ne3A_348 = arith.constant 0 : i32
      %ne3A_349 = arith.cmpi ne, %rem3A_347, %ne3A_348 : i32
      %lt3A_350 = arith.constant 0 : i32
      %lt3A_351 = arith.cmpi slt, %rem3A_347, %lt3A_350 : i32
      %lt3A_352 = arith.constant 0 : i32
      %lt3A_353 = arith.cmpi slt, %select_n3A_346, %lt3A_352 : i32
      %ne3A_354 = arith.xori %lt3A_351, %lt3A_353 : i1
      %and3A_355 = arith.andi %ne3A_354, %ne3A_349 : i1
      %add3A_356 = arith.addi %rem3A_347, %select_n3A_346 : i32
      %select_n3A_357 = arith.select %and3A_355, %add3A_356, %rem3A_347 : i32
      %swap3A_358 = arith.index_cast %select_n3A_357 : i32 to index
      %swap3A_359 = arith.constant 64 : index
      %swap3A_360 = tpu.vector_load %arg7[%swap3A_358, %swap3A_359] {strides = array<i32>} : memref<2x128xi32, #tpu.memory_space<vmem>>, vector<16xi32>,
      tpu.vector_store %arg7[%swap3A_358, %swap3A_359], %add3A_341 {strides = array<i32>} : memref<2x128xi32, #tpu.memory_space<vmem>>, vector<16xi32>,
      %add3A_361 = arith.constant 80 : i32
      %add3A_362 = vector.broadcast %add3A_361 : i32 to vector<16xi32>
      %add3A_363 = arith.addi %iota3A, %add3A_362 : vector<16xi32>
      %mul3A_364 = arith.constant 128 : i32
      %mul3A_365 = vector.broadcast %mul3A_364 : i32 to vector<16xi32>
      %mul3A_366 = arith.muli %add3A_363, %mul3A_365 : vector<16xi32>
      %add3A_367 = arith.addi %add3A_167, %scan3A_220 : i32
      %add3A_368 = vector.broadcast %add3A_367 : i32 to vector<16xi32>
      %add3A_369 = arith.addi %mul3A_366, %add3A_368 : vector<16xi32>
      %jit3A_370 = arith.constant 2 : i32
      %eq3A_371 = arith.constant 0 : i32
      %eq3A_372 = arith.cmpi eq, %jit3A_370, %eq3A_371 : i32
      %jit3A_373 = arith.constant 1 : i32
      %select_n3A_374 = arith.select %eq3A_372, %jit3A_373, %jit3A_370 : i32
      %rem3A_375 = arith.remsi %scan3A_220, %select_n3A_374 : i32
      %ne3A_376 = arith.constant 0 : i32
      %ne3A_377 = arith.cmpi ne, %rem3A_375, %ne3A_376 : i32
      %lt3A_378 = arith.constant 0 : i32
      %lt3A_379 = arith.cmpi slt, %rem3A_375, %lt3A_378 : i32
      %lt3A_380 = arith.constant 0 : i32
      %lt3A_381 = arith.cmpi slt, %select_n3A_374, %lt3A_380 : i32
      %ne3A_382 = arith.xori %lt3A_379, %lt3A_381 : i1
      %and3A_383 = arith.andi %ne3A_382, %ne3A_377 : i1
      %add3A_384 = arith.addi %rem3A_375, %select_n3A_374 : i32
      %select_n3A_385 = arith.select %and3A_383, %add3A_384, %rem3A_375 : i32
      %swap3A_386 = arith.index_cast %select_n3A_385 : i32 to index
      %swap3A_387 = arith.constant 80 : index
      %swap3A_388 = tpu.vector_load %arg7[%swap3A_386, %swap3A_387] {strides = array<i32>} : memref<2x128xi32, #tpu.memory_space<vmem>>, vector<16xi32>,
      tpu.vector_store %arg7[%swap3A_386, %swap3A_387], %add3A_369 {strides = array<i32>} : memref<2x128xi32, #tpu.memory_space<vmem>>, vector<16xi32>,
      %add3A_389 = arith.constant 96 : i32
      %add3A_390 = vector.broadcast %add3A_389 : i32 to vector<16xi32>
      %add3A_391 = arith.addi %iota3A, %add3A_390 : vector<16xi32>
      %mul3A_392 = arith.constant 128 : i32
      %mul3A_393 = vector.broadcast %mul3A_392 : i32 to vector<16xi32>
      %mul3A_394 = arith.muli %add3A_391, %mul3A_393 : vector<16xi32>
      %add3A_395 = arith.addi %add3A_167, %scan3A_220 : i32
      %add3A_396 = vector.broadcast %add3A_395 : i32 to vector<16xi32>
      %add3A_397 = arith.addi %mul3A_394, %add3A_396 : vector<16xi32>
      %jit3A_398 = arith.constant 2 : i32
      %eq3A_399 = arith.constant 0 : i32
      %eq3A_400 = arith.cmpi eq, %jit3A_398, %eq3A_399 : i32
      %jit3A_401 = arith.constant 1 : i32
      %select_n3A_402 = arith.select %eq3A_400, %jit3A_401, %jit3A_398 : i32
      %rem3A_403 = arith.remsi %scan3A_220, %select_n3A_402 : i32
      %ne3A_404 = arith.constant 0 : i32
      %ne3A_405 = arith.cmpi ne, %rem3A_403, %ne3A_404 : i32
      %lt3A_406 = arith.constant 0 : i32
      %lt3A_407 = arith.cmpi slt, %rem3A_403, %lt3A_406 : i32
      %lt3A_408 = arith.constant 0 : i32
      %lt3A_409 = arith.cmpi slt, %select_n3A_402, %lt3A_408 : i32
      %ne3A_410 = arith.xori %lt3A_407, %lt3A_409 : i1
      %and3A_411 = arith.andi %ne3A_410, %ne3A_405 : i1
      %add3A_412 = arith.addi %rem3A_403, %select_n3A_402 : i32
      %select_n3A_413 = arith.select %and3A_411, %add3A_412, %rem3A_403 : i32
      %swap3A_414 = arith.index_cast %select_n3A_413 : i32 to index
      %swap3A_415 = arith.constant 96 : index
      %swap3A_416 = tpu.vector_load %arg7[%swap3A_414, %swap3A_415] {strides = array<i32>} : memref<2x128xi32, #tpu.memory_space<vmem>>, vector<16xi32>,
      tpu.vector_store %arg7[%swap3A_414, %swap3A_415], %add3A_397 {strides = array<i32>} : memref<2x128xi32, #tpu.memory_space<vmem>>, vector<16xi32>,
      %add3A_417 = arith.constant 112 : i32
      %add3A_418 = vector.broadcast %add3A_417 : i32 to vector<16xi32>
      %add3A_419 = arith.addi %iota3A, %add3A_418 : vector<16xi32>
      %mul3A_420 = arith.constant 128 : i32
      %mul3A_421 = vector.broadcast %mul3A_420 : i32 to vector<16xi32>
      %mul3A_422 = arith.muli %add3A_419, %mul3A_421 : vector<16xi32>
      %add3A_423 = arith.addi %add3A_167, %scan3A_220 : i32
      %add3A_424 = vector.broadcast %add3A_423 : i32 to vector<16xi32>
      %add3A_425 = arith.addi %mul3A_422, %add3A_424 : vector<16xi32>
      %jit3A_426 = arith.constant 2 : i32
      %eq3A_427 = arith.constant 0 : i32
      %eq3A_428 = arith.cmpi eq, %jit3A_426, %eq3A_427 : i32
      %jit3A_429 = arith.constant 1 : i32
      %select_n3A_430 = arith.select %eq3A_428, %jit3A_429, %jit3A_426 : i32
      %rem3A_431 = arith.remsi %scan3A_220, %select_n3A_430 : i32
      %ne3A_432 = arith.constant 0 : i32
      %ne3A_433 = arith.cmpi ne, %rem3A_431, %ne3A_432 : i32
      %lt3A_434 = arith.constant 0 : i32
      %lt3A_435 = arith.cmpi slt, %rem3A_431, %lt3A_434 : i32
      %lt3A_436 = arith.constant 0 : i32
      %lt3A_437 = arith.cmpi slt, %select_n3A_430, %lt3A_436 : i32
      %ne3A_438 = arith.xori %lt3A_435, %lt3A_437 : i1
      %and3A_439 = arith.andi %ne3A_438, %ne3A_433 : i1
      %add3A_440 = arith.addi %rem3A_431, %select_n3A_430 : i32
      %select_n3A_441 = arith.select %and3A_439, %add3A_440, %rem3A_431 : i32
      %swap3A_442 = arith.index_cast %select_n3A_441 : i32 to index
      %swap3A_443 = arith.constant 112 : index
      %swap3A_444 = tpu.vector_load %arg7[%swap3A_442, %swap3A_443] {strides = array<i32>} : memref<2x128xi32, #tpu.memory_space<vmem>>, vector<16xi32>,
      tpu.vector_store %arg7[%swap3A_442, %swap3A_443], %add3A_425 {strides = array<i32>} : memref<2x128xi32, #tpu.memory_space<vmem>>, vector<16xi32>,
      %mul3A_445 = arith.constant 128 : i32
      %mul3A_446 = arith.muli %scan3A_220, %mul3A_445 : i32
      %add3A_447 = arith.constant 32 : i32
      %add3A_448 = arith.addi %mul3A_446, %add3A_447 : i32
      %add3A_449 = arith.constant 0 : i32
      %add3A_450 = arith.addi %add3A_448, %add3A_449 : i32
      %get3A_451 = arith.index_cast %add3A_450 : i32 to index
      %get3A_452 = tpu.vector_load %arg5[%get3A_451] {strides = array<i32>} : memref<2048xi32, #tpu.memory_space<vmem>>, vector<16xi32>,
      %min3A_453 = arith.constant 1999 : i32
      %min3A_454 = vector.broadcast %min3A_453 : i32 to vector<16xi32>
      %min3A_455 = arith.minsi %get3A_452, %min3A_454 : vector<16xi32>
      %mul3A_456 = arith.constant 32 : i32
      %mul3A_457 = vector.broadcast %mul3A_456 : i32 to vector<16xi32>
      %mul3A_458 = arith.muli %min3A_455, %mul3A_457 : vector<16xi32>
      %mul3A_459 = arith.constant 4 : i32
      %mul3A_460 = arith.muli %select_n3A, %mul3A_459 : i32
      %add3A_461 = arith.addi %mul3A_460, %select_n3A_30 : i32
      %add3A_462 = vector.broadcast %add3A_461 : i32 to vector<16xi32>
      %add3A_463 = arith.addi %mul3A_458, %add3A_462 : vector<16xi32>
      %swap3A_464 = arith.constant 1 : i32
      %swap3A_465 = arith.index_cast %swap3A_464 : i32 to index
      %swap3A_466 = arith.constant 0 : index
      %swap3A_467 = tpu.vector_load %arg6[%swap3A_465, %swap3A_466] {strides = array<i32>} : memref<4x32xi32, #tpu.memory_space<vmem>>, vector<16xi32>,
      tpu.vector_store %arg6[%swap3A_465, %swap3A_466], %add3A_463 {strides = array<i32>} : memref<4x32xi32, #tpu.memory_space<vmem>>, vector<16xi32>,
      %mul3A_468 = arith.constant 128 : i32
      %mul3A_469 = arith.muli %scan3A_220, %mul3A_468 : i32
      %add3A_470 = arith.constant 32 : i32
      %add3A_471 = arith.addi %mul3A_469, %add3A_470 : i32
      %add3A_472 = arith.constant 16 : i32
      %add3A_473 = arith.addi %add3A_471, %add3A_472 : i32
      %get3A_474 = arith.index_cast %add3A_473 : i32 to index
      %get3A_475 = tpu.vector_load %arg5[%get3A_474] {strides = array<i32>} : memref<2048xi32, #tpu.memory_space<vmem>>, vector<16xi32>,
      %min3A_476 = arith.constant 1999 : i32
      %min3A_477 = vector.broadcast %min3A_476 : i32 to vector<16xi32>
      %min3A_478 = arith.minsi %get3A_475, %min3A_477 : vector<16xi32>
      %mul3A_479 = arith.constant 32 : i32
      %mul3A_480 = vector.broadcast %mul3A_479 : i32 to vector<16xi32>
      %mul3A_481 = arith.muli %min3A_478, %mul3A_480 : vector<16xi32>
      %mul3A_482 = arith.constant 4 : i32
      %mul3A_483 = arith.muli %select_n3A, %mul3A_482 : i32
      %add3A_484 = arith.addi %mul3A_483, %select_n3A_30 : i32
      %add3A_485 = vector.broadcast %add3A_484 : i32 to vector<16xi32>
      %add3A_486 = arith.addi %mul3A_481, %add3A_485 : vector<16xi32>
      %swap3A_487 = arith.constant 1 : i32
      %swap3A_488 = arith.index_cast %swap3A_487 : i32 to index
      %swap3A_489 = arith.constant 16 : index
      %swap3A_490 = tpu.vector_load %arg6[%swap3A_488, %swap3A_489] {strides = array<i32>} : memref<4x32xi32, #tpu.memory_space<vmem>>, vector<16xi32>,
      tpu.vector_store %arg6[%swap3A_488, %swap3A_489], %add3A_486 {strides = array<i32>} : memref<4x32xi32, #tpu.memory_space<vmem>>, vector<16xi32>,
      %dma_start3A_491 = arith.constant 1 : i32
      %dma_start3A_492 = arith.constant 32 : i32
      %dma_start3A_493 = arith.constant 0 : i32
      %dma_start3A_494 = tpu.memref_slice %arg8[%dma_start3A_492, %dma_start3A_493] : memref<65x512xf32, #tpu.memory_space<vmem>> -> memref<32x512xf32, #tpu.memory_space<vmem>>
      %dma_start3A_495 = arith.constant 0 : i32
      %dma_start3A_496 = tpu.memref_slice %arg6[%dma_start3A_491, %dma_start3A_495] : memref<4x32xi32, #tpu.memory_space<vmem>> -> memref<1x32xi32, #tpu.memory_space<vmem>>
      %dma_start3A_497 = tpu.memref_squeeze %dma_start3A_496 : memref<1x32xi32, #tpu.memory_space<vmem>> -> memref<32xi32, #tpu.memory_space<vmem>>
      %dma_start3A_498 = arith.constant 0 : i32
      %dma_start3A_499 = arith.constant 0 : i32
      %dma_start3A_500 = tpu.memref_slice %arg2[%dma_start3A_498, %dma_start3A_499] : memref<64000x512xf32, #tpu.memory_space<hbm>> -> memref<64000x512xf32, #tpu.memory_space<hbm>>
      tpu.enqueue_indirect_dma source(%dma_start3A_500 : memref<64000x512xf32, #tpu.memory_space<hbm>>) target(%dma_start3A_494 : memref<32x512xf32, #tpu.memory_space<vmem>>) offsets(%dma_start3A_497 : memref<32xi32, #tpu.memory_space<vmem>>) semaphore(%arg11 : memref<!tpu.dma_semaphore, #tpu.memory_space<semaphore_mem>>)
      %dma_wait3A_501 = arith.constant 0 : i32
      %dma_wait3A_502 = arith.constant 0 : i32
      %dma_wait3A_503 = arith.constant 0 : i32
      %dma_wait3A_504 = tpu.memref_slice %arg8[%dma_wait3A_502, %dma_wait3A_503] : memref<65x512xf32, #tpu.memory_space<vmem>> -> memref<32x512xf32, #tpu.memory_space<vmem>>
      %dma_wait3A_505 = arith.constant 0 : i32
      %dma_wait3A_506 = tpu.memref_slice %arg6[%dma_wait3A_501, %dma_wait3A_505] : memref<4x32xi32, #tpu.memory_space<vmem>> -> memref<1x32xi32, #tpu.memory_space<vmem>>
      %dma_wait3A_507 = tpu.memref_squeeze %dma_wait3A_506 : memref<1x32xi32, #tpu.memory_space<vmem>> -> memref<32xi32, #tpu.memory_space<vmem>>
      %dma_wait3A_508 = arith.constant 0 : i32
      %dma_wait3A_509 = arith.constant 0 : i32
      %dma_wait3A_510 = tpu.memref_slice %arg2[%dma_wait3A_508, %dma_wait3A_509] : memref<64000x512xf32, #tpu.memory_space<hbm>> -> memref<64000x512xf32, #tpu.memory_space<hbm>>
      tpu.wait_indirect_dma semaphore(%arg10 : memref<!tpu.dma_semaphore, #tpu.memory_space<semaphore_mem>>) src(%dma_wait3A_510 : memref<64000x512xf32, #tpu.memory_space<hbm>>) dst(%dma_wait3A_504 : memref<32x512xf32, #tpu.memory_space<vmem>>)
      %ne3A_511 = arith.constant 0 : i32
      %ne3A_512 = arith.cmpi ne, %scan3A_220, %ne3A_511 : i32
      %convert_element_type3A = arith.extui %ne3A_512 : i1 to i32
      %cond3A = arith.constant 0 : i32
      %cond3A_513 = arith.cmpi ne, %convert_element_type3A, %cond3A : i32
      scf.if %cond3A_513 {
        %add3A_874 = arith.constant 1 : i32
        %add3A_875 = arith.addi %scan3A_220, %add3A_874 : i32
        %jit3A_876 = arith.constant 2 : i32
        %eq3A_877 = arith.constant 0 : i32
        %eq3A_878 = arith.cmpi eq, %jit3A_876, %eq3A_877 : i32
        %jit3A_879 = arith.constant 1 : i32
        %select_n3A_880 = arith.select %eq3A_878, %jit3A_879, %jit3A_876 : i32
        %rem3A_881 = arith.remsi %add3A_875, %select_n3A_880 : i32
        %ne3A_882 = arith.constant 0 : i32
        %ne3A_883 = arith.cmpi ne, %rem3A_881, %ne3A_882 : i32
        %lt3A_884 = arith.constant 0 : i32
        %lt3A_885 = arith.cmpi slt, %rem3A_881, %lt3A_884 : i32
        %lt3A_886 = arith.constant 0 : i32
        %lt3A_887 = arith.cmpi slt, %select_n3A_880, %lt3A_886 : i32
        %ne3A_888 = arith.xori %lt3A_885, %lt3A_887 : i1
        %and3A_889 = arith.andi %ne3A_888, %ne3A_883 : i1
        %add3A_890 = arith.addi %rem3A_881, %select_n3A_880 : i32
        %select_n3A_891 = arith.select %and3A_889, %add3A_890, %rem3A_881 : i32
        %dma_wait3A_892 = arith.constant 0 : i32
        %dma_wait3A_893 = tpu.memref_slice %arg7[%select_n3A_891, %dma_wait3A_892] : memref<2x128xi32, #tpu.memory_space<vmem>> -> memref<1x128xi32, #tpu.memory_space<vmem>>
        %dma_wait3A_894 = tpu.memref_squeeze %dma_wait3A_893 : memref<1x128xi32, #tpu.memory_space<vmem>> -> memref<128xi32, #tpu.memory_space<vmem>>
        %dma_wait3A_895 = arith.constant 0 : i32
        %dma_wait3A_896 = arith.constant 0 : i32
        %dma_wait3A_897 = tpu.memref_slice %arg4[%dma_wait3A_895, %dma_wait3A_896] : memref<65536x512xf32, #tpu.memory_space<hbm>> -> memref<65536x512xf32, #tpu.memory_space<hbm>>
        tpu.wait_indirect_dma semaphore(%arg12 : memref<!tpu.dma_semaphore, #tpu.memory_space<semaphore_mem>>) src(%arg9 : memref<128x512xf32, #tpu.memory_space<vmem>>) dst(%dma_wait3A_897 : memref<65536x512xf32, #tpu.memory_space<hbm>>)
      } else {
      }
      %mul3A_514 = arith.constant 128 : i32
      %mul3A_515 = arith.muli %scan3A_220, %mul3A_514 : i32
      %add3A_516 = arith.constant 0 : i32
      %add3A_517 = arith.addi %mul3A_515, %add3A_516 : i32
      %add3A_518 = arith.constant 0 : i32
      %add3A_519 = arith.addi %add3A_517, %add3A_518 : i32
      %get3A_520 = arith.index_cast %add3A_519 : i32 to index
      %get3A_521 = tpu.vector_load %arg5[%get3A_520] {strides = array<i32>} : memref<2048xi32, #tpu.memory_space<vmem>>, vector<16xi32>,
      %lt3A_522 = arith.constant 2000 : i32
      %lt3A_523 = vector.broadcast %lt3A_522 : i32 to vector<16xi32>
      %lt3A_524 = arith.cmpi slt, %get3A_521, %lt3A_523 : vector<16xi32>
      %add3A_525 = arith.constant 0 : i32
      %add3A_526 = vector.broadcast %add3A_525 : i32 to vector<16xi32>
      %add3A_527 = arith.addi %iota3A, %add3A_526 : vector<16xi32>
      %jit3A_528 = arith.constant 64 : i32
      %broadcast_in_dim3A_529 = vector.broadcast %jit3A_528 : i32 to vector<16xi32>
      %select_n3A_530 = arith.select %lt3A_524, %add3A_527, %broadcast_in_dim3A_529 : vector<16xi1>, vector<16xi32>
      %mul3A_531 = arith.constant 128 : i32
      %mul3A_532 = arith.muli %scan3A_220, %mul3A_531 : i32
      %add3A_533 = arith.constant 0 : i32
      %add3A_534 = arith.addi %mul3A_532, %add3A_533 : i32
      %add3A_535 = arith.constant 16 : i32
      %add3A_536 = arith.addi %add3A_534, %add3A_535 : i32
      %get3A_537 = arith.index_cast %add3A_536 : i32 to index
      %get3A_538 = tpu.vector_load %arg5[%get3A_537] {strides = array<i32>} : memref<2048xi32, #tpu.memory_space<vmem>>, vector<16xi32>,
      %lt3A_539 = arith.constant 2000 : i32
      %lt3A_540 = vector.broadcast %lt3A_539 : i32 to vector<16xi32>
      %lt3A_541 = arith.cmpi slt, %get3A_538, %lt3A_540 : vector<16xi32>
      %add3A_542 = arith.constant 16 : i32
      %add3A_543 = vector.broadcast %add3A_542 : i32 to vector<16xi32>
      %add3A_544 = arith.addi %iota3A, %add3A_543 : vector<16xi32>
      %jit3A_545 = arith.constant 64 : i32
      %broadcast_in_dim3A_546 = vector.broadcast %jit3A_545 : i32 to vector<16xi32>
      %select_n3A_547 = arith.select %lt3A_541, %add3A_544, %broadcast_in_dim3A_546 : vector<16xi1>, vector<16xi32>
      %broadcast_in_dim3A_548 = arith.constant 1 : i32
      %broadcast_in_dim3A_549 = vector.broadcast %broadcast_in_dim3A_548 : i32 to vector<16xi32>
      %broadcast_in_dim3A_550 = arith.constant 0 : i32
      %broadcast_in_dim3A_551 = vector.broadcast %broadcast_in_dim3A_550 : i32 to vector<16xi32>
      %broadcast_in_dim3A_552 = arith.constant 128 : i32
      %broadcast_in_dim3A_553 = vector.broadcast %broadcast_in_dim3A_552 : i32 to vector<16xi32>
      %broadcast_in_dim3A_554 = arith.constant 256 : i32
      %broadcast_in_dim3A_555 = vector.broadcast %broadcast_in_dim3A_554 : i32 to vector<16xi32>
      %broadcast_in_dim3A_556 = arith.constant 384 : i32
      %broadcast_in_dim3A_557 = vector.broadcast %broadcast_in_dim3A_556 : i32 to vector<16xi32>
      %parallel_loop3A = arith.constant 0 : i32
      %parallel_loop3A_558 = arith.constant 128 : i32
      %parallel_loop3A_559 = arith.constant 1 : i32
      %parallel_loop3A_560:4 = scf.for %parallel_loop3A_874 = %parallel_loop3A to %parallel_loop3A_558 step %parallel_loop3A_559 iter_args(%parallel_loop3A_875 = %broadcast_in_dim3A_551, %parallel_loop3A_876 = %broadcast_in_dim3A_553, %parallel_loop3A_877 = %broadcast_in_dim3A_555, %parallel_loop3A_878 = %broadcast_in_dim3A_557) -> (vector<16xi32>, vector<16xi32>, vector<16xi32>, vector<16xi32>)  : i32 {
        %parallel_loop3A_879 = tpu.vector_load_idx %arg8[%select_n3A_530, %parallel_loop3A_875] : memref<65x512xf32, #tpu.memory_space<vmem>>[vector<16xi32>, vector<16xi32>], vector<16xf32>,
        %parallel_loop3A_880 = arith.index_cast %parallel_loop3A_874 : i32 to index
        %parallel_loop3A_881 = arith.constant 0 : index
        %parallel_loop3A_882 = tpu.vector_load %arg9[%parallel_loop3A_880, %parallel_loop3A_881] {strides = array<i32>} : memref<128x512xf32, #tpu.memory_space<vmem>>, vector<16xf32>,
        tpu.vector_store %arg9[%parallel_loop3A_880, %parallel_loop3A_881], %parallel_loop3A_879 {strides = array<i32>} : memref<128x512xf32, #tpu.memory_space<vmem>>, vector<16xf32>,
        %parallel_loop3A_883 = tpu.vector_load_idx %arg8[%select_n3A_547, %parallel_loop3A_875] : memref<65x512xf32, #tpu.memory_space<vmem>>[vector<16xi32>, vector<16xi32>], vector<16xf32>,
        %parallel_loop3A_884 = arith.index_cast %parallel_loop3A_874 : i32 to index
        %parallel_loop3A_885 = arith.constant 16 : index
        %parallel_loop3A_886 = tpu.vector_load %arg9[%parallel_loop3A_884, %parallel_loop3A_885] {strides = array<i32>} : memref<128x512xf32, #tpu.memory_space<vmem>>, vector<16xf32>,
        tpu.vector_store %arg9[%parallel_loop3A_884, %parallel_loop3A_885], %parallel_loop3A_883 {strides = array<i32>} : memref<128x512xf32, #tpu.memory_space<vmem>>, vector<16xf32>,
        %parallel_loop3A_887 = tpu.vector_load_idx %arg8[%select_n3A_530, %parallel_loop3A_876] : memref<65x512xf32, #tpu.memory_space<vmem>>[vector<16xi32>, vector<16xi32>], vector<16xf32>,
        %parallel_loop3A_888 = arith.index_cast %parallel_loop3A_874 : i32 to index
        %parallel_loop3A_889 = arith.constant 128 : index
        %parallel_loop3A_890 = tpu.vector_load %arg9[%parallel_loop3A_888, %parallel_loop3A_889] {strides = array<i32>} : memref<128x512xf32, #tpu.memory_space<vmem>>, vector<16xf32>,
        tpu.vector_store %arg9[%parallel_loop3A_888, %parallel_loop3A_889], %parallel_loop3A_887 {strides = array<i32>} : memref<128x512xf32, #tpu.memory_space<vmem>>, vector<16xf32>,
        %parallel_loop3A_891 = tpu.vector_load_idx %arg8[%select_n3A_547, %parallel_loop3A_876] : memref<65x512xf32, #tpu.memory_space<vmem>>[vector<16xi32>, vector<16xi32>], vector<16xf32>,
        %parallel_loop3A_892 = arith.index_cast %parallel_loop3A_874 : i32 to index
        %parallel_loop3A_893 = arith.constant 144 : index
        %parallel_loop3A_894 = tpu.vector_load %arg9[%parallel_loop3A_892, %parallel_loop3A_893] {strides = array<i32>} : memref<128x512xf32, #tpu.memory_space<vmem>>, vector<16xf32>,
        tpu.vector_store %arg9[%parallel_loop3A_892, %parallel_loop3A_893], %parallel_loop3A_891 {strides = array<i32>} : memref<128x512xf32, #tpu.memory_space<vmem>>, vector<16xf32>,
        %parallel_loop3A_895 = tpu.vector_load_idx %arg8[%select_n3A_530, %parallel_loop3A_877] : memref<65x512xf32, #tpu.memory_space<vmem>>[vector<16xi32>, vector<16xi32>], vector<16xf32>,
        %parallel_loop3A_896 = arith.index_cast %parallel_loop3A_874 : i32 to index
        %parallel_loop3A_897 = arith.constant 256 : index
        %parallel_loop3A_898 = tpu.vector_load %arg9[%parallel_loop3A_896, %parallel_loop3A_897] {strides = array<i32>} : memref<128x512xf32, #tpu.memory_space<vmem>>, vector<16xf32>,
        tpu.vector_store %arg9[%parallel_loop3A_896, %parallel_loop3A_897], %parallel_loop3A_895 {strides = array<i32>} : memref<128x512xf32, #tpu.memory_space<vmem>>, vector<16xf32>,
        %parallel_loop3A_899 = tpu.vector_load_idx %arg8[%select_n3A_547, %parallel_loop3A_877] : memref<65x512xf32, #tpu.memory_space<vmem>>[vector<16xi32>, vector<16xi32>], vector<16xf32>,
        %parallel_loop3A_900 = arith.index_cast %parallel_loop3A_874 : i32 to index
        %parallel_loop3A_901 = arith.constant 272 : index
        %parallel_loop3A_902 = tpu.vector_load %arg9[%parallel_loop3A_900, %parallel_loop3A_901] {strides = array<i32>} : memref<128x512xf32, #tpu.memory_space<vmem>>, vector<16xf32>,
        tpu.vector_store %arg9[%parallel_loop3A_900, %parallel_loop3A_901], %parallel_loop3A_899 {strides = array<i32>} : memref<128x512xf32, #tpu.memory_space<vmem>>, vector<16xf32>,
        %parallel_loop3A_903 = tpu.vector_load_idx %arg8[%select_n3A_530, %parallel_loop3A_878] : memref<65x512xf32, #tpu.memory_space<vmem>>[vector<16xi32>, vector<16xi32>], vector<16xf32>,
        %parallel_loop3A_904 = arith.index_cast %parallel_loop3A_874 : i32 to index
        %parallel_loop3A_905 = arith.constant 384 : index
        %parallel_loop3A_906 = tpu.vector_load %arg9[%parallel_loop3A_904, %parallel_loop3A_905] {strides = array<i32>} : memref<128x512xf32, #tpu.memory_space<vmem>>, vector<16xf32>,
        tpu.vector_store %arg9[%parallel_loop3A_904, %parallel_loop3A_905], %parallel_loop3A_903 {strides = array<i32>} : memref<128x512xf32, #tpu.memory_space<vmem>>, vector<16xf32>,
        %parallel_loop3A_907 = tpu.vector_load_idx %arg8[%select_n3A_547, %parallel_loop3A_878] : memref<65x512xf32, #tpu.memory_space<vmem>>[vector<16xi32>, vector<16xi32>], vector<16xf32>,
        %parallel_loop3A_908 = arith.index_cast %parallel_loop3A_874 : i32 to index
        %parallel_loop3A_909 = arith.constant 400 : index
        %parallel_loop3A_910 = tpu.vector_load %arg9[%parallel_loop3A_908, %parallel_loop3A_909] {strides = array<i32>} : memref<128x512xf32, #tpu.memory_space<vmem>>, vector<16xf32>,
        tpu.vector_store %arg9[%parallel_loop3A_908, %parallel_loop3A_909], %parallel_loop3A_907 {strides = array<i32>} : memref<128x512xf32, #tpu.memory_space<vmem>>, vector<16xf32>,
        %parallel_loop3A_911 = arith.addi %parallel_loop3A_875, %broadcast_in_dim3A_549 : vector<16xi32>
        %parallel_loop3A_912 = arith.addi %parallel_loop3A_876, %broadcast_in_dim3A_549 : vector<16xi32>
        %parallel_loop3A_913 = arith.addi %parallel_loop3A_877, %broadcast_in_dim3A_549 : vector<16xi32>
        %parallel_loop3A_914 = arith.addi %parallel_loop3A_878, %broadcast_in_dim3A_549 : vector<16xi32>
        scf.yield %parallel_loop3A_911, %parallel_loop3A_912, %parallel_loop3A_913, %parallel_loop3A_914 : vector<16xi32>, vector<16xi32>, vector<16xi32>, vector<16xi32>
      } {sc.loop_unroll_factor = 8 : i64, sc.parallel_access}
      %mul3A_561 = arith.constant 128 : i32
      %mul3A_562 = arith.muli %scan3A_220, %mul3A_561 : i32
      %add3A_563 = arith.constant 64 : i32
      %add3A_564 = arith.addi %mul3A_562, %add3A_563 : i32
      %add3A_565 = arith.constant 0 : i32
      %add3A_566 = arith.addi %add3A_564, %add3A_565 : i32
      %get3A_567 = arith.index_cast %add3A_566 : i32 to index
      %get3A_568 = tpu.vector_load %arg5[%get3A_567] {strides = array<i32>} : memref<2048xi32, #tpu.memory_space<vmem>>, vector<16xi32>,
      %min3A_569 = arith.constant 1999 : i32
      %min3A_570 = vector.broadcast %min3A_569 : i32 to vector<16xi32>
      %min3A_571 = arith.minsi %get3A_568, %min3A_570 : vector<16xi32>
      %mul3A_572 = arith.constant 32 : i32
      %mul3A_573 = vector.broadcast %mul3A_572 : i32 to vector<16xi32>
      %mul3A_574 = arith.muli %min3A_571, %mul3A_573 : vector<16xi32>
      %mul3A_575 = arith.constant 4 : i32
      %mul3A_576 = arith.muli %select_n3A, %mul3A_575 : i32
      %add3A_577 = arith.addi %mul3A_576, %select_n3A_30 : i32
      %add3A_578 = vector.broadcast %add3A_577 : i32 to vector<16xi32>
      %add3A_579 = arith.addi %mul3A_574, %add3A_578 : vector<16xi32>
      %swap3A_580 = arith.constant 2 : i32
      %swap3A_581 = arith.index_cast %swap3A_580 : i32 to index
      %swap3A_582 = arith.constant 0 : index
      %swap3A_583 = tpu.vector_load %arg6[%swap3A_581, %swap3A_582] {strides = array<i32>} : memref<4x32xi32, #tpu.memory_space<vmem>>, vector<16xi32>,
      tpu.vector_store %arg6[%swap3A_581, %swap3A_582], %add3A_579 {strides = array<i32>} : memref<4x32xi32, #tpu.memory_space<vmem>>, vector<16xi32>,
      %mul3A_584 = arith.constant 128 : i32
      %mul3A_585 = arith.muli %scan3A_220, %mul3A_584 : i32
      %add3A_586 = arith.constant 64 : i32
      %add3A_587 = arith.addi %mul3A_585, %add3A_586 : i32
      %add3A_588 = arith.constant 16 : i32
      %add3A_589 = arith.addi %add3A_587, %add3A_588 : i32
      %get3A_590 = arith.index_cast %add3A_589 : i32 to index
      %get3A_591 = tpu.vector_load %arg5[%get3A_590] {strides = array<i32>} : memref<2048xi32, #tpu.memory_space<vmem>>, vector<16xi32>,
      %min3A_592 = arith.constant 1999 : i32
      %min3A_593 = vector.broadcast %min3A_592 : i32 to vector<16xi32>
      %min3A_594 = arith.minsi %get3A_591, %min3A_593 : vector<16xi32>
      %mul3A_595 = arith.constant 32 : i32
      %mul3A_596 = vector.broadcast %mul3A_595 : i32 to vector<16xi32>
      %mul3A_597 = arith.muli %min3A_594, %mul3A_596 : vector<16xi32>
      %mul3A_598 = arith.constant 4 : i32
      %mul3A_599 = arith.muli %select_n3A, %mul3A_598 : i32
      %add3A_600 = arith.addi %mul3A_599, %select_n3A_30 : i32
      %add3A_601 = vector.broadcast %add3A_600 : i32 to vector<16xi32>
      %add3A_602 = arith.addi %mul3A_597, %add3A_601 : vector<16xi32>
      %swap3A_603 = arith.constant 2 : i32
      %swap3A_604 = arith.index_cast %swap3A_603 : i32 to index
      %swap3A_605 = arith.constant 16 : index
      %swap3A_606 = tpu.vector_load %arg6[%swap3A_604, %swap3A_605] {strides = array<i32>} : memref<4x32xi32, #tpu.memory_space<vmem>>, vector<16xi32>,
      tpu.vector_store %arg6[%swap3A_604, %swap3A_605], %add3A_602 {strides = array<i32>} : memref<4x32xi32, #tpu.memory_space<vmem>>, vector<16xi32>,
      %dma_start3A_607 = arith.constant 2 : i32
      %dma_start3A_608 = arith.constant 0 : i32
      %dma_start3A_609 = arith.constant 0 : i32
      %dma_start3A_610 = tpu.memref_slice %arg8[%dma_start3A_608, %dma_start3A_609] : memref<65x512xf32, #tpu.memory_space<vmem>> -> memref<32x512xf32, #tpu.memory_space<vmem>>
      %dma_start3A_611 = arith.constant 0 : i32
      %dma_start3A_612 = tpu.memref_slice %arg6[%dma_start3A_607, %dma_start3A_611] : memref<4x32xi32, #tpu.memory_space<vmem>> -> memref<1x32xi32, #tpu.memory_space<vmem>>
      %dma_start3A_613 = tpu.memref_squeeze %dma_start3A_612 : memref<1x32xi32, #tpu.memory_space<vmem>> -> memref<32xi32, #tpu.memory_space<vmem>>
      %dma_start3A_614 = arith.constant 0 : i32
      %dma_start3A_615 = arith.constant 0 : i32
      %dma_start3A_616 = tpu.memref_slice %arg2[%dma_start3A_614, %dma_start3A_615] : memref<64000x512xf32, #tpu.memory_space<hbm>> -> memref<64000x512xf32, #tpu.memory_space<hbm>>
      tpu.enqueue_indirect_dma source(%dma_start3A_616 : memref<64000x512xf32, #tpu.memory_space<hbm>>) target(%dma_start3A_610 : memref<32x512xf32, #tpu.memory_space<vmem>>) offsets(%dma_start3A_613 : memref<32xi32, #tpu.memory_space<vmem>>) semaphore(%arg10 : memref<!tpu.dma_semaphore, #tpu.memory_space<semaphore_mem>>)
      %dma_wait3A_617 = arith.constant 1 : i32
      %dma_wait3A_618 = arith.constant 32 : i32
      %dma_wait3A_619 = arith.constant 0 : i32
      %dma_wait3A_620 = tpu.memref_slice %arg8[%dma_wait3A_618, %dma_wait3A_619] : memref<65x512xf32, #tpu.memory_space<vmem>> -> memref<32x512xf32, #tpu.memory_space<vmem>>
      %dma_wait3A_621 = arith.constant 0 : i32
      %dma_wait3A_622 = tpu.memref_slice %arg6[%dma_wait3A_617, %dma_wait3A_621] : memref<4x32xi32, #tpu.memory_space<vmem>> -> memref<1x32xi32, #tpu.memory_space<vmem>>
      %dma_wait3A_623 = tpu.memref_squeeze %dma_wait3A_622 : memref<1x32xi32, #tpu.memory_space<vmem>> -> memref<32xi32, #tpu.memory_space<vmem>>
      %dma_wait3A_624 = arith.constant 0 : i32
      %dma_wait3A_625 = arith.constant 0 : i32
      %dma_wait3A_626 = tpu.memref_slice %arg2[%dma_wait3A_624, %dma_wait3A_625] : memref<64000x512xf32, #tpu.memory_space<hbm>> -> memref<64000x512xf32, #tpu.memory_space<hbm>>
      tpu.wait_indirect_dma semaphore(%arg11 : memref<!tpu.dma_semaphore, #tpu.memory_space<semaphore_mem>>) src(%dma_wait3A_626 : memref<64000x512xf32, #tpu.memory_space<hbm>>) dst(%dma_wait3A_620 : memref<32x512xf32, #tpu.memory_space<vmem>>)
      %mul3A_627 = arith.constant 128 : i32
      %mul3A_628 = arith.muli %scan3A_220, %mul3A_627 : i32
      %add3A_629 = arith.constant 32 : i32
      %add3A_630 = arith.addi %mul3A_628, %add3A_629 : i32
      %add3A_631 = arith.constant 0 : i32
      %add3A_632 = arith.addi %add3A_630, %add3A_631 : i32
      %get3A_633 = arith.index_cast %add3A_632 : i32 to index
      %get3A_634 = tpu.vector_load %arg5[%get3A_633] {strides = array<i32>} : memref<2048xi32, #tpu.memory_space<vmem>>, vector<16xi32>,
      %lt3A_635 = arith.constant 2000 : i32
      %lt3A_636 = vector.broadcast %lt3A_635 : i32 to vector<16xi32>
      %lt3A_637 = arith.cmpi slt, %get3A_634, %lt3A_636 : vector<16xi32>
      %add3A_638 = arith.constant 32 : i32
      %add3A_639 = vector.broadcast %add3A_638 : i32 to vector<16xi32>
      %add3A_640 = arith.addi %iota3A, %add3A_639 : vector<16xi32>
      %jit3A_641 = arith.constant 64 : i32
      %broadcast_in_dim3A_642 = vector.broadcast %jit3A_641 : i32 to vector<16xi32>
      %select_n3A_643 = arith.select %lt3A_637, %add3A_640, %broadcast_in_dim3A_642 : vector<16xi1>, vector<16xi32>
      %mul3A_644 = arith.constant 128 : i32
      %mul3A_645 = arith.muli %scan3A_220, %mul3A_644 : i32
      %add3A_646 = arith.constant 32 : i32
      %add3A_647 = arith.addi %mul3A_645, %add3A_646 : i32
      %add3A_648 = arith.constant 16 : i32
      %add3A_649 = arith.addi %add3A_647, %add3A_648 : i32
      %get3A_650 = arith.index_cast %add3A_649 : i32 to index
      %get3A_651 = tpu.vector_load %arg5[%get3A_650] {strides = array<i32>} : memref<2048xi32, #tpu.memory_space<vmem>>, vector<16xi32>,
      %lt3A_652 = arith.constant 2000 : i32
      %lt3A_653 = vector.broadcast %lt3A_652 : i32 to vector<16xi32>
      %lt3A_654 = arith.cmpi slt, %get3A_651, %lt3A_653 : vector<16xi32>
      %add3A_655 = arith.constant 48 : i32
      %add3A_656 = vector.broadcast %add3A_655 : i32 to vector<16xi32>
      %add3A_657 = arith.addi %iota3A, %add3A_656 : vector<16xi32>
      %jit3A_658 = arith.constant 64 : i32
      %broadcast_in_dim3A_659 = vector.broadcast %jit3A_658 : i32 to vector<16xi32>
      %select_n3A_660 = arith.select %lt3A_654, %add3A_657, %broadcast_in_dim3A_659 : vector<16xi1>, vector<16xi32>
      %broadcast_in_dim3A_661 = arith.constant 1 : i32
      %broadcast_in_dim3A_662 = vector.broadcast %broadcast_in_dim3A_661 : i32 to vector<16xi32>
      %broadcast_in_dim3A_663 = arith.constant 0 : i32
      %broadcast_in_dim3A_664 = vector.broadcast %broadcast_in_dim3A_663 : i32 to vector<16xi32>
      %broadcast_in_dim3A_665 = arith.constant 128 : i32
      %broadcast_in_dim3A_666 = vector.broadcast %broadcast_in_dim3A_665 : i32 to vector<16xi32>
      %broadcast_in_dim3A_667 = arith.constant 256 : i32
      %broadcast_in_dim3A_668 = vector.broadcast %broadcast_in_dim3A_667 : i32 to vector<16xi32>
      %broadcast_in_dim3A_669 = arith.constant 384 : i32
      %broadcast_in_dim3A_670 = vector.broadcast %broadcast_in_dim3A_669 : i32 to vector<16xi32>
      %parallel_loop3A_671 = arith.constant 0 : i32
      %parallel_loop3A_672 = arith.constant 128 : i32
      %parallel_loop3A_673 = arith.constant 1 : i32
      %parallel_loop3A_674:4 = scf.for %parallel_loop3A_874 = %parallel_loop3A_671 to %parallel_loop3A_672 step %parallel_loop3A_673 iter_args(%parallel_loop3A_875 = %broadcast_in_dim3A_664, %parallel_loop3A_876 = %broadcast_in_dim3A_666, %parallel_loop3A_877 = %broadcast_in_dim3A_668, %parallel_loop3A_878 = %broadcast_in_dim3A_670) -> (vector<16xi32>, vector<16xi32>, vector<16xi32>, vector<16xi32>)  : i32 {
        %parallel_loop3A_879 = tpu.vector_load_idx %arg8[%select_n3A_643, %parallel_loop3A_875] : memref<65x512xf32, #tpu.memory_space<vmem>>[vector<16xi32>, vector<16xi32>], vector<16xf32>,
        %parallel_loop3A_880 = arith.index_cast %parallel_loop3A_874 : i32 to index
        %parallel_loop3A_881 = arith.constant 32 : index
        %parallel_loop3A_882 = tpu.vector_load %arg9[%parallel_loop3A_880, %parallel_loop3A_881] {strides = array<i32>} : memref<128x512xf32, #tpu.memory_space<vmem>>, vector<16xf32>,
        tpu.vector_store %arg9[%parallel_loop3A_880, %parallel_loop3A_881], %parallel_loop3A_879 {strides = array<i32>} : memref<128x512xf32, #tpu.memory_space<vmem>>, vector<16xf32>,
        %parallel_loop3A_883 = tpu.vector_load_idx %arg8[%select_n3A_660, %parallel_loop3A_875] : memref<65x512xf32, #tpu.memory_space<vmem>>[vector<16xi32>, vector<16xi32>], vector<16xf32>,
        %parallel_loop3A_884 = arith.index_cast %parallel_loop3A_874 : i32 to index
        %parallel_loop3A_885 = arith.constant 48 : index
        %parallel_loop3A_886 = tpu.vector_load %arg9[%parallel_loop3A_884, %parallel_loop3A_885] {strides = array<i32>} : memref<128x512xf32, #tpu.memory_space<vmem>>, vector<16xf32>,
        tpu.vector_store %arg9[%parallel_loop3A_884, %parallel_loop3A_885], %parallel_loop3A_883 {strides = array<i32>} : memref<128x512xf32, #tpu.memory_space<vmem>>, vector<16xf32>,
        %parallel_loop3A_887 = tpu.vector_load_idx %arg8[%select_n3A_643, %parallel_loop3A_876] : memref<65x512xf32, #tpu.memory_space<vmem>>[vector<16xi32>, vector<16xi32>], vector<16xf32>,
        %parallel_loop3A_888 = arith.index_cast %parallel_loop3A_874 : i32 to index
        %parallel_loop3A_889 = arith.constant 160 : index
        %parallel_loop3A_890 = tpu.vector_load %arg9[%parallel_loop3A_888, %parallel_loop3A_889] {strides = array<i32>} : memref<128x512xf32, #tpu.memory_space<vmem>>, vector<16xf32>,
        tpu.vector_store %arg9[%parallel_loop3A_888, %parallel_loop3A_889], %parallel_loop3A_887 {strides = array<i32>} : memref<128x512xf32, #tpu.memory_space<vmem>>, vector<16xf32>,
        %parallel_loop3A_891 = tpu.vector_load_idx %arg8[%select_n3A_660, %parallel_loop3A_876] : memref<65x512xf32, #tpu.memory_space<vmem>>[vector<16xi32>, vector<16xi32>], vector<16xf32>,
        %parallel_loop3A_892 = arith.index_cast %parallel_loop3A_874 : i32 to index
        %parallel_loop3A_893 = arith.constant 176 : index
        %parallel_loop3A_894 = tpu.vector_load %arg9[%parallel_loop3A_892, %parallel_loop3A_893] {strides = array<i32>} : memref<128x512xf32, #tpu.memory_space<vmem>>, vector<16xf32>,
        tpu.vector_store %arg9[%parallel_loop3A_892, %parallel_loop3A_893], %parallel_loop3A_891 {strides = array<i32>} : memref<128x512xf32, #tpu.memory_space<vmem>>, vector<16xf32>,
        %parallel_loop3A_895 = tpu.vector_load_idx %arg8[%select_n3A_643, %parallel_loop3A_877] : memref<65x512xf32, #tpu.memory_space<vmem>>[vector<16xi32>, vector<16xi32>], vector<16xf32>,
        %parallel_loop3A_896 = arith.index_cast %parallel_loop3A_874 : i32 to index
        %parallel_loop3A_897 = arith.constant 288 : index
        %parallel_loop3A_898 = tpu.vector_load %arg9[%parallel_loop3A_896, %parallel_loop3A_897] {strides = array<i32>} : memref<128x512xf32, #tpu.memory_space<vmem>>, vector<16xf32>,
        tpu.vector_store %arg9[%parallel_loop3A_896, %parallel_loop3A_897], %parallel_loop3A_895 {strides = array<i32>} : memref<128x512xf32, #tpu.memory_space<vmem>>, vector<16xf32>,
        %parallel_loop3A_899 = tpu.vector_load_idx %arg8[%select_n3A_660, %parallel_loop3A_877] : memref<65x512xf32, #tpu.memory_space<vmem>>[vector<16xi32>, vector<16xi32>], vector<16xf32>,
        %parallel_loop3A_900 = arith.index_cast %parallel_loop3A_874 : i32 to index
        %parallel_loop3A_901 = arith.constant 304 : index
        %parallel_loop3A_902 = tpu.vector_load %arg9[%parallel_loop3A_900, %parallel_loop3A_901] {strides = array<i32>} : memref<128x512xf32, #tpu.memory_space<vmem>>, vector<16xf32>,
        tpu.vector_store %arg9[%parallel_loop3A_900, %parallel_loop3A_901], %parallel_loop3A_899 {strides = array<i32>} : memref<128x512xf32, #tpu.memory_space<vmem>>, vector<16xf32>,
        %parallel_loop3A_903 = tpu.vector_load_idx %arg8[%select_n3A_643, %parallel_loop3A_878] : memref<65x512xf32, #tpu.memory_space<vmem>>[vector<16xi32>, vector<16xi32>], vector<16xf32>,
        %parallel_loop3A_904 = arith.index_cast %parallel_loop3A_874 : i32 to index
        %parallel_loop3A_905 = arith.constant 416 : index
        %parallel_loop3A_906 = tpu.vector_load %arg9[%parallel_loop3A_904, %parallel_loop3A_905] {strides = array<i32>} : memref<128x512xf32, #tpu.memory_space<vmem>>, vector<16xf32>,
        tpu.vector_store %arg9[%parallel_loop3A_904, %parallel_loop3A_905], %parallel_loop3A_903 {strides = array<i32>} : memref<128x512xf32, #tpu.memory_space<vmem>>, vector<16xf32>,
        %parallel_loop3A_907 = tpu.vector_load_idx %arg8[%select_n3A_660, %parallel_loop3A_878] : memref<65x512xf32, #tpu.memory_space<vmem>>[vector<16xi32>, vector<16xi32>], vector<16xf32>,
        %parallel_loop3A_908 = arith.index_cast %parallel_loop3A_874 : i32 to index
        %parallel_loop3A_909 = arith.constant 432 : index
        %parallel_loop3A_910 = tpu.vector_load %arg9[%parallel_loop3A_908, %parallel_loop3A_909] {strides = array<i32>} : memref<128x512xf32, #tpu.memory_space<vmem>>, vector<16xf32>,
        tpu.vector_store %arg9[%parallel_loop3A_908, %parallel_loop3A_909], %parallel_loop3A_907 {strides = array<i32>} : memref<128x512xf32, #tpu.memory_space<vmem>>, vector<16xf32>,
        %parallel_loop3A_911 = arith.addi %parallel_loop3A_875, %broadcast_in_dim3A_662 : vector<16xi32>
        %parallel_loop3A_912 = arith.addi %parallel_loop3A_876, %broadcast_in_dim3A_662 : vector<16xi32>
        %parallel_loop3A_913 = arith.addi %parallel_loop3A_877, %broadcast_in_dim3A_662 : vector<16xi32>
        %parallel_loop3A_914 = arith.addi %parallel_loop3A_878, %broadcast_in_dim3A_662 : vector<16xi32>
        scf.yield %parallel_loop3A_911, %parallel_loop3A_912, %parallel_loop3A_913, %parallel_loop3A_914 : vector<16xi32>, vector<16xi32>, vector<16xi32>, vector<16xi32>
      } {sc.loop_unroll_factor = 8 : i64, sc.parallel_access}
      %mul3A_675 = arith.constant 128 : i32
      %mul3A_676 = arith.muli %scan3A_220, %mul3A_675 : i32
      %add3A_677 = arith.constant 96 : i32
      %add3A_678 = arith.addi %mul3A_676, %add3A_677 : i32
      %add3A_679 = arith.constant 0 : i32
      %add3A_680 = arith.addi %add3A_678, %add3A_679 : i32
      %get3A_681 = arith.index_cast %add3A_680 : i32 to index
      %get3A_682 = tpu.vector_load %arg5[%get3A_681] {strides = array<i32>} : memref<2048xi32, #tpu.memory_space<vmem>>, vector<16xi32>,
      %min3A_683 = arith.constant 1999 : i32
      %min3A_684 = vector.broadcast %min3A_683 : i32 to vector<16xi32>
      %min3A_685 = arith.minsi %get3A_682, %min3A_684 : vector<16xi32>
      %mul3A_686 = arith.constant 32 : i32
      %mul3A_687 = vector.broadcast %mul3A_686 : i32 to vector<16xi32>
      %mul3A_688 = arith.muli %min3A_685, %mul3A_687 : vector<16xi32>
      %mul3A_689 = arith.constant 4 : i32
      %mul3A_690 = arith.muli %select_n3A, %mul3A_689 : i32
      %add3A_691 = arith.addi %mul3A_690, %select_n3A_30 : i32
      %add3A_692 = vector.broadcast %add3A_691 : i32 to vector<16xi32>
      %add3A_693 = arith.addi %mul3A_688, %add3A_692 : vector<16xi32>
      %swap3A_694 = arith.constant 3 : i32
      %swap3A_695 = arith.index_cast %swap3A_694 : i32 to index
      %swap3A_696 = arith.constant 0 : index
      %swap3A_697 = tpu.vector_load %arg6[%swap3A_695, %swap3A_696] {strides = array<i32>} : memref<4x32xi32, #tpu.memory_space<vmem>>, vector<16xi32>,
      tpu.vector_store %arg6[%swap3A_695, %swap3A_696], %add3A_693 {strides = array<i32>} : memref<4x32xi32, #tpu.memory_space<vmem>>, vector<16xi32>,
      %mul3A_698 = arith.constant 128 : i32
      %mul3A_699 = arith.muli %scan3A_220, %mul3A_698 : i32
      %add3A_700 = arith.constant 96 : i32
      %add3A_701 = arith.addi %mul3A_699, %add3A_700 : i32
      %add3A_702 = arith.constant 16 : i32
      %add3A_703 = arith.addi %add3A_701, %add3A_702 : i32
      %get3A_704 = arith.index_cast %add3A_703 : i32 to index
      %get3A_705 = tpu.vector_load %arg5[%get3A_704] {strides = array<i32>} : memref<2048xi32, #tpu.memory_space<vmem>>, vector<16xi32>,
      %min3A_706 = arith.constant 1999 : i32
      %min3A_707 = vector.broadcast %min3A_706 : i32 to vector<16xi32>
      %min3A_708 = arith.minsi %get3A_705, %min3A_707 : vector<16xi32>
      %mul3A_709 = arith.constant 32 : i32
      %mul3A_710 = vector.broadcast %mul3A_709 : i32 to vector<16xi32>
      %mul3A_711 = arith.muli %min3A_708, %mul3A_710 : vector<16xi32>
      %mul3A_712 = arith.constant 4 : i32
      %mul3A_713 = arith.muli %select_n3A, %mul3A_712 : i32
      %add3A_714 = arith.addi %mul3A_713, %select_n3A_30 : i32
      %add3A_715 = vector.broadcast %add3A_714 : i32 to vector<16xi32>
      %add3A_716 = arith.addi %mul3A_711, %add3A_715 : vector<16xi32>
      %swap3A_717 = arith.constant 3 : i32
      %swap3A_718 = arith.index_cast %swap3A_717 : i32 to index
      %swap3A_719 = arith.constant 16 : index
      %swap3A_720 = tpu.vector_load %arg6[%swap3A_718, %swap3A_719] {strides = array<i32>} : memref<4x32xi32, #tpu.memory_space<vmem>>, vector<16xi32>,
      tpu.vector_store %arg6[%swap3A_718, %swap3A_719], %add3A_716 {strides = array<i32>} : memref<4x32xi32, #tpu.memory_space<vmem>>, vector<16xi32>,
      %dma_start3A_721 = arith.constant 3 : i32
      %dma_start3A_722 = arith.constant 32 : i32
      %dma_start3A_723 = arith.constant 0 : i32
      %dma_start3A_724 = tpu.memref_slice %arg8[%dma_start3A_722, %dma_start3A_723] : memref<65x512xf32, #tpu.memory_space<vmem>> -> memref<32x512xf32, #tpu.memory_space<vmem>>
      %dma_start3A_725 = arith.constant 0 : i32
      %dma_start3A_726 = tpu.memref_slice %arg6[%dma_start3A_721, %dma_start3A_725] : memref<4x32xi32, #tpu.memory_space<vmem>> -> memref<1x32xi32, #tpu.memory_space<vmem>>
      %dma_start3A_727 = tpu.memref_squeeze %dma_start3A_726 : memref<1x32xi32, #tpu.memory_space<vmem>> -> memref<32xi32, #tpu.memory_space<vmem>>
      %dma_start3A_728 = arith.constant 0 : i32
      %dma_start3A_729 = arith.constant 0 : i32
      %dma_start3A_730 = tpu.memref_slice %arg2[%dma_start3A_728, %dma_start3A_729] : memref<64000x512xf32, #tpu.memory_space<hbm>> -> memref<64000x512xf32, #tpu.memory_space<hbm>>
      tpu.enqueue_indirect_dma source(%dma_start3A_730 : memref<64000x512xf32, #tpu.memory_space<hbm>>) target(%dma_start3A_724 : memref<32x512xf32, #tpu.memory_space<vmem>>) offsets(%dma_start3A_727 : memref<32xi32, #tpu.memory_space<vmem>>) semaphore(%arg11 : memref<!tpu.dma_semaphore, #tpu.memory_space<semaphore_mem>>)
      %dma_wait3A_731 = arith.constant 2 : i32
      %dma_wait3A_732 = arith.constant 0 : i32
      %dma_wait3A_733 = arith.constant 0 : i32
      %dma_wait3A_734 = tpu.memref_slice %arg8[%dma_wait3A_732, %dma_wait3A_733] : memref<65x512xf32, #tpu.memory_space<vmem>> -> memref<32x512xf32, #tpu.memory_space<vmem>>
      %dma_wait3A_735 = arith.constant 0 : i32
      %dma_wait3A_736 = tpu.memref_slice %arg6[%dma_wait3A_731, %dma_wait3A_735] : memref<4x32xi32, #tpu.memory_space<vmem>> -> memref<1x32xi32, #tpu.memory_space<vmem>>
      %dma_wait3A_737 = tpu.memref_squeeze %dma_wait3A_736 : memref<1x32xi32, #tpu.memory_space<vmem>> -> memref<32xi32, #tpu.memory_space<vmem>>
      %dma_wait3A_738 = arith.constant 0 : i32
      %dma_wait3A_739 = arith.constant 0 : i32
      %dma_wait3A_740 = tpu.memref_slice %arg2[%dma_wait3A_738, %dma_wait3A_739] : memref<64000x512xf32, #tpu.memory_space<hbm>> -> memref<64000x512xf32, #tpu.memory_space<hbm>>
      tpu.wait_indirect_dma semaphore(%arg10 : memref<!tpu.dma_semaphore, #tpu.memory_space<semaphore_mem>>) src(%dma_wait3A_740 : memref<64000x512xf32, #tpu.memory_space<hbm>>) dst(%dma_wait3A_734 : memref<32x512xf32, #tpu.memory_space<vmem>>)
      %mul3A_741 = arith.constant 128 : i32
      %mul3A_742 = arith.muli %scan3A_220, %mul3A_741 : i32
      %add3A_743 = arith.constant 64 : i32
      %add3A_744 = arith.addi %mul3A_742, %add3A_743 : i32
      %add3A_745 = arith.constant 0 : i32
      %add3A_746 = arith.addi %add3A_744, %add3A_745 : i32
      %get3A_747 = arith.index_cast %add3A_746 : i32 to index
      %get3A_748 = tpu.vector_load %arg5[%get3A_747] {strides = array<i32>} : memref<2048xi32, #tpu.memory_space<vmem>>, vector<16xi32>,
      %lt3A_749 = arith.constant 2000 : i32
      %lt3A_750 = vector.broadcast %lt3A_749 : i32 to vector<16xi32>
      %lt3A_751 = arith.cmpi slt, %get3A_748, %lt3A_750 : vector<16xi32>
      %add3A_752 = arith.constant 0 : i32
      %add3A_753 = vector.broadcast %add3A_752 : i32 to vector<16xi32>
      %add3A_754 = arith.addi %iota3A, %add3A_753 : vector<16xi32>
      %jit3A_755 = arith.constant 64 : i32
      %broadcast_in_dim3A_756 = vector.broadcast %jit3A_755 : i32 to vector<16xi32>
      %select_n3A_757 = arith.select %lt3A_751, %add3A_754, %broadcast_in_dim3A_756 : vector<16xi1>, vector<16xi32>
      %mul3A_758 = arith.constant 128 : i32
      %mul3A_759 = arith.muli %scan3A_220, %mul3A_758 : i32
      %add3A_760 = arith.constant 64 : i32
      %add3A_761 = arith.addi %mul3A_759, %add3A_760 : i32
      %add3A_762 = arith.constant 16 : i32
      %add3A_763 = arith.addi %add3A_761, %add3A_762 : i32
      %get3A_764 = arith.index_cast %add3A_763 : i32 to index
      %get3A_765 = tpu.vector_load %arg5[%get3A_764] {strides = array<i32>} : memref<2048xi32, #tpu.memory_space<vmem>>, vector<16xi32>,
      %lt3A_766 = arith.constant 2000 : i32
      %lt3A_767 = vector.broadcast %lt3A_766 : i32 to vector<16xi32>
      %lt3A_768 = arith.cmpi slt, %get3A_765, %lt3A_767 : vector<16xi32>
      %add3A_769 = arith.constant 16 : i32
      %add3A_770 = vector.broadcast %add3A_769 : i32 to vector<16xi32>
      %add3A_771 = arith.addi %iota3A, %add3A_770 : vector<16xi32>
      %jit3A_772 = arith.constant 64 : i32
      %broadcast_in_dim3A_773 = vector.broadcast %jit3A_772 : i32 to vector<16xi32>
      %select_n3A_774 = arith.select %lt3A_768, %add3A_771, %broadcast_in_dim3A_773 : vector<16xi1>, vector<16xi32>
      %broadcast_in_dim3A_775 = arith.constant 1 : i32
      %broadcast_in_dim3A_776 = vector.broadcast %broadcast_in_dim3A_775 : i32 to vector<16xi32>
      %broadcast_in_dim3A_777 = arith.constant 0 : i32
      %broadcast_in_dim3A_778 = vector.broadcast %broadcast_in_dim3A_777 : i32 to vector<16xi32>
      %broadcast_in_dim3A_779 = arith.constant 128 : i32
      %broadcast_in_dim3A_780 = vector.broadcast %broadcast_in_dim3A_779 : i32 to vector<16xi32>
      %broadcast_in_dim3A_781 = arith.constant 256 : i32
      %broadcast_in_dim3A_782 = vector.broadcast %broadcast_in_dim3A_781 : i32 to vector<16xi32>
      %broadcast_in_dim3A_783 = arith.constant 384 : i32
      %broadcast_in_dim3A_784 = vector.broadcast %broadcast_in_dim3A_783 : i32 to vector<16xi32>
      %parallel_loop3A_785 = arith.constant 0 : i32
      %parallel_loop3A_786 = arith.constant 128 : i32
      %parallel_loop3A_787 = arith.constant 1 : i32
      %parallel_loop3A_788:4 = scf.for %parallel_loop3A_874 = %parallel_loop3A_785 to %parallel_loop3A_786 step %parallel_loop3A_787 iter_args(%parallel_loop3A_875 = %broadcast_in_dim3A_778, %parallel_loop3A_876 = %broadcast_in_dim3A_780, %parallel_loop3A_877 = %broadcast_in_dim3A_782, %parallel_loop3A_878 = %broadcast_in_dim3A_784) -> (vector<16xi32>, vector<16xi32>, vector<16xi32>, vector<16xi32>)  : i32 {
        %parallel_loop3A_879 = tpu.vector_load_idx %arg8[%select_n3A_757, %parallel_loop3A_875] : memref<65x512xf32, #tpu.memory_space<vmem>>[vector<16xi32>, vector<16xi32>], vector<16xf32>,
        %parallel_loop3A_880 = arith.index_cast %parallel_loop3A_874 : i32 to index
        %parallel_loop3A_881 = arith.constant 64 : index
        %parallel_loop3A_882 = tpu.vector_load %arg9[%parallel_loop3A_880, %parallel_loop3A_881] {strides = array<i32>} : memref<128x512xf32, #tpu.memory_space<vmem>>, vector<16xf32>,
        tpu.vector_store %arg9[%parallel_loop3A_880, %parallel_loop3A_881], %parallel_loop3A_879 {strides = array<i32>} : memref<128x512xf32, #tpu.memory_space<vmem>>, vector<16xf32>,
        %parallel_loop3A_883 = tpu.vector_load_idx %arg8[%select_n3A_774, %parallel_loop3A_875] : memref<65x512xf32, #tpu.memory_space<vmem>>[vector<16xi32>, vector<16xi32>], vector<16xf32>,
        %parallel_loop3A_884 = arith.index_cast %parallel_loop3A_874 : i32 to index
        %parallel_loop3A_885 = arith.constant 80 : index
        %parallel_loop3A_886 = tpu.vector_load %arg9[%parallel_loop3A_884, %parallel_loop3A_885] {strides = array<i32>} : memref<128x512xf32, #tpu.memory_space<vmem>>, vector<16xf32>,
        tpu.vector_store %arg9[%parallel_loop3A_884, %parallel_loop3A_885], %parallel_loop3A_883 {strides = array<i32>} : memref<128x512xf32, #tpu.memory_space<vmem>>, vector<16xf32>,
        %parallel_loop3A_887 = tpu.vector_load_idx %arg8[%select_n3A_757, %parallel_loop3A_876] : memref<65x512xf32, #tpu.memory_space<vmem>>[vector<16xi32>, vector<16xi32>], vector<16xf32>,
        %parallel_loop3A_888 = arith.index_cast %parallel_loop3A_874 : i32 to index
        %parallel_loop3A_889 = arith.constant 192 : index
        %parallel_loop3A_890 = tpu.vector_load %arg9[%parallel_loop3A_888, %parallel_loop3A_889] {strides = array<i32>} : memref<128x512xf32, #tpu.memory_space<vmem>>, vector<16xf32>,
        tpu.vector_store %arg9[%parallel_loop3A_888, %parallel_loop3A_889], %parallel_loop3A_887 {strides = array<i32>} : memref<128x512xf32, #tpu.memory_space<vmem>>, vector<16xf32>,
        %parallel_loop3A_891 = tpu.vector_load_idx %arg8[%select_n3A_774, %parallel_loop3A_876] : memref<65x512xf32, #tpu.memory_space<vmem>>[vector<16xi32>, vector<16xi32>], vector<16xf32>,
        %parallel_loop3A_892 = arith.index_cast %parallel_loop3A_874 : i32 to index
        %parallel_loop3A_893 = arith.constant 208 : index
        %parallel_loop3A_894 = tpu.vector_load %arg9[%parallel_loop3A_892, %parallel_loop3A_893] {strides = array<i32>} : memref<128x512xf32, #tpu.memory_space<vmem>>, vector<16xf32>,
        tpu.vector_store %arg9[%parallel_loop3A_892, %parallel_loop3A_893], %parallel_loop3A_891 {strides = array<i32>} : memref<128x512xf32, #tpu.memory_space<vmem>>, vector<16xf32>,
        %parallel_loop3A_895 = tpu.vector_load_idx %arg8[%select_n3A_757, %parallel_loop3A_877] : memref<65x512xf32, #tpu.memory_space<vmem>>[vector<16xi32>, vector<16xi32>], vector<16xf32>,
        %parallel_loop3A_896 = arith.index_cast %parallel_loop3A_874 : i32 to index
        %parallel_loop3A_897 = arith.constant 320 : index
        %parallel_loop3A_898 = tpu.vector_load %arg9[%parallel_loop3A_896, %parallel_loop3A_897] {strides = array<i32>} : memref<128x512xf32, #tpu.memory_space<vmem>>, vector<16xf32>,
        tpu.vector_store %arg9[%parallel_loop3A_896, %parallel_loop3A_897], %parallel_loop3A_895 {strides = array<i32>} : memref<128x512xf32, #tpu.memory_space<vmem>>, vector<16xf32>,
        %parallel_loop3A_899 = tpu.vector_load_idx %arg8[%select_n3A_774, %parallel_loop3A_877] : memref<65x512xf32, #tpu.memory_space<vmem>>[vector<16xi32>, vector<16xi32>], vector<16xf32>,
        %parallel_loop3A_900 = arith.index_cast %parallel_loop3A_874 : i32 to index
        %parallel_loop3A_901 = arith.constant 336 : index
        %parallel_loop3A_902 = tpu.vector_load %arg9[%parallel_loop3A_900, %parallel_loop3A_901] {strides = array<i32>} : memref<128x512xf32, #tpu.memory_space<vmem>>, vector<16xf32>,
        tpu.vector_store %arg9[%parallel_loop3A_900, %parallel_loop3A_901], %parallel_loop3A_899 {strides = array<i32>} : memref<128x512xf32, #tpu.memory_space<vmem>>, vector<16xf32>,
        %parallel_loop3A_903 = tpu.vector_load_idx %arg8[%select_n3A_757, %parallel_loop3A_878] : memref<65x512xf32, #tpu.memory_space<vmem>>[vector<16xi32>, vector<16xi32>], vector<16xf32>,
        %parallel_loop3A_904 = arith.index_cast %parallel_loop3A_874 : i32 to index
        %parallel_loop3A_905 = arith.constant 448 : index
        %parallel_loop3A_906 = tpu.vector_load %arg9[%parallel_loop3A_904, %parallel_loop3A_905] {strides = array<i32>} : memref<128x512xf32, #tpu.memory_space<vmem>>, vector<16xf32>,
        tpu.vector_store %arg9[%parallel_loop3A_904, %parallel_loop3A_905], %parallel_loop3A_903 {strides = array<i32>} : memref<128x512xf32, #tpu.memory_space<vmem>>, vector<16xf32>,
        %parallel_loop3A_907 = tpu.vector_load_idx %arg8[%select_n3A_774, %parallel_loop3A_878] : memref<65x512xf32, #tpu.memory_space<vmem>>[vector<16xi32>, vector<16xi32>], vector<16xf32>,
        %parallel_loop3A_908 = arith.index_cast %parallel_loop3A_874 : i32 to index
        %parallel_loop3A_909 = arith.constant 464 : index
        %parallel_loop3A_910 = tpu.vector_load %arg9[%parallel_loop3A_908, %parallel_loop3A_909] {strides = array<i32>} : memref<128x512xf32, #tpu.memory_space<vmem>>, vector<16xf32>,
        tpu.vector_store %arg9[%parallel_loop3A_908, %parallel_loop3A_909], %parallel_loop3A_907 {strides = array<i32>} : memref<128x512xf32, #tpu.memory_space<vmem>>, vector<16xf32>,
        %parallel_loop3A_911 = arith.addi %parallel_loop3A_875, %broadcast_in_dim3A_776 : vector<16xi32>
        %parallel_loop3A_912 = arith.addi %parallel_loop3A_876, %broadcast_in_dim3A_776 : vector<16xi32>
        %parallel_loop3A_913 = arith.addi %parallel_loop3A_877, %broadcast_in_dim3A_776 : vector<16xi32>
        %parallel_loop3A_914 = arith.addi %parallel_loop3A_878, %broadcast_in_dim3A_776 : vector<16xi32>
        scf.yield %parallel_loop3A_911, %parallel_loop3A_912, %parallel_loop3A_913, %parallel_loop3A_914 : vector<16xi32>, vector<16xi32>, vector<16xi32>, vector<16xi32>
      } {sc.loop_unroll_factor = 8 : i64, sc.parallel_access}
      %ne3A_789 = arith.constant 15 : i32
      %ne3A_790 = arith.cmpi ne, %scan3A_220, %ne3A_789 : i32
      %convert_element_type3A_791 = arith.extui %ne3A_790 : i1 to i32
      %cond3A_792 = arith.constant 0 : i32
      %cond3A_793 = arith.cmpi ne, %convert_element_type3A_791, %cond3A_792 : i32
      scf.if %cond3A_793 {
        %add3A_874 = arith.constant 1 : i32
        %add3A_875 = arith.addi %scan3A_220, %add3A_874 : i32
        %mul3A_876 = arith.constant 128 : i32
        %mul3A_877 = arith.muli %add3A_875, %mul3A_876 : i32
        %add3A_878 = arith.constant 0 : i32
        %add3A_879 = arith.addi %mul3A_877, %add3A_878 : i32
        %add3A_880 = arith.constant 0 : i32
        %add3A_881 = arith.addi %add3A_879, %add3A_880 : i32
        %get3A_882 = arith.index_cast %add3A_881 : i32 to index
        %get3A_883 = tpu.vector_load %arg5[%get3A_882] {strides = array<i32>} : memref<2048xi32, #tpu.memory_space<vmem>>, vector<16xi32>,
        %min3A_884 = arith.constant 1999 : i32
        %min3A_885 = vector.broadcast %min3A_884 : i32 to vector<16xi32>
        %min3A_886 = arith.minsi %get3A_883, %min3A_885 : vector<16xi32>
        %mul3A_887 = arith.constant 32 : i32
        %mul3A_888 = vector.broadcast %mul3A_887 : i32 to vector<16xi32>
        %mul3A_889 = arith.muli %min3A_886, %mul3A_888 : vector<16xi32>
        %mul3A_890 = arith.constant 4 : i32
        %mul3A_891 = arith.muli %select_n3A, %mul3A_890 : i32
        %add3A_892 = arith.addi %mul3A_891, %select_n3A_30 : i32
        %add3A_893 = vector.broadcast %add3A_892 : i32 to vector<16xi32>
        %add3A_894 = arith.addi %mul3A_889, %add3A_893 : vector<16xi32>
        %swap3A_895 = arith.constant 0 : i32
        %swap3A_896 = arith.index_cast %swap3A_895 : i32 to index
        %swap3A_897 = arith.constant 0 : index
        %swap3A_898 = tpu.vector_load %arg6[%swap3A_896, %swap3A_897] {strides = array<i32>} : memref<4x32xi32, #tpu.memory_space<vmem>>, vector<16xi32>,
        tpu.vector_store %arg6[%swap3A_896, %swap3A_897], %add3A_894 {strides = array<i32>} : memref<4x32xi32, #tpu.memory_space<vmem>>, vector<16xi32>,
        %mul3A_899 = arith.constant 128 : i32
        %mul3A_900 = arith.muli %add3A_875, %mul3A_899 : i32
        %add3A_901 = arith.constant 0 : i32
        %add3A_902 = arith.addi %mul3A_900, %add3A_901 : i32
        %add3A_903 = arith.constant 16 : i32
        %add3A_904 = arith.addi %add3A_902, %add3A_903 : i32
        %get3A_905 = arith.index_cast %add3A_904 : i32 to index
        %get3A_906 = tpu.vector_load %arg5[%get3A_905] {strides = array<i32>} : memref<2048xi32, #tpu.memory_space<vmem>>, vector<16xi32>,
        %min3A_907 = arith.constant 1999 : i32
        %min3A_908 = vector.broadcast %min3A_907 : i32 to vector<16xi32>
        %min3A_909 = arith.minsi %get3A_906, %min3A_908 : vector<16xi32>
        %mul3A_910 = arith.constant 32 : i32
        %mul3A_911 = vector.broadcast %mul3A_910 : i32 to vector<16xi32>
        %mul3A_912 = arith.muli %min3A_909, %mul3A_911 : vector<16xi32>
        %mul3A_913 = arith.constant 4 : i32
        %mul3A_914 = arith.muli %select_n3A, %mul3A_913 : i32
        %add3A_915 = arith.addi %mul3A_914, %select_n3A_30 : i32
        %add3A_916 = vector.broadcast %add3A_915 : i32 to vector<16xi32>
        %add3A_917 = arith.addi %mul3A_912, %add3A_916 : vector<16xi32>
        %swap3A_918 = arith.constant 0 : i32
        %swap3A_919 = arith.index_cast %swap3A_918 : i32 to index
        %swap3A_920 = arith.constant 16 : index
        %swap3A_921 = tpu.vector_load %arg6[%swap3A_919, %swap3A_920] {strides = array<i32>} : memref<4x32xi32, #tpu.memory_space<vmem>>, vector<16xi32>,
        tpu.vector_store %arg6[%swap3A_919, %swap3A_920], %add3A_917 {strides = array<i32>} : memref<4x32xi32, #tpu.memory_space<vmem>>, vector<16xi32>,
        %dma_start3A_922 = arith.constant 0 : i32
        %dma_start3A_923 = arith.constant 0 : i32
        %dma_start3A_924 = arith.constant 0 : i32
        %dma_start3A_925 = tpu.memref_slice %arg8[%dma_start3A_923, %dma_start3A_924] : memref<65x512xf32, #tpu.memory_space<vmem>> -> memref<32x512xf32, #tpu.memory_space<vmem>>
        %dma_start3A_926 = arith.constant 0 : i32
        %dma_start3A_927 = tpu.memref_slice %arg6[%dma_start3A_922, %dma_start3A_926] : memref<4x32xi32, #tpu.memory_space<vmem>> -> memref<1x32xi32, #tpu.memory_space<vmem>>
        %dma_start3A_928 = tpu.memref_squeeze %dma_start3A_927 : memref<1x32xi32, #tpu.memory_space<vmem>> -> memref<32xi32, #tpu.memory_space<vmem>>
        %dma_start3A_929 = arith.constant 0 : i32
        %dma_start3A_930 = arith.constant 0 : i32
        %dma_start3A_931 = tpu.memref_slice %arg2[%dma_start3A_929, %dma_start3A_930] : memref<64000x512xf32, #tpu.memory_space<hbm>> -> memref<64000x512xf32, #tpu.memory_space<hbm>>
        tpu.enqueue_indirect_dma source(%dma_start3A_931 : memref<64000x512xf32, #tpu.memory_space<hbm>>) target(%dma_start3A_925 : memref<32x512xf32, #tpu.memory_space<vmem>>) offsets(%dma_start3A_928 : memref<32xi32, #tpu.memory_space<vmem>>) semaphore(%arg10 : memref<!tpu.dma_semaphore, #tpu.memory_space<semaphore_mem>>)
      } else {
      }
      %dma_wait3A_794 = arith.constant 3 : i32
      %dma_wait3A_795 = arith.constant 32 : i32
      %dma_wait3A_796 = arith.constant 0 : i32
      %dma_wait3A_797 = tpu.memref_slice %arg8[%dma_wait3A_795, %dma_wait3A_796] : memref<65x512xf32, #tpu.memory_space<vmem>> -> memref<32x512xf32, #tpu.memory_space<vmem>>
      %dma_wait3A_798 = arith.constant 0 : i32
      %dma_wait3A_799 = tpu.memref_slice %arg6[%dma_wait3A_794, %dma_wait3A_798] : memref<4x32xi32, #tpu.memory_space<vmem>> -> memref<1x32xi32, #tpu.memory_space<vmem>>
      %dma_wait3A_800 = tpu.memref_squeeze %dma_wait3A_799 : memref<1x32xi32, #tpu.memory_space<vmem>> -> memref<32xi32, #tpu.memory_space<vmem>>
      %dma_wait3A_801 = arith.constant 0 : i32
      %dma_wait3A_802 = arith.constant 0 : i32
      %dma_wait3A_803 = tpu.memref_slice %arg2[%dma_wait3A_801, %dma_wait3A_802] : memref<64000x512xf32, #tpu.memory_space<hbm>> -> memref<64000x512xf32, #tpu.memory_space<hbm>>
      tpu.wait_indirect_dma semaphore(%arg11 : memref<!tpu.dma_semaphore, #tpu.memory_space<semaphore_mem>>) src(%dma_wait3A_803 : memref<64000x512xf32, #tpu.memory_space<hbm>>) dst(%dma_wait3A_797 : memref<32x512xf32, #tpu.memory_space<vmem>>)
      %mul3A_804 = arith.constant 128 : i32
      %mul3A_805 = arith.muli %scan3A_220, %mul3A_804 : i32
      %add3A_806 = arith.constant 96 : i32
      %add3A_807 = arith.addi %mul3A_805, %add3A_806 : i32
      %add3A_808 = arith.constant 0 : i32
      %add3A_809 = arith.addi %add3A_807, %add3A_808 : i32
      %get3A_810 = arith.index_cast %add3A_809 : i32 to index
      %get3A_811 = tpu.vector_load %arg5[%get3A_810] {strides = array<i32>} : memref<2048xi32, #tpu.memory_space<vmem>>, vector<16xi32>,
      %lt3A_812 = arith.constant 2000 : i32
      %lt3A_813 = vector.broadcast %lt3A_812 : i32 to vector<16xi32>
      %lt3A_814 = arith.cmpi slt, %get3A_811, %lt3A_813 : vector<16xi32>
      %add3A_815 = arith.constant 32 : i32
      %add3A_816 = vector.broadcast %add3A_815 : i32 to vector<16xi32>
      %add3A_817 = arith.addi %iota3A, %add3A_816 : vector<16xi32>
      %jit3A_818 = arith.constant 64 : i32
      %broadcast_in_dim3A_819 = vector.broadcast %jit3A_818 : i32 to vector<16xi32>
      %select_n3A_820 = arith.select %lt3A_814, %add3A_817, %broadcast_in_dim3A_819 : vector<16xi1>, vector<16xi32>
      %mul3A_821 = arith.constant 128 : i32
      %mul3A_822 = arith.muli %scan3A_220, %mul3A_821 : i32
      %add3A_823 = arith.constant 96 : i32
      %add3A_824 = arith.addi %mul3A_822, %add3A_823 : i32
      %add3A_825 = arith.constant 16 : i32
      %add3A_826 = arith.addi %add3A_824, %add3A_825 : i32
      %get3A_827 = arith.index_cast %add3A_826 : i32 to index
      %get3A_828 = tpu.vector_load %arg5[%get3A_827] {strides = array<i32>} : memref<2048xi32, #tpu.memory_space<vmem>>, vector<16xi32>,
      %lt3A_829 = arith.constant 2000 : i32
      %lt3A_830 = vector.broadcast %lt3A_829 : i32 to vector<16xi32>
      %lt3A_831 = arith.cmpi slt, %get3A_828, %lt3A_830 : vector<16xi32>
      %add3A_832 = arith.constant 48 : i32
      %add3A_833 = vector.broadcast %add3A_832 : i32 to vector<16xi32>
      %add3A_834 = arith.addi %iota3A, %add3A_833 : vector<16xi32>
      %jit3A_835 = arith.constant 64 : i32
      %broadcast_in_dim3A_836 = vector.broadcast %jit3A_835 : i32 to vector<16xi32>
      %select_n3A_837 = arith.select %lt3A_831, %add3A_834, %broadcast_in_dim3A_836 : vector<16xi1>, vector<16xi32>
      %broadcast_in_dim3A_838 = arith.constant 1 : i32
      %broadcast_in_dim3A_839 = vector.broadcast %broadcast_in_dim3A_838 : i32 to vector<16xi32>
      %broadcast_in_dim3A_840 = arith.constant 0 : i32
      %broadcast_in_dim3A_841 = vector.broadcast %broadcast_in_dim3A_840 : i32 to vector<16xi32>
      %broadcast_in_dim3A_842 = arith.constant 128 : i32
      %broadcast_in_dim3A_843 = vector.broadcast %broadcast_in_dim3A_842 : i32 to vector<16xi32>
      %broadcast_in_dim3A_844 = arith.constant 256 : i32
      %broadcast_in_dim3A_845 = vector.broadcast %broadcast_in_dim3A_844 : i32 to vector<16xi32>
      %broadcast_in_dim3A_846 = arith.constant 384 : i32
      %broadcast_in_dim3A_847 = vector.broadcast %broadcast_in_dim3A_846 : i32 to vector<16xi32>
      %parallel_loop3A_848 = arith.constant 0 : i32
      %parallel_loop3A_849 = arith.constant 128 : i32
      %parallel_loop3A_850 = arith.constant 1 : i32
      %parallel_loop3A_851:4 = scf.for %parallel_loop3A_874 = %parallel_loop3A_848 to %parallel_loop3A_849 step %parallel_loop3A_850 iter_args(%parallel_loop3A_875 = %broadcast_in_dim3A_841, %parallel_loop3A_876 = %broadcast_in_dim3A_843, %parallel_loop3A_877 = %broadcast_in_dim3A_845, %parallel_loop3A_878 = %broadcast_in_dim3A_847) -> (vector<16xi32>, vector<16xi32>, vector<16xi32>, vector<16xi32>)  : i32 {
        %parallel_loop3A_879 = tpu.vector_load_idx %arg8[%select_n3A_820, %parallel_loop3A_875] : memref<65x512xf32, #tpu.memory_space<vmem>>[vector<16xi32>, vector<16xi32>], vector<16xf32>,
        %parallel_loop3A_880 = arith.index_cast %parallel_loop3A_874 : i32 to index
        %parallel_loop3A_881 = arith.constant 96 : index
        %parallel_loop3A_882 = tpu.vector_load %arg9[%parallel_loop3A_880, %parallel_loop3A_881] {strides = array<i32>} : memref<128x512xf32, #tpu.memory_space<vmem>>, vector<16xf32>,
        tpu.vector_store %arg9[%parallel_loop3A_880, %parallel_loop3A_881], %parallel_loop3A_879 {strides = array<i32>} : memref<128x512xf32, #tpu.memory_space<vmem>>, vector<16xf32>,
        %parallel_loop3A_883 = tpu.vector_load_idx %arg8[%select_n3A_837, %parallel_loop3A_875] : memref<65x512xf32, #tpu.memory_space<vmem>>[vector<16xi32>, vector<16xi32>], vector<16xf32>,
        %parallel_loop3A_884 = arith.index_cast %parallel_loop3A_874 : i32 to index
        %parallel_loop3A_885 = arith.constant 112 : index
        %parallel_loop3A_886 = tpu.vector_load %arg9[%parallel_loop3A_884, %parallel_loop3A_885] {strides = array<i32>} : memref<128x512xf32, #tpu.memory_space<vmem>>, vector<16xf32>,
        tpu.vector_store %arg9[%parallel_loop3A_884, %parallel_loop3A_885], %parallel_loop3A_883 {strides = array<i32>} : memref<128x512xf32, #tpu.memory_space<vmem>>, vector<16xf32>,
        %parallel_loop3A_887 = tpu.vector_load_idx %arg8[%select_n3A_820, %parallel_loop3A_876] : memref<65x512xf32, #tpu.memory_space<vmem>>[vector<16xi32>, vector<16xi32>], vector<16xf32>,
        %parallel_loop3A_888 = arith.index_cast %parallel_loop3A_874 : i32 to index
        %parallel_loop3A_889 = arith.constant 224 : index
        %parallel_loop3A_890 = tpu.vector_load %arg9[%parallel_loop3A_888, %parallel_loop3A_889] {strides = array<i32>} : memref<128x512xf32, #tpu.memory_space<vmem>>, vector<16xf32>,
        tpu.vector_store %arg9[%parallel_loop3A_888, %parallel_loop3A_889], %parallel_loop3A_887 {strides = array<i32>} : memref<128x512xf32, #tpu.memory_space<vmem>>, vector<16xf32>,
        %parallel_loop3A_891 = tpu.vector_load_idx %arg8[%select_n3A_837, %parallel_loop3A_876] : memref<65x512xf32, #tpu.memory_space<vmem>>[vector<16xi32>, vector<16xi32>], vector<16xf32>,
        %parallel_loop3A_892 = arith.index_cast %parallel_loop3A_874 : i32 to index
        %parallel_loop3A_893 = arith.constant 240 : index
        %parallel_loop3A_894 = tpu.vector_load %arg9[%parallel_loop3A_892, %parallel_loop3A_893] {strides = array<i32>} : memref<128x512xf32, #tpu.memory_space<vmem>>, vector<16xf32>,
        tpu.vector_store %arg9[%parallel_loop3A_892, %parallel_loop3A_893], %parallel_loop3A_891 {strides = array<i32>} : memref<128x512xf32, #tpu.memory_space<vmem>>, vector<16xf32>,
        %parallel_loop3A_895 = tpu.vector_load_idx %arg8[%select_n3A_820, %parallel_loop3A_877] : memref<65x512xf32, #tpu.memory_space<vmem>>[vector<16xi32>, vector<16xi32>], vector<16xf32>,
        %parallel_loop3A_896 = arith.index_cast %parallel_loop3A_874 : i32 to index
        %parallel_loop3A_897 = arith.constant 352 : index
        %parallel_loop3A_898 = tpu.vector_load %arg9[%parallel_loop3A_896, %parallel_loop3A_897] {strides = array<i32>} : memref<128x512xf32, #tpu.memory_space<vmem>>, vector<16xf32>,
        tpu.vector_store %arg9[%parallel_loop3A_896, %parallel_loop3A_897], %parallel_loop3A_895 {strides = array<i32>} : memref<128x512xf32, #tpu.memory_space<vmem>>, vector<16xf32>,
        %parallel_loop3A_899 = tpu.vector_load_idx %arg8[%select_n3A_837, %parallel_loop3A_877] : memref<65x512xf32, #tpu.memory_space<vmem>>[vector<16xi32>, vector<16xi32>], vector<16xf32>,
        %parallel_loop3A_900 = arith.index_cast %parallel_loop3A_874 : i32 to index
        %parallel_loop3A_901 = arith.constant 368 : index
        %parallel_loop3A_902 = tpu.vector_load %arg9[%parallel_loop3A_900, %parallel_loop3A_901] {strides = array<i32>} : memref<128x512xf32, #tpu.memory_space<vmem>>, vector<16xf32>,
        tpu.vector_store %arg9[%parallel_loop3A_900, %parallel_loop3A_901], %parallel_loop3A_899 {strides = array<i32>} : memref<128x512xf32, #tpu.memory_space<vmem>>, vector<16xf32>,
        %parallel_loop3A_903 = tpu.vector_load_idx %arg8[%select_n3A_820, %parallel_loop3A_878] : memref<65x512xf32, #tpu.memory_space<vmem>>[vector<16xi32>, vector<16xi32>], vector<16xf32>,
        %parallel_loop3A_904 = arith.index_cast %parallel_loop3A_874 : i32 to index
        %parallel_loop3A_905 = arith.constant 480 : index
        %parallel_loop3A_906 = tpu.vector_load %arg9[%parallel_loop3A_904, %parallel_loop3A_905] {strides = array<i32>} : memref<128x512xf32, #tpu.memory_space<vmem>>, vector<16xf32>,
        tpu.vector_store %arg9[%parallel_loop3A_904, %parallel_loop3A_905], %parallel_loop3A_903 {strides = array<i32>} : memref<128x512xf32, #tpu.memory_space<vmem>>, vector<16xf32>,
        %parallel_loop3A_907 = tpu.vector_load_idx %arg8[%select_n3A_837, %parallel_loop3A_878] : memref<65x512xf32, #tpu.memory_space<vmem>>[vector<16xi32>, vector<16xi32>], vector<16xf32>,
        %parallel_loop3A_908 = arith.index_cast %parallel_loop3A_874 : i32 to index
        %parallel_loop3A_909 = arith.constant 496 : index
        %parallel_loop3A_910 = tpu.vector_load %arg9[%parallel_loop3A_908, %parallel_loop3A_909] {strides = array<i32>} : memref<128x512xf32, #tpu.memory_space<vmem>>, vector<16xf32>,
        tpu.vector_store %arg9[%parallel_loop3A_908, %parallel_loop3A_909], %parallel_loop3A_907 {strides = array<i32>} : memref<128x512xf32, #tpu.memory_space<vmem>>, vector<16xf32>,
        %parallel_loop3A_911 = arith.addi %parallel_loop3A_875, %broadcast_in_dim3A_839 : vector<16xi32>
        %parallel_loop3A_912 = arith.addi %parallel_loop3A_876, %broadcast_in_dim3A_839 : vector<16xi32>
        %parallel_loop3A_913 = arith.addi %parallel_loop3A_877, %broadcast_in_dim3A_839 : vector<16xi32>
        %parallel_loop3A_914 = arith.addi %parallel_loop3A_878, %broadcast_in_dim3A_839 : vector<16xi32>
        scf.yield %parallel_loop3A_911, %parallel_loop3A_912, %parallel_loop3A_913, %parallel_loop3A_914 : vector<16xi32>, vector<16xi32>, vector<16xi32>, vector<16xi32>
      } {sc.loop_unroll_factor = 8 : i64, sc.parallel_access}
      %jit3A_852 = arith.constant 2 : i32
      %eq3A_853 = arith.constant 0 : i32
      %eq3A_854 = arith.cmpi eq, %jit3A_852, %eq3A_853 : i32
      %jit3A_855 = arith.constant 1 : i32
      %select_n3A_856 = arith.select %eq3A_854, %jit3A_855, %jit3A_852 : i32
      %rem3A_857 = arith.remsi %scan3A_220, %select_n3A_856 : i32
      %ne3A_858 = arith.constant 0 : i32
      %ne3A_859 = arith.cmpi ne, %rem3A_857, %ne3A_858 : i32
      %lt3A_860 = arith.constant 0 : i32
      %lt3A_861 = arith.cmpi slt, %rem3A_857, %lt3A_860 : i32
      %lt3A_862 = arith.constant 0 : i32
      %lt3A_863 = arith.cmpi slt, %select_n3A_856, %lt3A_862 : i32
      %ne3A_864 = arith.xori %lt3A_861, %lt3A_863 : i1
      %and3A_865 = arith.andi %ne3A_864, %ne3A_859 : i1
      %add3A_866 = arith.addi %rem3A_857, %select_n3A_856 : i32
      %select_n3A_867 = arith.select %and3A_865, %add3A_866, %rem3A_857 : i32
      %dma_start3A_868 = arith.constant 0 : i32
      %dma_start3A_869 = tpu.memref_slice %arg7[%select_n3A_867, %dma_start3A_868] : memref<2x128xi32, #tpu.memory_space<vmem>> -> memref<1x128xi32, #tpu.memory_space<vmem>>
      %dma_start3A_870 = tpu.memref_squeeze %dma_start3A_869 : memref<1x128xi32, #tpu.memory_space<vmem>> -> memref<128xi32, #tpu.memory_space<vmem>>
      %dma_start3A_871 = arith.constant 0 : i32
      %dma_start3A_872 = arith.constant 0 : i32
      %dma_start3A_873 = tpu.memref_slice %arg4[%dma_start3A_871, %dma_start3A_872] : memref<65536x512xf32, #tpu.memory_space<hbm>> -> memref<65536x512xf32, #tpu.memory_space<hbm>>
      tpu.enqueue_indirect_dma source(%arg9 : memref<128x512xf32, #tpu.memory_space<vmem>>) target(%dma_start3A_873 : memref<65536x512xf32, #tpu.memory_space<hbm>>) offsets(%dma_start3A_870 : memref<128xi32, #tpu.memory_space<vmem>>) semaphore(%arg12 : memref<!tpu.dma_semaphore, #tpu.memory_space<semaphore_mem>>)
    }
    %scan3A_213 = arith.constant 16 : i32
    %dma_wait3A = arith.constant 1 : i32
    %dma_wait3A_214 = arith.constant 0 : i32
    %dma_wait3A_215 = tpu.memref_slice %arg7[%dma_wait3A, %dma_wait3A_214] : memref<2x128xi32, #tpu.memory_space<vmem>> -> memref<1x128xi32, #tpu.memory_space<vmem>>
    %dma_wait3A_216 = tpu.memref_squeeze %dma_wait3A_215 : memref<1x128xi32, #tpu.memory_space<vmem>> -> memref<128xi32, #tpu.memory_space<vmem>>
    %dma_wait3A_217 = arith.constant 0 : i32
    %dma_wait3A_218 = arith.constant 0 : i32
    %dma_wait3A_219 = tpu.memref_slice %arg4[%dma_wait3A_217, %dma_wait3A_218] : memref<65536x512xf32, #tpu.memory_space<hbm>> -> memref<65536x512xf32, #tpu.memory_space<hbm>>
    tpu.wait_indirect_dma semaphore(%arg12 : memref<!tpu.dma_semaphore, #tpu.memory_space<semaphore_mem>>) src(%arg9 : memref<128x512xf32, #tpu.memory_space<vmem>>) dst(%dma_wait3A_219 : memref<65536x512xf32, #tpu.memory_space<hbm>>)
    return
  }
}

</mosaic_0001>

<sc_bundles>
// kernel: kernel.3.cloned.1.call-start
scs
__scs_entry_jumppad:
0x0: {  	(pc) =	sbr.rel $0x88, $3  }
0x1: {  	(tag) =	ssettag $0x0;
	lr =	simm.s32 $0x1  }
0x2: {  	[smem:$0x3F9F] =	sst lr;
	_ =	strace $0xD0000000  }
0x3: {  	_ = 	snop  }
0x4: {  	_ = 	snop  }
0x5: {  	_ = 	snop  }
0x6: {  	_ = 	snop  }
0x7: {  	_ = 	snop  }
__scs_overlays_trampoline_lowered:
0x8: {  	[smem:$0x3FAE] =	sst s0  }
0x9: {  	[smem:$0x3FAF] =	sst s1  }
0xa: {  	[smem:$0x3FB0] =	sst s2  }
0xb: {  	[smem:$0x3FB1] =	sst s3  }
0xc: {  	[smem:$0x3FB2] =	sst s4  }
0xd: {  	[smem:$0x3FB3] =	sst s5  }
0xe: {  	[smem:$0x3FB4] =	sst s6  }
0xf: {  	[smem:$0x3FB5] =	sst s7  }
0x10: {  	[smem:$0x3FB6] =	sst s8  }
0x11: {  	[smem:$0x3FB7] =	sst s9;
	s0 =	simm.s32 @!p0 $0x0  }
0x12: {  	s1 =	sld [smem:$0x3F9D];
	s0 =	simm.s32 @p0 $0x1  }
0x13: {  	[smem:$0x3FB8] =	sst s0;
	s0 =	simm.s32 @!p1 $0x0  }
0x14: {  	s2 =	sld [smem:$0x3F9C];
	s0 =	simm.s32 @p1 $0x1  }
0x15: {  	[smem:$0x3FB9] =	sst s0;
	s0 =	simm.s32 @!p2 $0x0  }
0x16: {  	s3 =	sld [smem:$0x3FDB];
	s0 =	simm.s32 @p2 $0x1  }
0x17: {  	s4 =	simm.s32 $0x1BF5;
	[smem:$0x3FBB] =	sst s0  }
0x18: {  	s0 =	sld [smem:$0x3F9E];
	_ =	swait.ge [sflag:s4], $0x0  }
0x19: {  	s7 =	sld [smem:$0x3F9F]  }
0x1a: {  	s8 =	sadd.s32 $0xFFFFE003, lr  }
0x1b: {  	s9 =	sadd.s32 $0xFFFFFEF7, lr;
	s5 =	simm.s32 $0xFFFFFFFF;
	p2 =	slt.u32 s8, $0xFFFFF086  }
0x1c: {  	p1 =	slt.u32 s9, $0xF7A;
	s5 =	simm.s32 @!p2 $0x0  }
0x1d: {  	s5 =	simm.s32 @p1 $0x1;
	p0 =	seq.s32 s7, s2  }
0x1e: {  	s7 =	smul.u32 @!p0 $0xF7A, s2;
	p2 =	seq.s32 @!p0 s5, $0x0  }
0x1f: {  	s9 =	smul.u32 $0xF7A, s1;
	s8 =	simm.s32 @!p0 $0x1BF5;
	p2 =	por !p2, p0  }
0x20: {  	[sflag:s8] =	ssyncset.s32 @!p0 $0xFFFFF086;
	s6 =	sadd.s32 @!p0 s3, s7;
	s7 =	simm.s32 @!p0 $0x108  }
0x21: {  	s3 =	sadd.s32 s3, s9;
	s6 =	sadd.s32 @!p0 $0x88, s6;
	s7 =	simm.s32 @p2 $0x1082  }
0x22: {  	[simem:s7], [sflag:s8] =	dma.local @!p0 [hbm:s6], $0xF7A  }
0x23: {  	s9 =	sor.u32 $0xD0000000, s2;
	s6 =	simm.s32 $0x108;
	_ =	swait.ge @!p0 [sflag:s8], $0x0  }
0x24: {  	s3 =	sadd.s32 $0x88, s3;
	s6 =	simm.s32 @!p1 $0x1082;
	[sflag:s4] =	ssyncset.s32 $0xFFFFF086  }
0x25: {  	[simem:s6], [sflag:s4] =	dma.local [hbm:s3], $0xF7A  }
0x26: {  	[smem:$0x3F9F] =	sst s1;
	(tag) =	ssettag s2;
	_ =	strace s9  }
0x27: {  	s1 =	sld [smem:$0x3FAF]  }
0x28: {  	s2 =	sld [smem:$0x3FB0]  }
0x29: {  	s4 =	sld [smem:$0x3FB2]  }
0x2a: {  	p0 =	seq.s32 s5, $0x0;
	s5 =	sld [smem:$0x3FB3]  }
0x2b: {  	s6 =	sld [smem:$0x3FB4]  }
0x2c: {  	s7 =	sld [smem:$0x3FB5]  }
0x2d: {  	s3 =	simm.s32 $0x108;
	s8 =	sld [smem:$0x3FB6]  }
0x2e: {  	s3 =	simm.s32 @!p0 $0x1082;
	s9 =	sld [smem:$0x3FB7]  }
0x2f: {  	lr =	sadd.s32 s0, s3;
	s0 =	sld [smem:$0x3FAE]  }
0x30: {  	s3 =	sld [smem:$0x3FB1]  }
0x31: {  	[smem:$0x3FBA] =	sst s10  }
0x32: {  	s10 =	sld [smem:$0x3FB8];
	_ =	sdelay $0x3  }
0x33: {  	p0 =	seq.s32 s10, $0x1;
	s10 =	sld [smem:$0x3FBA];
	_ =	sdelay $0x3  }
0x34: {  	[smem:$0x3FBA] =	sst s10  }
0x35: {  	s10 =	sld [smem:$0x3FB9];
	_ =	sdelay $0x3  }
0x36: {  	p1 =	seq.s32 s10, $0x1;
	s10 =	sld [smem:$0x3FBA];
	_ =	sdelay $0x3  }
0x37: {  	[smem:$0x3FBA] =	sst s10  }
0x38: {  	s10 =	sld [smem:$0x3FBB]  }
0x39: {  	_ = 	snop;
	(pc) =	sbr.ind lr, $3  }
0x3a: {  	_ = 	snop  }
0x3b: {  	_ = 	snop  }
0x3c: {  	p2 =	seq.s32 s10, $0x1;
	s10 =	sld [smem:$0x3FBA]  }
0x3d: {  	_ =	shalt  }
0x3e: {  	_ =	shalt  }
0x3f: {  	_ =	shalt  }
0x40: {  	_ =	shalt  }
0x41: {  	_ =	shalt  }
0x42: {  	_ =	shalt  }
0x43: {  	_ =	shalt  }
0x44: {  	_ =	shalt  }
0x45: {  	_ =	shalt  }
0x46: {  	_ =	shalt  }
0x47: {  	_ =	shalt  }
0x48: {  	_ =	shalt  }
0x49: {  	_ =	shalt  }
0x4a: {  	_ =	shalt  }
0x4b: {  	_ =	shalt  }
0x4c: {  	_ =	shalt  }
0x4d: {  	_ =	shalt  }
0x4e: {  	_ =	shalt  }
0x4f: {  	_ =	shalt  }
0x50: {  	_ =	shalt  }
0x51: {  	_ =	shalt  }
0x52: {  	_ =	shalt  }
0x53: {  	_ =	shalt  }
0x54: {  	_ =	shalt  }
0x55: {  	_ =	shalt  }
0x56: {  	_ =	shalt  }
0x57: {  	_ =	shalt  }
0x58: {  	_ =	shalt  }
0x59: {  	_ =	shalt  }
0x5a: {  	_ =	shalt  }
0x5b: {  	_ =	shalt  }
0x5c: {  	_ =	shalt  }
0x5d: {  	_ =	shalt  }
0x5e: {  	_ =	shalt  }
0x5f: {  	_ =	shalt  }
0x60: {  	_ =	shalt  }
0x61: {  	_ =	shalt  }
0x62: {  	_ =	shalt  }
0x63: {  	_ =	shalt  }
0x64: {  	_ =	shalt  }
0x65: {  	_ =	shalt  }
0x66: {  	_ =	shalt  }
0x67: {  	_ =	shalt  }
0x68: {  	_ =	shalt  }
0x69: {  	_ =	shalt  }
0x6a: {  	_ =	shalt  }
0x6b: {  	_ =	shalt  }
0x6c: {  	_ =	shalt  }
0x6d: {  	_ =	shalt  }
0x6e: {  	_ =	shalt  }
0x6f: {  	_ =	shalt  }
0x70: {  	_ =	shalt  }
0x71: {  	_ =	shalt  }
0x72: {  	_ =	shalt  }
0x73: {  	_ =	shalt  }
0x74: {  	_ =	shalt  }
0x75: {  	_ =	shalt  }
0x76: {  	_ =	shalt  }
0x77: {  	_ =	shalt  }
0x78: {  	_ =	shalt  }
0x79: {  	_ =	shalt  }
0x7a: {  	_ =	shalt  }
0x7b: {  	_ =	shalt  }
0x7c: {  	_ =	shalt  }
0x7d: {  	_ =	shalt  }
0x7e: {  	_ =	shalt  }
0x7f: {  	_ =	shalt  }
0x80: {  	_ =	shalt  }
0x81: {  	_ =	shalt  }
0x82: {  	_ =	shalt  }
0x83: {  	_ =	shalt  }
0x84: {  	_ =	shalt  }
0x85: {  	_ =	shalt  }
0x86: {  	_ =	shalt  }
0x87: {  	_ =	shalt  }
.Lfunc_end0:
.L_simem_size_0:
called_computation_lowered:
.L_overlay_start_0:
0x88: {  	s2 =	sld [smem:$0x3FD9]  }
0x89: {  	s3 =	sld [smem:$0x3FFE];
	_ =	sdelay $0x1  }
0x8a: {  	s1 =	srdreg.scid  }
0x8b: {  	s0 =	sand.u32 $0x1, s1  }
0x8c: {  	s18 =	sshll.u32 s0, $0xA;
	s2 =	sadd.s32 s3, s2  }
0x8d: {  	s2 =	sadd.s32 s2, s18  }
0x8e: {  	[smem:$0x3FC6] =	sst s2  }
0x8f: {  	_ = 	snop  }
0x90: {  	s2 =	sld [smem:$0x3FC9]  }
0x91: {  	s19 =	sld [smem:$0x3FC8]  }
0x92: {  	s4 =	sld [smem:$0x3FD0];
	(tm) =	ssettm $0x1  }
0x93: {  	s5 =	sld [smem:$0x3FFB];
	_ =	sdelay $0x3  }
0x94: {  	_ =	strace s5  }
0x95: {  	s5 =	sld [smem:$0x3FFC];
	_ =	sdelay $0x3  }
0x96: {  	_ =	strace s5  }
0x97: {  	s5 =	sld [smem:$0x3FFD];
	_ =	sdelay $0x3  }
0x98: {  	_ =	strace s5  }
0x99: {  	_ =	strace $0x8FFFFFFF  }
0x9a: {  	s20 =	sld [smem:$0x3FDB];
	_ =	sdelay $0x1  }
0x9b: {  	s6 =	simm.s32 $_scs_section_size  }
0x9c: {  	s7 =	simm.s32 $_size__tile_overlayer_lowered;
	s8 =	simm.s32 $_tile_overlayer_lowered  }
0x9d: {  	s23 =	simm.s32 $0x1BFF;
	s22 =	sshll.u32 s8, $0x1;
	s5 =	sadd.s32 s6, s20  }
0x9e: {  	s9 =	simm.s32 $0x0;
	s21 =	sshll.u32 s7, $0x1;
	s7 =	sadd.s32 s22, s5  }
0x9f: {  	[timem:s9], [sflag:s23] =	dma.local [hbm:s7], s21  }
0xa0: {  	_ =	swait.ge [sflag:s23], s21  }
0xa1: {  	s6 =	ssub.s32 $0x0, s21;
	[sflag:s23] =	ssyncset.done $0x0  }
0xa2: {  	[sflag:s23] =	ssyncadd.s32 s6;
	_ =	sdelay $0x1  }
0xa3: {  	s24 =	simm.s32 $0x1B8B  }
0xa4: {  	_ =	swait.ge [sflag:s24], $0x1  }
0xa5: {  	[sflag:s24] =	ssyncset.done $0x0  }
0xa6: {  	s25 =	simm.s32 $0x1B8E;
	[sflag:s24] =	ssyncadd.s32 $0xFFFFFFFF  }
0xa7: {  	s26 =	simm.s32 $execute0_lowered;
	[smem:$0x3FD2] =	sst s25  }
0xa8: {  	s6 =	sshll.u32 s26, $0x1;
	_ =	strace $0x80000046;
	[dreg:$0x1] =	wrdreg $0xFFFFFFFF  }
0xa9: {  	s28 =	simm.s32 $_size_execute0_lowered;
	s5 =	sadd.s32 s5, s6;
	[dreg:$0x0] =	wrdreg $0x0  }
0xaa: {  	s6 =	sshll.u32 s28, $0x1;
	[dreg:$0x2] =	wrdreg s5  }
0xab: {  	[dreg:$0x3] =	wrdreg s6  }
0xac: {  	[dreg:$0x4] =	wrdreg $0xC0  }
0xad: {  	_ =	task [dreg:s9], $0x5FFFF  }
0xae: {  	[dreg:$0x1] =	wrdreg $0xFFFFFFFF  }
0xaf: {  	[dreg:$0x0] =	wrdreg $0x60  }
0xb0: {  	[dreg:$0x2] =	wrdreg s2  }
0xb1: {  	[dreg:$0x3] =	wrdreg s19  }
0xb2: {  	[dreg:$0x4] =	wrdreg s4  }
0xb3: {  	[dreg:$0x5] =	wrdreg $0x9  }
0xb4: {  	_ =	task.clear_ibuf [dreg:s9], $0x6FFFF;
	_ =	strace $0x90000046  }
0xb5: {  	s29 =	simm.s32 $0x9;
	_ =	strace $0x80000048  }
0xb6: {  	_ =	swait.ge [sflag:s29], $0x1  }
0xb7: {  	[sflag:s29] =	ssyncadd.s32 $0xFFFFFFFF  }
0xb8: {  	_ =	strace $0x90000048  }
0xb9: {  	_ =	sfence  }
0xba: {  	s30 =	sld [smem:$0x0];
	_ =	sdelay $0x2  }
0xbb: {  	s31 =	sshll.u32 s1, $0xD;
	s1 =	sshrl.u32 s1, $0x2  }
0xbc: {  	s3 =	sand.u32 $0x4000, s31;
	s1 =	sadd.s32 s1, s30  }
0xbd: {  	s0 =	sor.u32 s3, s0;
	s1 =	sshll.u32 s1, $0x11  }
0xbe: {  	s0 =	sor.u32 s1, s0  }
0xbf: {  	s0 =	sadd.s32 $0x8F2B, s0  }
0xc0: {  	[sflag:s0] =	ssyncadd.remote.s32 $0x1  }
0xc1: {  	_ =	sfence.sel $0xFFFF  }
0xc2: {  	[dreg:$0x0] =	wrdreg $0xFFFFFFFF;
	(pc) =	sbr.abs _section_cstart, $3  }
0xc3: {  	[dreg:$0x1] =	wrdreg $0xFFFFFFFF  }
0xc4: {  	_ =	task.clear_ibuf [dreg:s9], $0x2FFFF;
	_ =	strace $0x9FFFFFFF  }
0xc5: {  	(tm) =	ssettm $0x7FFFFFFF  }
tec
execute0_lowered:
.L_overlay_start_1:
0x0: {  	(tag) =	ssettag $0x1  }
0x1: {  	s2 =	rddreg [dreg:$0x0]  }
0x2: {  	s3 =	rddreg [dreg:$0x1]  }
0x3: {  	s4 =	rddreg [dreg:$0x2]  }
0x4: {  	s5 =	srdreg.scid;
	s1 =	stileid.u32  }
0x5: {  	s0 =	rddreg [dreg:$0x3];
	_ =	strace $0x80000047;
	s11 =	simm.s32 $0x980  }
0x6: {  	s12 =	simm.s32 $0x820;
	s13 =	simm.s32 $0x4980;
	s14 =	simm.s32 $0x1  }
0x7: {  	s15 =	simm.s32 $0x840;
	s16 =	simm.s32 $0x2;
	s17 =	simm.s32 $0x860  }
0x8: {  	v7 =	vlaneseq.u32;
	s18 =	simm.s32 $0x80;
	s19 =	simm.s32 $0x8B80;
	s20 =	simm.s32 $0x0  }
0x9: {  	s5 =	sand.u32 $0x1, s5;
	s6 =	sshll.u32 s1, $0x1;
	s9 =	sshrl.u32 s1, $0x1;
	v0 =	vmul.u32 $0x80, v7  }
0xa: {  	v2 =	vimm.f32 $0.0e+00;
	s7 =	ssub.s32 $0x2, s5;
	s6 =	sand.u32 $0x2, s6;
	s10 =	sshll.u32 s9, $0x4  }
0xb: {  	v7 =	vmul.u32 $0x200, v7;
	s9 =	sshll.u32 s9, $0x2;
	s8 =	sshrl.u32 s7, $0x1;
	s6 =	sor.u32 s5, s6;
	v3 =	vor.u32 $0x800, v0;
	v4 =	vor.u32 $0x1000, v0  }
0xc: {  	v5 =	vor.u32 $0x1800, v0;
	v6 =	vor.u32 $0x2000, v0;
	v8 =	vor.u32 $0x2800, v0;
	s5 =	sshll.u32 s6, $0xE;
	s7 =	ssub.s32 s7, s8;
	s6 =	sor.u32 s9, s6  }
0xd: {  	v9 =	vor.u32 $0x3000, v0;
	v10 =	vor.u32 $0x3800, v0;
	v11 =	vor.u32 $0x2000, v7;
	s8 =	simm.s32 $0x3;
	s9 =	simm.s32 $0x20;
	s5 =	sor.u32 s10, s5  }
0xe: {  	v12 =	vor.u32 $0x4000, v7;
	v13 =	vor.u32 $0x6000, v7;
	v1 =	vmov s6;
	s6 =	smax.u32 s7, $0x1;
	s7 =	simm.s32 $0x0;
	s10 =	simm.s32 $0x800  }
.LBB2_1:
0xf: {  	[tilespmem:s7], [sflag:$0x3] =	stream.linear.gather [hbm4b:s3+s7], $0x800, $0x38;
	[tilespmem:$0x18B80] =	vst v63  }
0x10: {  	[tilespmem:$0x8980] =	vst v2  }
0x11: {  	[tilespmem:$0x8990] =	vst v2  }
0x12: {  	[tilespmem:$0x89A0] =	vst v2  }
0x13: {  	[tilespmem:$0x89B0] =	vst v2  }
0x14: {  	[tilespmem:$0x89C0] =	vst v2  }
0x15: {  	[tilespmem:$0x89D0] =	vst v2  }
0x16: {  	[tilespmem:$0x89E0] =	vst v2  }
0x17: {  	[tilespmem:$0x89F0] =	vst v2  }
0x18: {  	[tilespmem:$0x8A00] =	vst v2  }
0x19: {  	[tilespmem:$0x8A10] =	vst v2  }
0x1a: {  	[tilespmem:$0x8A20] =	vst v2  }
0x1b: {  	[tilespmem:$0x8A30] =	vst v2  }
0x1c: {  	[tilespmem:$0x8A40] =	vst v2  }
0x1d: {  	[tilespmem:$0x8A50] =	vst v2  }
0x1e: {  	[tilespmem:$0x8A60] =	vst v2  }
0x1f: {  	[tilespmem:$0x8A70] =	vst v2  }
0x20: {  	[tilespmem:$0x8A80] =	vst v2  }
0x21: {  	[tilespmem:$0x8A90] =	vst v2  }
0x22: {  	[tilespmem:$0x8AA0] =	vst v2  }
0x23: {  	[tilespmem:$0x8AB0] =	vst v2  }
0x24: {  	[tilespmem:$0x8AC0] =	vst v2  }
0x25: {  	[tilespmem:$0x8AD0] =	vst v2  }
0x26: {  	[tilespmem:$0x8AE0] =	vst v2  }
0x27: {  	[tilespmem:$0x8AF0] =	vst v2  }
0x28: {  	[tilespmem:$0x8B00] =	vst v2  }
0x29: {  	[tilespmem:$0x8B10] =	vst v2  }
0x2a: {  	[tilespmem:$0x8B20] =	vst v2  }
0x2b: {  	[tilespmem:$0x8B30] =	vst v2  }
0x2c: {  	[tilespmem:$0x8B40] =	vst v2  }
0x2d: {  	[tilespmem:$0x8B50] =	vst v2  }
0x2e: {  	[tilespmem:$0x8B60] =	vst v2  }
0x2f: {  	[tilespmem:$0x8B70] =	vst v2  }
0x30: {  	_ =	swait.ge [sflag:s8], $0x800  }
0x31: {  	[sflag:s8] =	ssyncset.done $0x0  }
0x32: {  	[sflag:s8] =	ssyncadd.s32 $0xFFFFF800  }
0x33: {  	v14 =	vld [tilespmem:$0x0]  }
0x34: {  	v15 =	vld [tilespmem:$0x10];
	_ =	sdelay $0x3  }
0x35: {  	vm0 =	vlt.s32 v14, $0x7CF  }
0x36: {  	vm15 =	vlt.s32 v15, $0x7CF;
	v14 =	vnsel vm0, $0x7CF, v14  }
0x37: {  	v15 =	vnsel vm15, $0x7CF, v15;
	v14 =	vshll.u32 v14, $0x5  }
0x38: {  	v15 =	vshll.u32 v15, $0x5;
	v14 =	vor.u32 v1, v14  }
0x39: {  	[tilespmem:$0x800] =	vst v14;
	v14 =	vor.u32 v1, v15  }
0x3a: {  	s21 =	simm.s32 $0x0;
	[tilespmem:$0x810] =	vst v14  }
0x3b: {  	[tilespmem:s11], [sflag:$0x1] =	stream.indirect.gather [hbm4b:s2+s9], $0x200, s10, s9, $0xb8;
	[tilespmem:$0x18B80] =	vst v63  }
.LBB2_2:
0x3c: {  	s24 =	sadd.s32 s5, s21;
	s23 =	sshll.u32 s21, $0x7  }
0x3d: {  	v14 =	vor.u32 s24, v0;
	s22 =	sand.u32 $0x80, s23  }
0x3e: {  	[tilespmem:s22+$0x880] =	vst v14;
	v14 =	vor.u32 s24, v3  }
0x3f: {  	[tilespmem:s22+$0x890] =	vst v14;
	v14 =	vor.u32 s24, v4  }
0x40: {  	[tilespmem:s22+$0x8A0] =	vst v14;
	v14 =	vor.u32 s24, v5  }
0x41: {  	[tilespmem:s22+$0x8B0] =	vst v14;
	v14 =	vor.u32 s24, v6  }
0x42: {  	[tilespmem:s22+$0x8C0] =	vst v14;
	v14 =	vor.u32 s24, v8  }
0x43: {  	[tilespmem:s22+$0x8D0] =	vst v14;
	v14 =	vor.u32 s24, v9  }
0x44: {  	[tilespmem:s22+$0x8E0] =	vst v14;
	v14 =	vor.u32 s24, v10  }
0x45: {  	[tilespmem:s22+$0x8F0] =	vst v14  }
0x46: {  	v14 =	vld [tilespmem:s23+$0x20];
	_ =	sdelay $0x4  }
0x47: {  	vm0 =	vlt.s32 v14, $0x7CF  }
0x48: {  	v14 =	vnsel vm0, $0x7CF, v14  }
0x49: {  	v14 =	vshll.u32 v14, $0x5  }
0x4a: {  	v14 =	vor.u32 v1, v14  }
0x4b: {  	[tilespmem:$0x820] =	vst v14  }
0x4c: {  	v14 =	vld [tilespmem:s23+$0x30];
	_ =	sdelay $0x4  }
0x4d: {  	vm13 =	vlt.s32 v14, $0x7CF  }
0x4e: {  	v14 =	vnsel vm13, $0x7CF, v14  }
0x4f: {  	v14 =	vshll.u32 v14, $0x5  }
0x50: {  	v14 =	vor.u32 v1, v14  }
0x51: {  	[tilespmem:$0x830] =	vst v14  }
0x52: {  	[tilespmem:s13], [sflag:$0x2] =	stream.indirect.gather [hbm4b:s2+s9], $0x200, s12, s9, $0xb8;
	[tilespmem:$0x18B80] =	vst v63  }
0x53: {  	_ =	swait.ge [sflag:s14], $0x4000  }
0x54: {  	p0 =	seq.s32 s21, $0x0;
	[sflag:s14] =	ssyncset.done $0x0  }
0x55: {  	s24 =	simm.s32 @!p0 $0x3;
	[sflag:s14] =	ssyncadd.s32 $0xFFFFC000  }
0x56: {  	_ =	swait.ge @!p0 [sflag:s24], $0x10000  }
0x57: {  	[sflag:s24] =	ssyncset.done @!p0 $0x0  }
0x58: {  	[sflag:s24] =	ssyncadd.s32 @!p0 $0xFFFF0000  }
0x59: {  	v14 =	vld [tilespmem:s23+$0x0];
	_ =	sdelay $0x4  }
0x5a: {  	vm14 =	vlt.s32 v14, $0x7D0  }
0x5b: {  	v19 =	vimm.s32 $0x0;
	v14 =	vnsel vm14, $0x8000, v7  }
0x5c: {  	v15 =	vld [tilespmem:s23+$0x10];
	v16 =	vadd.s32 v14, v19  }
0x5d: {  	v17 =	vor.u32 $0x7, v16  }
0x5e: {  	v18 =	vor.u32 $0x1, v16  }
0x5f: {  	v20 =	vor.u32 $0x2, v16  }
0x60: {  	v21 =	vor.u32 $0x3, v16  }
0x61: {  	vm15 =	vlt.s32 v15, $0x7D0;
	v22 =	vor.u32 $0x4, v16;
	v23 =	vld.idx.msk [tilespmem:v16+s11+$0x0], $0xffff  }
0x62: {  	v15 =	vnsel vm15, $0x8000, v11;
	v24 =	vor.u32 $0x5, v16;
	v17 =	vld.idx.msk [tilespmem:v17+s11+$0x0], $0xffff  }
0x63: {  	v25 =	vadd.s32 v15, v19;
	v16 =	vor.u32 $0x6, v16;
	v18 =	vld.idx.msk [tilespmem:v18+s11+$0x0], $0xffff  }
0x64: {  	v26 =	vor.u32 $0x7, v25;
	v20 =	vld.idx.msk [tilespmem:v20+s11+$0x0], $0xffff  }
0x65: {  	v27 =	vor.u32 $0x1, v25;
	v21 =	vld.idx.msk [tilespmem:v21+s11+$0x0], $0xffff  }
0x66: {  	s24 =	simm.s32 $0x9380;
	v28 =	vor.u32 $0x2, v25;
	v22 =	vld.idx.msk [tilespmem:v22+s11+$0x0], $0xffff  }
0x67: {  	v29 =	vor.u32 $0x3, v25;
	v24 =	vld.idx.msk [tilespmem:v24+s11+$0x0], $0xffff;
	[tilespmem:s24+$0xFFFFF800] =	vst v23  }
0x68: {  	v30 =	vor.u32 $0x4, v25;
	v31 =	vld.idx.msk [tilespmem:v16+s11+$0x0], $0xffff;
	[tilespmem:s24+$0x600] =	vst v17  }
0x69: {  	[tilespmem:s24+$0xFFFFFA00] =	vst v18;
	v18 =	vld.idx.msk [tilespmem:v26+s11+$0x0], $0xffff  }
0x6a: {  	v16 =	vimm.s32 $0x80;
	v17 =	vor.u32 $0x5, v25;
	[tilespmem:s24+$0xFFFFFC00] =	vst v20;
	v27 =	vld.idx.msk [tilespmem:v27+s11+$0x0], $0xffff  }
0x6b: {  	v32 =	vadd.s32 v14, v16;
	[tilespmem:s24+$0xFFFFFE00] =	vst v21;
	v26 =	vor.u32 $0x6, v25;
	v20 =	vld.idx.msk [tilespmem:v28+s11+$0x0], $0xffff  }
0x6c: {  	[tilespmem:s24+$0x0] =	vst v22;
	v21 =	vor.u32 $0x7, v32;
	v28 =	vld.idx.msk [tilespmem:v29+s11+$0x0], $0xffff  }
0x6d: {  	[tilespmem:s24+$0x200] =	vst v24;
	v22 =	vor.u32 $0x1, v32;
	v29 =	vld.idx.msk [tilespmem:v30+s11+$0x0], $0xffff  }
0x6e: {  	v24 =	vor.u32 $0x2, v32;
	v25 =	vld.idx.msk [tilespmem:v25+s11+$0x0], $0xffff;
	[tilespmem:s24+$0x400] =	vst v31  }
0x6f: {  	v30 =	vor.u32 $0x3, v32;
	v17 =	vld.idx.msk [tilespmem:v17+s11+$0x0], $0xffff;
	[tilespmem:s24+$0x610] =	vst v18  }
0x70: {  	v26 =	vld.idx.msk [tilespmem:v26+s11+$0x0], $0xffff;
	[tilespmem:s24+$0xFFFFFA10] =	vst v27  }
0x71: {  	v18 =	vor.u32 $0x4, v32;
	[tilespmem:s24+$0xFFFFFC10] =	vst v20;
	v21 =	vld.idx.msk [tilespmem:v21+s11+$0x0], $0xffff  }
0x72: {  	v23 =	vor.u32 $0x5, v32;
	[tilespmem:s24+$0xFFFFFE10] =	vst v28;
	v22 =	vld.idx.msk [tilespmem:v22+s11+$0x0], $0xffff  }
0x73: {  	v31 =	vadd.s32 v15, v16;
	v27 =	vor.u32 $0x6, v32;
	[tilespmem:s24+$0x10] =	vst v29;
	v24 =	vld.idx.msk [tilespmem:v24+s11+$0x0], $0xffff  }
0x74: {  	v20 =	vor.u32 $0x7, v31;
	[tilespmem:s24+$0xFFFFF810] =	vst v25;
	v28 =	vld.idx.msk [tilespmem:v30+s11+$0x0], $0xffff  }
0x75: {  	v29 =	vor.u32 $0x1, v31;
	v32 =	vld.idx.msk [tilespmem:v32+s11+$0x0], $0xffff;
	[tilespmem:s24+$0x210] =	vst v17  }
0x76: {  	v30 =	vor.u32 $0x2, v31;
	v18 =	vld.idx.msk [tilespmem:v18+s11+$0x0], $0xffff;
	[tilespmem:s24+$0x410] =	vst v26  }
0x77: {  	v23 =	vld.idx.msk [tilespmem:v23+s11+$0x0], $0xffff;
	[tilespmem:s24+$0x680] =	vst v21  }
0x78: {  	v21 =	vor.u32 $0x3, v31;
	v27 =	vld.idx.msk [tilespmem:v27+s11+$0x0], $0xffff;
	[tilespmem:s24+$0xFFFFFA80] =	vst v22  }
0x79: {  	v26 =	vor.u32 $0x4, v31;
	[tilespmem:s24+$0xFFFFFC80] =	vst v24;
	v20 =	vld.idx.msk [tilespmem:v20+s11+$0x0], $0xffff  }
0x7a: {  	v33 =	vor.u32 $0x5, v31;
	v17 =	vimm.s32 $0x100;
	[tilespmem:s24+$0xFFFFFE80] =	vst v28;
	v29 =	vld.idx.msk [tilespmem:v29+s11+$0x0], $0xffff  }
0x7b: {  	v25 =	vadd.s32 v14, v17;
	v24 =	vor.u32 $0x6, v31;
	[tilespmem:s24+$0xFFFFF880] =	vst v32;
	v30 =	vld.idx.msk [tilespmem:v30+s11+$0x0], $0xffff  }
0x7c: {  	v22 =	vor.u32 $0x7, v25;
	v31 =	vld.idx.msk [tilespmem:v31+s11+$0x0], $0xffff;
	[tilespmem:s24+$0x80] =	vst v18  }
0x7d: {  	[tilespmem:s24+$0x280] =	vst v23;
	v21 =	vld.idx.msk [tilespmem:v21+s11+$0x0], $0xffff  }
0x7e: {  	v18 =	vor.u32 $0x1, v25;
	v26 =	vld.idx.msk [tilespmem:v26+s11+$0x0], $0xffff;
	[tilespmem:s24+$0x480] =	vst v27  }
0x7f: {  	v33 =	vld.idx.msk [tilespmem:v33+s11+$0x0], $0xffff;
	[tilespmem:s24+$0x690] =	vst v20;
	v20 =	vor.u32 $0x2, v25  }
0x80: {  	v23 =	vor.u32 $0x3, v25;
	v24 =	vld.idx.msk [tilespmem:v24+s11+$0x0], $0xffff;
	[tilespmem:s24+$0xFFFFFA90] =	vst v29  }
0x81: {  	v63 =	vor.u32 $0x4, v25;
	[tilespmem:s24+$0xFFFFF890] =	vst v31;
	v22 =	vld.idx.msk [tilespmem:v22+s11+$0x0], $0xffff  }
0x82: {  	v28 =	vadd.s32 v15, v17;
	v29 =	vor.u32 $0x5, v25;
	[tilespmem:s24+$0xFFFFFC90] =	vst v30;
	v30 =	vor.u32 $0x6, v25;
	v25 =	vld.idx.msk [tilespmem:v25+s11+$0x0], $0xffff  }
0x83: {  	v27 =	vor.u32 $0x7, v28;
	v34 =	vld.idx.msk [tilespmem:v18+s11+$0x0], $0xffff;
	[tilespmem:s24+$0xFFFFFE90] =	vst v21  }
0x84: {  	[tilespmem:s24+$0x90] =	vst v26;
	v20 =	vld.idx.msk [tilespmem:v20+s11+$0x0], $0xffff  }
0x85: {  	[tilespmem:s24+$0x290] =	vst v33;
	v21 =	vld.idx.msk [tilespmem:v23+s11+$0x0], $0xffff  }
0x86: {  	v32 =	vld.idx.msk [tilespmem:v63+s11+$0x0], $0xffff;
	[tilespmem:s24+$0x700] =	vst v22;
	v22 =	vor.u32 $0x1, v28  }
0x87: {  	v18 =	vimm.s32 $0x180;
	v26 =	vor.u32 $0x2, v28;
	v29 =	vld.idx.msk [tilespmem:v29+s11+$0x0], $0xffff;
	[tilespmem:s24+$0x490] =	vst v24  }
0x88: {  	v31 =	vor.u32 $0x4, v28;
	[tilespmem:s24+$0xFFFFF900] =	vst v25;
	v23 =	vld.idx.msk [tilespmem:v27+s11+$0x0], $0xffff;
	v27 =	vadd.s32 v14, v18  }
0x89: {  	v30 =	vld.idx.msk [tilespmem:v30+s11+$0x0], $0xffff;
	v24 =	vor.u32 $0x7, v27;
	[tilespmem:s24+$0xFFFFFB00] =	vst v34  }
0x8a: {  	v36 =	vor.u32 $0x3, v28;
	v37 =	vor.u32 $0x5, v28;
	v35 =	vor.u32 $0x6, v28;
	v28 =	vld.idx.msk [tilespmem:v28+s11+$0x0], $0xffff;
	[tilespmem:s24+$0xFFFFFD00] =	vst v20  }
0x8b: {  	[tilespmem:s24+$0xFFFFFF00] =	vst v21;
	v22 =	vld.idx.msk [tilespmem:v22+s11+$0x0], $0xffff  }
0x8c: {  	[tilespmem:s24+$0x100] =	vst v32;
	v26 =	vld.idx.msk [tilespmem:v26+s11+$0x0], $0xffff  }
0x8d: {  	v31 =	vld.idx.msk [tilespmem:v31+s11+$0x0], $0xffff;
	[tilespmem:s24+$0x710] =	vst v23;
	v23 =	vor.u32 $0x1, v27  }
0x8e: {  	v40 =	vor.u32 $0x4, v27;
	v20 =	vadd.s32 v15, v18;
	[tilespmem:s24+$0x300] =	vst v29;
	v21 =	vld.idx.msk [tilespmem:v24+s11+$0x0], $0xffff  }
0x8f: {  	v29 =	vor.u32 $0x7, v20;
	v39 =	vld.idx.msk [tilespmem:v37+s11+$0x0], $0xffff;
	[tilespmem:s24+$0x500] =	vst v30  }
0x90: {  	v38 =	vor.u32 $0x2, v27;
	[tilespmem:s24+$0xFFFFF910] =	vst v28;
	v24 =	vld.idx.msk [tilespmem:v36+s11+$0x0], $0xffff  }
0x91: {  	v30 =	vor.u32 $0x3, v27;
	v25 =	vld.idx.msk [tilespmem:v35+s11+$0x0], $0xffff;
	[tilespmem:s24+$0xFFFFFB10] =	vst v22  }
0x92: {  	[tilespmem:s24+$0x110] =	vst v31;
	v23 =	vld.idx.msk [tilespmem:v23+s11+$0x0], $0xffff  }
0x93: {  	v22 =	vor.u32 $0x5, v27;
	v41 =	vld.idx.msk [tilespmem:v40+s11+$0x0], $0xffff;
	[tilespmem:s24+$0x780] =	vst v21  }
0x94: {  	[tilespmem:s24+$0xFFFFFD10] =	vst v26;
	v21 =	vor.u32 $0x6, v27;
	v26 =	vld.idx.msk [tilespmem:v29+s11+$0x0], $0xffff  }
0x95: {  	[tilespmem:s24+$0xFFFFFF10] =	vst v24;
	v24 =	vor.u32 $0x1, v20;
	v29 =	vld.idx.msk [tilespmem:v38+s11+$0x0], $0xffff  }
0x96: {  	[tilespmem:s24+$0x510] =	vst v25;
	v25 =	vor.u32 $0x4, v20;
	v30 =	vld.idx.msk [tilespmem:v30+s11+$0x0], $0xffff  }
0x97: {  	v31 =	vor.u32 $0x2, v20;
	[tilespmem:s24+$0x310] =	vst v39;
	v27 =	vld.idx.msk [tilespmem:v27+s11+$0x0], $0xffff  }
0x98: {  	v42 =	vor.u32 $0x3, v20;
	v22 =	vld.idx.msk [tilespmem:v22+s11+$0x0], $0xffff;
	[tilespmem:s24+$0xFFFFFB80] =	vst v23  }
0x99: {  	v43 =	vor.u32 $0x5, v20;
	[tilespmem:s24+$0x180] =	vst v41;
	v28 =	vld.idx.msk [tilespmem:v21+s11+$0x0], $0xffff  }
0x9a: {  	v23 =	vor.u32 $0x6, v20;
	v24 =	vld.idx.msk [tilespmem:v24+s11+$0x0], $0xffff;
	v21 =	vadd.s32 $0x8, v19;
	[tilespmem:s24+$0xFFFFFD80] =	vst v29  }
0x9b: {  	v25 =	vld.idx.msk [tilespmem:v25+s11+$0x0], $0xffff;
	v19 =	vadd.s32 v14, v21;
	[tilespmem:s24+$0xFFFFFF80] =	vst v30  }
0x9c: {  	[tilespmem:s24+$0x790] =	vst v26;
	v29 =	vld.idx.msk [tilespmem:v31+s11+$0x0], $0xffff;
	v30 =	vor.u32 $0x7, v19  }
0x9d: {  	v31 =	vld.idx.msk [tilespmem:v42+s11+$0x0], $0xffff;
	v44 =	vor.u32 $0x1, v19;
	[tilespmem:s24+$0x380] =	vst v22  }
0x9e: {  	v26 =	vor.u32 $0x3, v19;
	v45 =	vld.idx.msk [tilespmem:v43+s11+$0x0], $0xffff;
	[tilespmem:s24+$0x580] =	vst v28  }
0x9f: {  	[tilespmem:s24+$0xFFFFF980] =	vst v27;
	v22 =	vor.u32 $0x2, v19;
	v23 =	vld.idx.msk [tilespmem:v23+s11+$0x0], $0xffff  }
0xa0: {  	v28 =	vor.u32 $0x4, v19;
	[tilespmem:s24+$0xFFFFFB90] =	vst v24;
	v27 =	vld.idx.msk [tilespmem:v19+s11+$0x0], $0xffff  }
0xa1: {  	v46 =	vor.u32 $0x5, v19;
	[tilespmem:s24+$0x190] =	vst v25;
	v24 =	vld.idx.msk [tilespmem:v30+s11+$0x0], $0xffff  }
0xa2: {  	v19 =	vor.u32 $0x6, v19;
	[tilespmem:s24+$0xFFFFFD90] =	vst v29;
	v29 =	vadd.s32 v15, v21;
	v30 =	vld.idx.msk [tilespmem:v44+s11+$0x0], $0xffff  }
0xa3: {  	[tilespmem:s24+$0xFFFFFF90] =	vst v31;
	v25 =	vld.idx.msk [tilespmem:v26+s11+$0x0], $0xffff;
	v31 =	vor.u32 $0x7, v29  }
0xa4: {  	v22 =	vld.idx.msk [tilespmem:v22+s11+$0x0], $0xffff;
	v47 =	vor.u32 $0x1, v29  }
0xa5: {  	s25 =	simm.s32 $0xA380;
	v28 =	vld.idx.msk [tilespmem:v28+s11+$0x0], $0xffff;
	[tilespmem:s24+$0x590] =	vst v23  }
0xa6: {  	v26 =	vor.u32 $0x2, v29;
	v23 =	vld.idx.msk [tilespmem:v46+s11+$0x0], $0xffff;
	[tilespmem:s25+$0xFFFFF800] =	vst v27  }
0xa7: {  	v48 =	vor.u32 $0x3, v29;
	v19 =	vld.idx.msk [tilespmem:v19+s11+$0x0], $0xffff;
	[tilespmem:s25+$0x600] =	vst v24  }
0xa8: {  	v49 =	vor.u32 $0x4, v29;
	[tilespmem:s25+$0xFFFFFA00] =	vst v30;
	v30 =	vld.idx.msk [tilespmem:v31+s11+$0x0], $0xffff  }
0xa9: {  	v16 =	vadd.s32 $0x8, v16;
	v24 =	vor.u32 $0x5, v29;
	[tilespmem:s25+$0xFFFFFE00] =	vst v25;
	v32 =	vld.idx.msk [tilespmem:v47+s11+$0x0], $0xffff  }
0xaa: {  	v50 =	vadd.s32 v14, v16;
	v31 =	vor.u32 $0x6, v29;
	[tilespmem:s25+$0xFFFFFC00] =	vst v22;
	v29 =	vld.idx.msk [tilespmem:v29+s11+$0x0], $0xffff  }
0xab: {  	v25 =	vor.u32 $0x7, v50;
	v22 =	vld.idx.msk [tilespmem:v26+s11+$0x0], $0xffff;
	[tilespmem:s25+$0x0] =	vst v28  }
0xac: {  	v26 =	vld.idx.msk [tilespmem:v48+s11+$0x0], $0xffff;
	[tilespmem:s25+$0x200] =	vst v23  }
0xad: {  	v28 =	vor.u32 $0x1, v50;
	v51 =	vld.idx.msk [tilespmem:v49+s11+$0x0], $0xffff;
	[tilespmem:s25+$0x400] =	vst v19  }
0xae: {  	v23 =	vor.u32 $0x2, v50;
	v24 =	vld.idx.msk [tilespmem:v24+s11+$0x0], $0xffff;
	[tilespmem:s25+$0x610] =	vst v30  }
0xaf: {  	v19 =	vor.u32 $0x3, v50;
	v31 =	vld.idx.msk [tilespmem:v31+s11+$0x0], $0xffff;
	[tilespmem:s25+$0xFFFFFA10] =	vst v32  }
0xb0: {  	v30 =	vor.u32 $0x4, v50;
	[tilespmem:s25+$0xFFFFF810] =	vst v29;
	v25 =	vld.idx.msk [tilespmem:v25+s11+$0x0], $0xffff  }
0xb1: {  	v27 =	vor.u32 $0x5, v50;
	[tilespmem:s25+$0xFFFFFC10] =	vst v22;
	v54 =	vld.idx.msk [tilespmem:v50+s11+$0x0], $0xffff  }
0xb2: {  	v52 =	vadd.s32 v15, v16;
	v53 =	vor.u32 $0x6, v50;
	[tilespmem:s25+$0xFFFFFE10] =	vst v26;
	v28 =	vld.idx.msk [tilespmem:v28+s11+$0x0], $0xffff  }
0xb3: {  	v22 =	vor.u32 $0x7, v52;
	v23 =	vld.idx.msk [tilespmem:v23+s11+$0x0], $0xffff;
	[tilespmem:s25+$0x10] =	vst v51  }
0xb4: {  	v19 =	vld.idx.msk [tilespmem:v19+s11+$0x0], $0xffff;
	[tilespmem:s25+$0x210] =	vst v24  }
0xb5: {  	v26 =	vor.u32 $0x1, v52;
	v30 =	vld.idx.msk [tilespmem:v30+s11+$0x0], $0xffff;
	[tilespmem:s25+$0x410] =	vst v31  }
0xb6: {  	v24 =	vor.u32 $0x2, v52;
	v27 =	vld.idx.msk [tilespmem:v27+s11+$0x0], $0xffff;
	[tilespmem:s25+$0x680] =	vst v25  }
0xb7: {  	v25 =	vor.u32 $0x3, v52;
	v32 =	vld.idx.msk [tilespmem:v53+s11+$0x0], $0xffff;
	[tilespmem:s25+$0xFFFFF880] =	vst v54  }
0xb8: {  	v17 =	vadd.s32 $0x8, v17;
	v31 =	vor.u32 $0x4, v52;
	v22 =	vld.idx.msk [tilespmem:v22+s11+$0x0], $0xffff;
	[tilespmem:s25+$0xFFFFFA80] =	vst v28  }
0xb9: {  	v55 =	vor.u32 $0x5, v52;
	v29 =	vadd.s32 v14, v17;
	v34 =	vld.idx.msk [tilespmem:v52+s11+$0x0], $0xffff;
	[tilespmem:s25+$0xFFFFFC80] =	vst v23  }
0xba: {  	v28 =	vor.u32 $0x7, v29;
	v26 =	vld.idx.msk [tilespmem:v26+s11+$0x0], $0xffff;
	[tilespmem:s25+$0xFFFFFE80] =	vst v19  }
0xbb: {  	v23 =	vor.u32 $0x6, v52;
	v24 =	vld.idx.msk [tilespmem:v24+s11+$0x0], $0xffff;
	[tilespmem:s25+$0x80] =	vst v30  }
0xbc: {  	[tilespmem:s25+$0x280] =	vst v27;
	v19 =	vld.idx.msk [tilespmem:v25+s11+$0x0], $0xffff  }
0xbd: {  	v25 =	vor.u32 $0x1, v29;
	v30 =	vld.idx.msk [tilespmem:v31+s11+$0x0], $0xffff;
	[tilespmem:s25+$0x480] =	vst v32  }
0xbe: {  	v35 =	vld.idx.msk [tilespmem:v55+s11+$0x0], $0xffff;
	[tilespmem:s25+$0x690] =	vst v22;
	v22 =	vor.u32 $0x2, v29  }
0xbf: {  	v57 =	vor.u32 $0x4, v29;
	[tilespmem:s25+$0xFFFFF890] =	vst v34;
	v27 =	vld.idx.msk [tilespmem:v28+s11+$0x0], $0xffff  }
0xc0: {  	v31 =	vadd.s32 v15, v17;
	v28 =	vor.u32 $0x3, v29;
	v23 =	vld.idx.msk [tilespmem:v23+s11+$0x0], $0xffff;
	[tilespmem:s25+$0xFFFFFA90] =	vst v26  }
0xc1: {  	v56 =	vor.u32 $0x7, v31;
	v26 =	vor.u32 $0x5, v29;
	[tilespmem:s25+$0xFFFFFC90] =	vst v24;
	v24 =	vor.u32 $0x6, v29;
	v29 =	vld.idx.msk [tilespmem:v29+s11+$0x0], $0xffff  }
0xc2: {  	v25 =	vld.idx.msk [tilespmem:v25+s11+$0x0], $0xffff;
	[tilespmem:s25+$0xFFFFFE90] =	vst v19  }
0xc3: {  	[tilespmem:s25+$0x90] =	vst v30;
	v22 =	vld.idx.msk [tilespmem:v22+s11+$0x0], $0xffff  }
0xc4: {  	[tilespmem:s25+$0x290] =	vst v35;
	v58 =	vld.idx.msk [tilespmem:v57+s11+$0x0], $0xffff  }
0xc5: {  	v18 =	vadd.s32 $0x8, v18;
	v19 =	vld.idx.msk [tilespmem:v28+s11+$0x0], $0xffff;
	[tilespmem:s25+$0x700] =	vst v27;
	v27 =	vor.u32 $0x1, v31  }
0xc6: {  	v36 =	vadd.s32 v14, v18;
	v30 =	vor.u32 $0x2, v31;
	[tilespmem:s25+$0x490] =	vst v23;
	v28 =	vld.idx.msk [tilespmem:v56+s11+$0x0], $0xffff  }
0xc7: {  	v26 =	vld.idx.msk [tilespmem:v26+s11+$0x0], $0xffff;
	v23 =	vor.u32 $0x7, v36;
	[tilespmem:s25+$0xFFFFF900] =	vst v29  }
0xc8: {  	v60 =	vor.u32 $0x4, v31;
	v24 =	vld.idx.msk [tilespmem:v24+s11+$0x0], $0xffff;
	[tilespmem:s25+$0xFFFFFB00] =	vst v25  }
0xc9: {  	v59 =	vor.u32 $0x3, v31;
	v62 =	vld.idx.msk [tilespmem:v31+s11+$0x0], $0xffff;
	[tilespmem:s25+$0xFFFFFD00] =	vst v22  }
0xca: {  	v25 =	vor.u32 $0x5, v31;
	[tilespmem:s25+$0x100] =	vst v58;
	v27 =	vld.idx.msk [tilespmem:v27+s11+$0x0], $0xffff  }
0xcb: {  	v22 =	vor.u32 $0x6, v31;
	v30 =	vld.idx.msk [tilespmem:v30+s11+$0x0], $0xffff;
	[tilespmem:s25+$0x710] =	vst v28  }
0xcc: {  	[tilespmem:s25+$0xFFFFFF00] =	vst v19;
	v19 =	vadd.s32 v15, v18;
	v28 =	vor.u32 $0x1, v36;
	v23 =	vld.idx.msk [tilespmem:v23+s11+$0x0], $0xffff  }
0xcd: {  	v34 =	vld.idx.msk [tilespmem:v60+s11+$0x0], $0xffff;
	[tilespmem:s25+$0x300] =	vst v26;
	v26 =	vor.u32 $0x7, v19  }
0xce: {  	v61 =	vor.u32 $0x2, v36;
	v33 =	vld.idx.msk [tilespmem:v59+s11+$0x0], $0xffff;
	[tilespmem:s25+$0x500] =	vst v24  }
0xcf: {  	v29 =	vor.u32 $0x4, v36;
	[tilespmem:s25+$0xFFFFF910] =	vst v62;
	v25 =	vld.idx.msk [tilespmem:v25+s11+$0x0], $0xffff  }
0xd0: {  	v24 =	vor.u32 $0x3, v36;
	v22 =	vld.idx.msk [tilespmem:v22+s11+$0x0], $0xffff;
	[tilespmem:s25+$0xFFFFFB10] =	vst v27  }
0xd1: {  	v27 =	vor.u32 $0x5, v36;
	v37 =	vld.idx.msk [tilespmem:v28+s11+$0x0], $0xffff;
	[tilespmem:s25+$0x780] =	vst v23  }
0xd2: {  	[tilespmem:s25+$0xFFFFFD10] =	vst v30;
	v26 =	vld.idx.msk [tilespmem:v26+s11+$0x0], $0xffff  }
0xd3: {  	[tilespmem:s25+$0x110] =	vst v34;
	v38 =	vld.idx.msk [tilespmem:v61+s11+$0x0], $0xffff;
	v23 =	vor.u32 $0x6, v36  }
0xd4: {  	[tilespmem:s25+$0xFFFFFF10] =	vst v33;
	v31 =	vld.idx.msk [tilespmem:v29+s11+$0x0], $0xffff  }
0xd5: {  	v63 =	vor.u32 $0x1, v19;
	v32 =	vld.idx.msk [tilespmem:v24+s11+$0x0], $0xffff;
	[tilespmem:s25+$0x310] =	vst v25  }
0xd6: {  	[tilespmem:s25+$0x510] =	vst v22;
	v28 =	vld.idx.msk [tilespmem:v27+s11+$0x0], $0xffff;
	v27 =	vor.u32 $0x2, v19  }
0xd7: {  	v29 =	vld.idx.msk [tilespmem:v36+s11+$0x0], $0xffff;
	[tilespmem:s25+$0x790] =	vst v26;
	v26 =	vor.u32 $0x3, v19  }
0xd8: {  	[tilespmem:s24+$0x390] =	vst v45;
	v30 =	vld.idx.msk [tilespmem:v23+s11+$0x0], $0xffff;
	v23 =	vor.u32 $0x4, v19  }
0xd9: {  	v24 =	vor.u32 $0x5, v19;
	v22 =	vld.idx.msk [tilespmem:v20+s11+$0x0], $0xffff;
	[tilespmem:s25+$0xFFFFFB80] =	vst v37  }
0xda: {  	s26 =	simm.s32 $0x8;
	s22 =	sadd.s32 $0x880, s22;
	v25 =	vor.u32 $0x6, v19;
	v20 =	vadd.s32 $0x8, v21;
	[tilespmem:s25+$0xFFFFFD80] =	vst v38;
	v33 =	vld.idx.msk [tilespmem:v63+s11+$0x0], $0xffff  }
.LBB2_3:
0xdb: {  	v21 =	vadd.s32 v14, v20;
	s26 =	sadd.s32 $0x8, s26;
	v27 =	vld.idx.msk [tilespmem:v27+s11+$0x0], $0xffff;
	[tilespmem:s25+$0xFFFFFF80] =	vst v32  }
0xdc: {  	v32 =	vor.u32 $0x1, v21;
	v34 =	vor.u32 $0x2, v21;
	v35 =	vor.u32 $0x7, v21;
	p0 =	slt.u32 s26, $0x78;
	v26 =	vld.idx.msk [tilespmem:v26+s11+$0x0], $0xffff;
	[tilespmem:s25+$0x180] =	vst v31  }
0xdd: {  	v31 =	vor.u32 $0x3, v21;
	v36 =	vor.u32 $0x4, v21;
	v37 =	vor.u32 $0x5, v21;
	v23 =	vld.idx.msk [tilespmem:v23+s11+$0x0], $0xffff;
	[tilespmem:s25+$0x380] =	vst v28  }
0xde: {  	v28 =	vor.u32 $0x6, v21;
	v24 =	vld.idx.msk [tilespmem:v24+s11+$0x0], $0xffff;
	[tilespmem:s25+$0x580] =	vst v30  }
0xdf: {  	[tilespmem:s25+$0xFFFFF980] =	vst v29;
	v25 =	vld.idx.msk [tilespmem:v25+s11+$0x0], $0xffff  }
0xe0: {  	v21 =	vld.idx.msk [tilespmem:v21+s11+$0x0], $0xffff;
	[tilespmem:s25+$0xFFFFFB90] =	vst v33  }
0xe1: {  	v29 =	vld.idx.msk [tilespmem:v35+s11+$0x0], $0xffff;
	[tilespmem:s25+$0xFFFFFD90] =	vst v27  }
0xe2: {  	v27 =	vadd.s32 v15, v20;
	v30 =	vld.idx.msk [tilespmem:v32+s11+$0x0], $0xffff;
	[tilespmem:s25+$0xFFFFFF90] =	vst v26  }
0xe3: {  	v26 =	vor.u32 $0x1, v27;
	v33 =	vor.u32 $0x2, v27;
	v32 =	vld.idx.msk [tilespmem:v34+s11+$0x0], $0xffff;
	v34 =	vor.u32 $0x7, v27;
	[tilespmem:s25+$0x190] =	vst v23  }
0xe4: {  	v35 =	vor.u32 $0x4, v27;
	v38 =	vor.u32 $0x5, v27;
	v23 =	vld.idx.msk [tilespmem:v31+s11+$0x0], $0xffff;
	v31 =	vor.u32 $0x3, v27;
	[tilespmem:s25+$0x390] =	vst v24  }
0xe5: {  	v24 =	vld.idx.msk [tilespmem:v36+s11+$0x0], $0xffff;
	v36 =	vor.u32 $0x6, v27;
	[tilespmem:s25+$0x590] =	vst v25  }
0xe6: {  	v25 =	vld.idx.msk [tilespmem:v37+s11+$0x0], $0xffff;
	[tilespmem:s24+$0xFFFFF990] =	vst v22;
	s24 =	smov.u32 s25;
	s25 =	sadd.s32 $0x1000, s25  }
0xe7: {  	v22 =	vld.idx.msk [tilespmem:v28+s11+$0x0], $0xffff;
	[tilespmem:s25+$0x600] =	vst v29  }
0xe8: {  	v16 =	vadd.s32 $0x8, v16;
	[tilespmem:s25+$0xFFFFFA00] =	vst v30;
	v28 =	vld.idx.msk [tilespmem:v34+s11+$0x0], $0xffff  }
0xe9: {  	v29 =	vadd.s32 v14, v16;
	v26 =	vld.idx.msk [tilespmem:v26+s11+$0x0], $0xffff;
	[tilespmem:s25+$0xFFFFFC00] =	vst v32  }
0xea: {  	v30 =	vor.u32 $0x1, v29;
	v32 =	vld.idx.msk [tilespmem:v33+s11+$0x0], $0xffff;
	v33 =	vor.u32 $0x2, v29;
	[tilespmem:s25+$0xFFFFFE00] =	vst v23;
	v23 =	vor.u32 $0x7, v29  }
0xeb: {  	v34 =	vor.u32 $0x3, v29;
	v37 =	vor.u32 $0x5, v29;
	v31 =	vld.idx.msk [tilespmem:v31+s11+$0x0], $0xffff;
	[tilespmem:s25+$0x0] =	vst v24;
	v24 =	vor.u32 $0x4, v29  }
0xec: {  	v35 =	vld.idx.msk [tilespmem:v35+s11+$0x0], $0xffff;
	[tilespmem:s25+$0x200] =	vst v25;
	v25 =	vor.u32 $0x6, v29  }
0xed: {  	v38 =	vld.idx.msk [tilespmem:v38+s11+$0x0], $0xffff;
	[tilespmem:s25+$0x400] =	vst v22  }
0xee: {  	v22 =	vld.idx.msk [tilespmem:v36+s11+$0x0], $0xffff;
	[tilespmem:s25+$0x610] =	vst v28  }
0xef: {  	[tilespmem:s25+$0xFFFFF800] =	vst v21;
	v21 =	vld.idx.msk [tilespmem:v23+s11+$0x0], $0xffff  }
0xf0: {  	v23 =	vld.idx.msk [tilespmem:v27+s11+$0x0], $0xffff;
	v27 =	vadd.s32 v15, v16;
	[tilespmem:s25+$0xFFFFFA10] =	vst v26  }
0xf1: {  	v26 =	vld.idx.msk [tilespmem:v30+s11+$0x0], $0xffff;
	v28 =	vor.u32 $0x1, v27;
	[tilespmem:s25+$0xFFFFFC10] =	vst v32;
	v30 =	vor.u32 $0x2, v27;
	v32 =	vor.u32 $0x7, v27  }
0xf2: {  	v36 =	vor.u32 $0x4, v27;
	v39 =	vor.u32 $0x5, v27;
	v33 =	vld.idx.msk [tilespmem:v33+s11+$0x0], $0xffff;
	[tilespmem:s25+$0xFFFFFE10] =	vst v31;
	v31 =	vor.u32 $0x3, v27  }
0xf3: {  	v34 =	vld.idx.msk [tilespmem:v34+s11+$0x0], $0xffff;
	[tilespmem:s25+$0x10] =	vst v35;
	v35 =	vor.u32 $0x6, v27  }
0xf4: {  	v24 =	vld.idx.msk [tilespmem:v24+s11+$0x0], $0xffff;
	[tilespmem:s25+$0x210] =	vst v38  }
0xf5: {  	v37 =	vld.idx.msk [tilespmem:v37+s11+$0x0], $0xffff;
	[tilespmem:s25+$0x680] =	vst v21  }
0xf6: {  	v17 =	vadd.s32 $0x8, v17;
	[tilespmem:s25+$0x410] =	vst v22;
	v21 =	vld.idx.msk [tilespmem:v32+s11+$0x0], $0xffff  }
0xf7: {  	v22 =	vadd.s32 v14, v17;
	[tilespmem:s25+$0xFFFFF810] =	vst v23;
	v23 =	vld.idx.msk [tilespmem:v25+s11+$0x0], $0xffff  }
0xf8: {  	v32 =	vor.u32 $0x7, v22;
	v25 =	vld.idx.msk [tilespmem:v29+s11+$0x0], $0xffff;
	[tilespmem:s25+$0xFFFFFA80] =	vst v26;
	v26 =	vor.u32 $0x1, v22;
	v29 =	vor.u32 $0x2, v22  }
0xf9: {  	v38 =	vor.u32 $0x4, v22;
	v40 =	vor.u32 $0x5, v22;
	v28 =	vld.idx.msk [tilespmem:v28+s11+$0x0], $0xffff;
	[tilespmem:s25+$0xFFFFFC80] =	vst v33;
	v33 =	vor.u32 $0x3, v22  }
0xfa: {  	v30 =	vld.idx.msk [tilespmem:v30+s11+$0x0], $0xffff;
	[tilespmem:s25+$0xFFFFFE80] =	vst v34;
	v34 =	vor.u32 $0x6, v22  }
0xfb: {  	v31 =	vld.idx.msk [tilespmem:v31+s11+$0x0], $0xffff;
	[tilespmem:s25+$0x80] =	vst v24  }
0xfc: {  	v24 =	vld.idx.msk [tilespmem:v36+s11+$0x0], $0xffff;
	[tilespmem:s25+$0x690] =	vst v21  }
0xfd: {  	[tilespmem:s25+$0x280] =	vst v37;
	v21 =	vld.idx.msk [tilespmem:v32+s11+$0x0], $0xffff  }
0xfe: {  	v32 =	vadd.s32 v15, v17;
	v36 =	vld.idx.msk [tilespmem:v39+s11+$0x0], $0xffff;
	[tilespmem:s25+$0x480] =	vst v23  }
0xff: {  	v23 =	vor.u32 $0x1, v32;
	v37 =	vor.u32 $0x7, v32;
	[tilespmem:s25+$0xFFFFF880] =	vst v25;
	v25 =	vor.u32 $0x2, v32;
	v35 =	vld.idx.msk [tilespmem:v35+s11+$0x0], $0xffff  }
0x100: {  	v39 =	vor.u32 $0x4, v32;
	v41 =	vor.u32 $0x5, v32;
	v27 =	vld.idx.msk [tilespmem:v27+s11+$0x0], $0xffff;
	[tilespmem:s25+$0xFFFFFA90] =	vst v28;
	v28 =	vor.u32 $0x3, v32  }
0x101: {  	v26 =	vld.idx.msk [tilespmem:v26+s11+$0x0], $0xffff;
	[tilespmem:s25+$0xFFFFFC90] =	vst v30;
	v30 =	vor.u32 $0x6, v32  }
0x102: {  	v29 =	vld.idx.msk [tilespmem:v29+s11+$0x0], $0xffff;
	[tilespmem:s25+$0xFFFFFE90] =	vst v31  }
0x103: {  	v31 =	vld.idx.msk [tilespmem:v33+s11+$0x0], $0xffff;
	[tilespmem:s25+$0x700] =	vst v21  }
0x104: {  	v18 =	vadd.s32 $0x8, v18;
	[tilespmem:s25+$0x90] =	vst v24;
	v21 =	vld.idx.msk [tilespmem:v37+s11+$0x0], $0xffff  }
0x105: {  	v33 =	vadd.s32 v14, v18;
	v24 =	vld.idx.msk [tilespmem:v38+s11+$0x0], $0xffff;
	[tilespmem:s25+$0x290] =	vst v36  }
0x106: {  	v37 =	vor.u32 $0x2, v33;
	v36 =	vor.u32 $0x1, v33;
	v38 =	vld.idx.msk [tilespmem:v40+s11+$0x0], $0xffff;
	[tilespmem:s25+$0x490] =	vst v35;
	v35 =	vor.u32 $0x7, v33  }
0x107: {  	v42 =	vor.u32 $0x4, v33;
	v43 =	vor.u32 $0x5, v33;
	v40 =	vor.u32 $0x3, v33;
	[tilespmem:s25+$0xFFFFF890] =	vst v27;
	v34 =	vld.idx.msk [tilespmem:v34+s11+$0x0], $0xffff  }
0x108: {  	v44 =	vor.u32 $0x6, v33;
	v22 =	vld.idx.msk [tilespmem:v22+s11+$0x0], $0xffff;
	[tilespmem:s25+$0xFFFFFB00] =	vst v26  }
0x109: {  	v45 =	vld.idx.msk [tilespmem:v23+s11+$0x0], $0xffff;
	[tilespmem:s25+$0xFFFFFD00] =	vst v29  }
0x10a: {  	v29 =	vld.idx.msk [tilespmem:v25+s11+$0x0], $0xffff;
	[tilespmem:s25+$0x710] =	vst v21  }
0x10b: {  	[tilespmem:s25+$0xFFFFFF00] =	vst v31;
	v21 =	vld.idx.msk [tilespmem:v35+s11+$0x0], $0xffff  }
0x10c: {  	v35 =	vadd.s32 v15, v18;
	v28 =	vld.idx.msk [tilespmem:v28+s11+$0x0], $0xffff;
	[tilespmem:s25+$0x100] =	vst v24  }
0x10d: {  	v46 =	vor.u32 $0x1, v35;
	v27 =	vor.u32 $0x2, v35;
	v31 =	vld.idx.msk [tilespmem:v39+s11+$0x0], $0xffff;
	[tilespmem:s25+$0x300] =	vst v38;
	v38 =	vor.u32 $0x7, v35  }
0x10e: {  	v26 =	vor.u32 $0x3, v35;
	v23 =	vor.u32 $0x4, v35;
	v24 =	vor.u32 $0x5, v35;
	v39 =	vld.idx.msk [tilespmem:v41+s11+$0x0], $0xffff;
	[tilespmem:s25+$0x500] =	vst v34  }
0x10f: {  	v25 =	vor.u32 $0x6, v35;
	[tilespmem:s25+$0xFFFFF900] =	vst v22;
	v22 =	vld.idx.msk [tilespmem:v30+s11+$0x0], $0xffff  }
0x110: {  	v30 =	vld.idx.msk [tilespmem:v32+s11+$0x0], $0xffff;
	[tilespmem:s25+$0xFFFFFB10] =	vst v45  }
0x111: {  	v34 =	vld.idx.msk [tilespmem:v36+s11+$0x0], $0xffff;
	[tilespmem:s25+$0x780] =	vst v21  }
0x112: {  	[tilespmem:s25+$0xFFFFFD10] =	vst v29;
	v21 =	vld.idx.msk [tilespmem:v38+s11+$0x0], $0xffff  }
0x113: {  	v36 =	vld.idx.msk [tilespmem:v37+s11+$0x0], $0xffff;
	[tilespmem:s25+$0xFFFFFF10] =	vst v28  }
0x114: {  	v32 =	vld.idx.msk [tilespmem:v40+s11+$0x0], $0xffff;
	[tilespmem:s25+$0x110] =	vst v31  }
0x115: {  	v31 =	vld.idx.msk [tilespmem:v42+s11+$0x0], $0xffff;
	[tilespmem:s25+$0x310] =	vst v39  }
.Ltmp0:
0x116: {  	v28 =	vld.idx.msk [tilespmem:v43+s11+$0x0], $0xffff;
	[tilespmem:s25+$0x510] =	vst v22;
	(pc) =	sbr.rel @p0 .LBB2_3-.Ltmp0, $4  }
0x117: {  	[tilespmem:s25+$0xFFFFF910] =	vst v30;
	v30 =	vld.idx.msk [tilespmem:v44+s11+$0x0], $0xffff  }
0x118: {  	v29 =	vld.idx.msk [tilespmem:v33+s11+$0x0], $0xffff;
	[tilespmem:s25+$0x790] =	vst v21  }
0x119: {  	[tilespmem:s25+$0xFFFFFB80] =	vst v34;
	v22 =	vld.idx.msk [tilespmem:v19+s11+$0x0], $0xffff;
	v19 =	vmov v35  }
0x11a: {  	v20 =	vadd.s32 $0x8, v20;
	v33 =	vld.idx.msk [tilespmem:v46+s11+$0x0], $0xffff;
	[tilespmem:s25+$0xFFFFFD80] =	vst v36  }
0x11b: {  	_ =	sdelay $0x1  }
0x11c: {  	[tilespmem:s25+$0xFFFFFF80] =	vst v32  }
0x11d: {  	[tilespmem:s25+$0x180] =	vst v31  }
0x11e: {  	v14 =	vld.idx.msk [tilespmem:v27+s11+$0x0], $0xffff;
	[tilespmem:s25+$0x380] =	vst v28  }
0x11f: {  	v15 =	vld.idx.msk [tilespmem:v26+s11+$0x0], $0xffff;
	[tilespmem:s25+$0x580] =	vst v30  }
0x120: {  	v16 =	vld.idx.msk [tilespmem:v23+s11+$0x0], $0xffff;
	[tilespmem:s25+$0xFFFFF980] =	vst v29  }
0x121: {  	v17 =	vld.idx.msk [tilespmem:v24+s11+$0x0], $0xffff;
	[tilespmem:s24+$0xFFFFF990] =	vst v22  }
0x122: {  	v18 =	vld.idx.msk [tilespmem:v25+s11+$0x0], $0xffff;
	[tilespmem:s25+$0xFFFFFB90] =	vst v33  }
0x123: {  	[tilespmem:s25+$0xFFFFFD90] =	vst v14;
	v14 =	vld.idx.msk [tilespmem:v19+s11+$0x0], $0xffff  }
0x124: {  	[tilespmem:s25+$0xFFFFFF90] =	vst v15  }
0x125: {  	[tilespmem:s25+$0x190] =	vst v16  }
0x126: {  	[tilespmem:s25+$0x390] =	vst v17  }
0x127: {  	[tilespmem:s25+$0x590] =	vst v18  }
0x128: {  	[tilespmem:s25+$0xFFFFF990] =	vst v14  }
0x129: {  	v14 =	vld [tilespmem:s23+$0x40];
	_ =	sdelay $0x4  }
0x12a: {  	vm0 =	vlt.s32 v14, $0x7CF  }
0x12b: {  	v14 =	vnsel vm0, $0x7CF, v14  }
0x12c: {  	v14 =	vshll.u32 v14, $0x5  }
0x12d: {  	v14 =	vor.u32 v1, v14  }
0x12e: {  	[tilespmem:$0x840] =	vst v14  }
0x12f: {  	v14 =	vld [tilespmem:s23+$0x50];
	_ =	sdelay $0x4  }
0x130: {  	vm13 =	vlt.s32 v14, $0x7CF  }
0x131: {  	v14 =	vnsel vm13, $0x7CF, v14  }
0x132: {  	v14 =	vshll.u32 v14, $0x5  }
0x133: {  	v14 =	vor.u32 v1, v14  }
0x134: {  	[tilespmem:$0x850] =	vst v14  }
0x135: {  	[tilespmem:s11], [sflag:$0x1] =	stream.indirect.gather [hbm4b:s2+s9], $0x200, s15, s9, $0xb8;
	[tilespmem:$0x18B80] =	vst v63  }
0x136: {  	_ =	swait.ge [sflag:s16], $0x4000  }
0x137: {  	[sflag:s16] =	ssyncset.done $0x0  }
0x138: {  	[sflag:s16] =	ssyncadd.s32 $0xFFFFC000  }
0x139: {  	v14 =	vld [tilespmem:s23+$0x20];
	_ =	sdelay $0x4  }
0x13a: {  	vm14 =	vlt.s32 v14, $0x7D0  }
0x13b: {  	v19 =	vimm.s32 $0x0;
	v14 =	vnsel vm14, $0x8000, v12  }
0x13c: {  	v15 =	vld [tilespmem:s23+$0x30];
	v16 =	vadd.s32 v14, v19  }
0x13d: {  	v17 =	vor.u32 $0x7, v16  }
0x13e: {  	v18 =	vor.u32 $0x1, v16  }
0x13f: {  	v20 =	vor.u32 $0x2, v16  }
0x140: {  	v21 =	vor.u32 $0x3, v16  }
0x141: {  	vm15 =	vlt.s32 v15, $0x7D0;
	v22 =	vor.u32 $0x4, v16;
	v23 =	vld.idx.msk [tilespmem:v16+s11+$0x0], $0xffff  }
0x142: {  	v15 =	vnsel vm15, $0x8000, v13;
	v24 =	vor.u32 $0x5, v16;
	v17 =	vld.idx.msk [tilespmem:v17+s11+$0x0], $0xffff  }
0x143: {  	v25 =	vadd.s32 v15, v19;
	v16 =	vor.u32 $0x6, v16;
	v18 =	vld.idx.msk [tilespmem:v18+s11+$0x0], $0xffff  }
0x144: {  	v26 =	vor.u32 $0x7, v25;
	v20 =	vld.idx.msk [tilespmem:v20+s11+$0x0], $0xffff  }
0x145: {  	v27 =	vor.u32 $0x1, v25;
	v21 =	vld.idx.msk [tilespmem:v21+s11+$0x0], $0xffff  }
0x146: {  	s24 =	simm.s32 $0x93A0;
	v28 =	vor.u32 $0x2, v25;
	v22 =	vld.idx.msk [tilespmem:v22+s11+$0x0], $0xffff  }
0x147: {  	v29 =	vor.u32 $0x3, v25;
	v24 =	vld.idx.msk [tilespmem:v24+s11+$0x0], $0xffff;
	[tilespmem:s24+$0xFFFFF800] =	vst v23  }
0x148: {  	v30 =	vor.u32 $0x4, v25;
	v31 =	vld.idx.msk [tilespmem:v16+s11+$0x0], $0xffff;
	[tilespmem:s24+$0x600] =	vst v17  }
0x149: {  	[tilespmem:s24+$0xFFFFFA00] =	vst v18;
	v18 =	vld.idx.msk [tilespmem:v26+s11+$0x0], $0xffff  }
0x14a: {  	v16 =	vimm.s32 $0x80;
	v17 =	vor.u32 $0x5, v25;
	[tilespmem:s24+$0xFFFFFC00] =	vst v20;
	v27 =	vld.idx.msk [tilespmem:v27+s11+$0x0], $0xffff  }
0x14b: {  	v61 =	vadd.s32 v14, v16;
	[tilespmem:s24+$0xFFFFFE00] =	vst v21;
	v26 =	vor.u32 $0x6, v25;
	v20 =	vld.idx.msk [tilespmem:v28+s11+$0x0], $0xffff  }
0x14c: {  	[tilespmem:s24+$0x0] =	vst v22;
	v21 =	vor.u32 $0x7, v61;
	v28 =	vld.idx.msk [tilespmem:v29+s11+$0x0], $0xffff  }
0x14d: {  	[tilespmem:s24+$0x200] =	vst v24;
	v22 =	vor.u32 $0x1, v61;
	v29 =	vld.idx.msk [tilespmem:v30+s11+$0x0], $0xffff  }
0x14e: {  	v24 =	vor.u32 $0x2, v61;
	v25 =	vld.idx.msk [tilespmem:v25+s11+$0x0], $0xffff;
	[tilespmem:s24+$0x400] =	vst v31  }
0x14f: {  	v30 =	vor.u32 $0x3, v61;
	v17 =	vld.idx.msk [tilespmem:v17+s11+$0x0], $0xffff;
	[tilespmem:s24+$0x610] =	vst v18  }
0x150: {  	v26 =	vld.idx.msk [tilespmem:v26+s11+$0x0], $0xffff;
	[tilespmem:s24+$0xFFFFFA10] =	vst v27  }
0x151: {  	v18 =	vor.u32 $0x4, v61;
	[tilespmem:s24+$0xFFFFFC10] =	vst v20;
	v21 =	vld.idx.msk [tilespmem:v21+s11+$0x0], $0xffff  }
0x152: {  	v23 =	vor.u32 $0x5, v61;
	[tilespmem:s24+$0xFFFFFE10] =	vst v28;
	v22 =	vld.idx.msk [tilespmem:v22+s11+$0x0], $0xffff  }
0x153: {  	v31 =	vadd.s32 v15, v16;
	v27 =	vor.u32 $0x6, v61;
	[tilespmem:s24+$0x10] =	vst v29;
	v24 =	vld.idx.msk [tilespmem:v24+s11+$0x0], $0xffff  }
0x154: {  	v20 =	vor.u32 $0x7, v31;
	[tilespmem:s24+$0xFFFFF810] =	vst v25;
	v28 =	vld.idx.msk [tilespmem:v30+s11+$0x0], $0xffff  }
0x155: {  	v29 =	vor.u32 $0x1, v31;
	v32 =	vld.idx.msk [tilespmem:v61+s11+$0x0], $0xffff;
	[tilespmem:s24+$0x210] =	vst v17  }
0x156: {  	v30 =	vor.u32 $0x2, v31;
	v18 =	vld.idx.msk [tilespmem:v18+s11+$0x0], $0xffff;
	[tilespmem:s24+$0x410] =	vst v26  }
0x157: {  	v23 =	vld.idx.msk [tilespmem:v23+s11+$0x0], $0xffff;
	[tilespmem:s24+$0x680] =	vst v21  }
0x158: {  	v21 =	vor.u32 $0x3, v31;
	v27 =	vld.idx.msk [tilespmem:v27+s11+$0x0], $0xffff;
	[tilespmem:s24+$0xFFFFFA80] =	vst v22  }
0x159: {  	v26 =	vor.u32 $0x4, v31;
	[tilespmem:s24+$0xFFFFFC80] =	vst v24;
	v20 =	vld.idx.msk [tilespmem:v20+s11+$0x0], $0xffff  }
0x15a: {  	v62 =	vor.u32 $0x5, v31;
	v17 =	vimm.s32 $0x100;
	[tilespmem:s24+$0xFFFFFE80] =	vst v28;
	v29 =	vld.idx.msk [tilespmem:v29+s11+$0x0], $0xffff  }
0x15b: {  	v25 =	vadd.s32 v14, v17;
	v24 =	vor.u32 $0x6, v31;
	[tilespmem:s24+$0xFFFFF880] =	vst v32;
	v30 =	vld.idx.msk [tilespmem:v30+s11+$0x0], $0xffff  }
0x15c: {  	v22 =	vor.u32 $0x7, v25;
	v31 =	vld.idx.msk [tilespmem:v31+s11+$0x0], $0xffff;
	[tilespmem:s24+$0x80] =	vst v18  }
0x15d: {  	[tilespmem:s24+$0x280] =	vst v23;
	v21 =	vld.idx.msk [tilespmem:v21+s11+$0x0], $0xffff  }
0x15e: {  	v18 =	vor.u32 $0x1, v25;
	v26 =	vld.idx.msk [tilespmem:v26+s11+$0x0], $0xffff;
	[tilespmem:s24+$0x480] =	vst v27  }
0x15f: {  	v33 =	vld.idx.msk [tilespmem:v62+s11+$0x0], $0xffff;
	[tilespmem:s24+$0x690] =	vst v20;
	v20 =	vor.u32 $0x2, v25  }
0x160: {  	v23 =	vor.u32 $0x3, v25;
	v24 =	vld.idx.msk [tilespmem:v24+s11+$0x0], $0xffff;
	[tilespmem:s24+$0xFFFFFA90] =	vst v29  }
0x161: {  	v63 =	vor.u32 $0x4, v25;
	[tilespmem:s24+$0xFFFFF890] =	vst v31;
	v22 =	vld.idx.msk [tilespmem:v22+s11+$0x0], $0xffff  }
0x162: {  	v28 =	vadd.s32 v15, v17;
	v29 =	vor.u32 $0x5, v25;
	[tilespmem:s24+$0xFFFFFC90] =	vst v30;
	v30 =	vor.u32 $0x6, v25;
	v25 =	vld.idx.msk [tilespmem:v25+s11+$0x0], $0xffff  }
0x163: {  	v27 =	vor.u32 $0x7, v28;
	v34 =	vld.idx.msk [tilespmem:v18+s11+$0x0], $0xffff;
	[tilespmem:s24+$0xFFFFFE90] =	vst v21  }
0x164: {  	[tilespmem:s24+$0x90] =	vst v26;
	v20 =	vld.idx.msk [tilespmem:v20+s11+$0x0], $0xffff  }
0x165: {  	[tilespmem:s24+$0x290] =	vst v33;
	v21 =	vld.idx.msk [tilespmem:v23+s11+$0x0], $0xffff  }
0x166: {  	v32 =	vld.idx.msk [tilespmem:v63+s11+$0x0], $0xffff;
	[tilespmem:s24+$0x700] =	vst v22;
	v22 =	vor.u32 $0x1, v28  }
0x167: {  	v18 =	vimm.s32 $0x180;
	v26 =	vor.u32 $0x2, v28;
	v29 =	vld.idx.msk [tilespmem:v29+s11+$0x0], $0xffff;
	[tilespmem:s24+$0x490] =	vst v24  }
0x168: {  	v31 =	vor.u32 $0x4, v28;
	[tilespmem:s24+$0xFFFFF900] =	vst v25;
	v23 =	vld.idx.msk [tilespmem:v27+s11+$0x0], $0xffff;
	v27 =	vadd.s32 v14, v18  }
0x169: {  	v30 =	vld.idx.msk [tilespmem:v30+s11+$0x0], $0xffff;
	v24 =	vor.u32 $0x7, v27;
	[tilespmem:s24+$0xFFFFFB00] =	vst v34  }
0x16a: {  	v36 =	vor.u32 $0x3, v28;
	v37 =	vor.u32 $0x5, v28;
	v35 =	vor.u32 $0x6, v28;
	v28 =	vld.idx.msk [tilespmem:v28+s11+$0x0], $0xffff;
	[tilespmem:s24+$0xFFFFFD00] =	vst v20  }
0x16b: {  	[tilespmem:s24+$0xFFFFFF00] =	vst v21;
	v22 =	vld.idx.msk [tilespmem:v22+s11+$0x0], $0xffff  }
0x16c: {  	[tilespmem:s24+$0x100] =	vst v32;
	v26 =	vld.idx.msk [tilespmem:v26+s11+$0x0], $0xffff  }
0x16d: {  	v31 =	vld.idx.msk [tilespmem:v31+s11+$0x0], $0xffff;
	[tilespmem:s24+$0x710] =	vst v23;
	v23 =	vor.u32 $0x1, v27  }
0x16e: {  	v40 =	vor.u32 $0x4, v27;
	v20 =	vadd.s32 v15, v18;
	[tilespmem:s24+$0x300] =	vst v29;
	v21 =	vld.idx.msk [tilespmem:v24+s11+$0x0], $0xffff  }
0x16f: {  	v29 =	vor.u32 $0x7, v20;
	v39 =	vld.idx.msk [tilespmem:v37+s11+$0x0], $0xffff;
	[tilespmem:s24+$0x500] =	vst v30  }
0x170: {  	v38 =	vor.u32 $0x2, v27;
	[tilespmem:s24+$0xFFFFF910] =	vst v28;
	v24 =	vld.idx.msk [tilespmem:v36+s11+$0x0], $0xffff  }
0x171: {  	v30 =	vor.u32 $0x3, v27;
	v25 =	vld.idx.msk [tilespmem:v35+s11+$0x0], $0xffff;
	[tilespmem:s24+$0xFFFFFB10] =	vst v22  }
0x172: {  	[tilespmem:s24+$0x110] =	vst v31;
	v23 =	vld.idx.msk [tilespmem:v23+s11+$0x0], $0xffff  }
0x173: {  	v22 =	vor.u32 $0x5, v27;
	v41 =	vld.idx.msk [tilespmem:v40+s11+$0x0], $0xffff;
	[tilespmem:s24+$0x780] =	vst v21  }
0x174: {  	[tilespmem:s24+$0xFFFFFD10] =	vst v26;
	v21 =	vor.u32 $0x6, v27;
	v26 =	vld.idx.msk [tilespmem:v29+s11+$0x0], $0xffff  }
0x175: {  	[tilespmem:s24+$0xFFFFFF10] =	vst v24;
	v24 =	vor.u32 $0x1, v20;
	v29 =	vld.idx.msk [tilespmem:v38+s11+$0x0], $0xffff  }
0x176: {  	[tilespmem:s24+$0x510] =	vst v25;
	v25 =	vor.u32 $0x4, v20;
	v30 =	vld.idx.msk [tilespmem:v30+s11+$0x0], $0xffff  }
0x177: {  	v31 =	vor.u32 $0x2, v20;
	[tilespmem:s24+$0x310] =	vst v39;
	v27 =	vld.idx.msk [tilespmem:v27+s11+$0x0], $0xffff  }
0x178: {  	v42 =	vor.u32 $0x3, v20;
	v22 =	vld.idx.msk [tilespmem:v22+s11+$0x0], $0xffff;
	[tilespmem:s24+$0xFFFFFB80] =	vst v23  }
0x179: {  	v43 =	vor.u32 $0x5, v20;
	[tilespmem:s24+$0x180] =	vst v41;
	v28 =	vld.idx.msk [tilespmem:v21+s11+$0x0], $0xffff  }
0x17a: {  	v23 =	vor.u32 $0x6, v20;
	v24 =	vld.idx.msk [tilespmem:v24+s11+$0x0], $0xffff;
	v21 =	vadd.s32 $0x8, v19;
	[tilespmem:s24+$0xFFFFFD80] =	vst v29  }
0x17b: {  	v25 =	vld.idx.msk [tilespmem:v25+s11+$0x0], $0xffff;
	v19 =	vadd.s32 v14, v21;
	[tilespmem:s24+$0xFFFFFF80] =	vst v30  }
0x17c: {  	[tilespmem:s24+$0x790] =	vst v26;
	v29 =	vld.idx.msk [tilespmem:v31+s11+$0x0], $0xffff;
	v30 =	vor.u32 $0x7, v19  }
0x17d: {  	v31 =	vld.idx.msk [tilespmem:v42+s11+$0x0], $0xffff;
	v44 =	vor.u32 $0x1, v19;
	[tilespmem:s24+$0x380] =	vst v22  }
0x17e: {  	v26 =	vor.u32 $0x3, v19;
	v45 =	vld.idx.msk [tilespmem:v43+s11+$0x0], $0xffff;
	[tilespmem:s24+$0x580] =	vst v28  }
0x17f: {  	[tilespmem:s24+$0xFFFFF980] =	vst v27;
	v22 =	vor.u32 $0x2, v19;
	v23 =	vld.idx.msk [tilespmem:v23+s11+$0x0], $0xffff  }
0x180: {  	v28 =	vor.u32 $0x4, v19;
	[tilespmem:s24+$0xFFFFFB90] =	vst v24;
	v27 =	vld.idx.msk [tilespmem:v19+s11+$0x0], $0xffff  }
0x181: {  	v46 =	vor.u32 $0x5, v19;
	[tilespmem:s24+$0x190] =	vst v25;
	v24 =	vld.idx.msk [tilespmem:v30+s11+$0x0], $0xffff  }
0x182: {  	v19 =	vor.u32 $0x6, v19;
	[tilespmem:s24+$0xFFFFFD90] =	vst v29;
	v29 =	vadd.s32 v15, v21;
	v30 =	vld.idx.msk [tilespmem:v44+s11+$0x0], $0xffff  }
0x183: {  	[tilespmem:s24+$0xFFFFFF90] =	vst v31;
	v25 =	vld.idx.msk [tilespmem:v26+s11+$0x0], $0xffff;
	v31 =	vor.u32 $0x7, v29  }
0x184: {  	v22 =	vld.idx.msk [tilespmem:v22+s11+$0x0], $0xffff;
	v47 =	vor.u32 $0x1, v29  }
0x185: {  	s25 =	simm.s32 $0xA3A0;
	v28 =	vld.idx.msk [tilespmem:v28+s11+$0x0], $0xffff;
	[tilespmem:s24+$0x590] =	vst v23  }
0x186: {  	v26 =	vor.u32 $0x2, v29;
	v23 =	vld.idx.msk [tilespmem:v46+s11+$0x0], $0xffff;
	[tilespmem:s25+$0xFFFFF800] =	vst v27  }
0x187: {  	v48 =	vor.u32 $0x3, v29;
	v19 =	vld.idx.msk [tilespmem:v19+s11+$0x0], $0xffff;
	[tilespmem:s25+$0x600] =	vst v24  }
0x188: {  	v49 =	vor.u32 $0x4, v29;
	[tilespmem:s25+$0xFFFFFA00] =	vst v30;
	v30 =	vld.idx.msk [tilespmem:v31+s11+$0x0], $0xffff  }
0x189: {  	v16 =	vadd.s32 $0x8, v16;
	v24 =	vor.u32 $0x5, v29;
	[tilespmem:s25+$0xFFFFFE00] =	vst v25;
	v32 =	vld.idx.msk [tilespmem:v47+s11+$0x0], $0xffff  }
0x18a: {  	v50 =	vadd.s32 v14, v16;
	v31 =	vor.u32 $0x6, v29;
	[tilespmem:s25+$0xFFFFFC00] =	vst v22;
	v29 =	vld.idx.msk [tilespmem:v29+s11+$0x0], $0xffff  }
0x18b: {  	v25 =	vor.u32 $0x7, v50;
	v22 =	vld.idx.msk [tilespmem:v26+s11+$0x0], $0xffff;
	[tilespmem:s25+$0x0] =	vst v28  }
0x18c: {  	v26 =	vld.idx.msk [tilespmem:v48+s11+$0x0], $0xffff;
	[tilespmem:s25+$0x200] =	vst v23  }
0x18d: {  	v28 =	vor.u32 $0x1, v50;
	v51 =	vld.idx.msk [tilespmem:v49+s11+$0x0], $0xffff;
	[tilespmem:s25+$0x400] =	vst v19  }
0x18e: {  	v23 =	vor.u32 $0x2, v50;
	v24 =	vld.idx.msk [tilespmem:v24+s11+$0x0], $0xffff;
	[tilespmem:s25+$0x610] =	vst v30  }
0x18f: {  	v19 =	vor.u32 $0x3, v50;
	v31 =	vld.idx.msk [tilespmem:v31+s11+$0x0], $0xffff;
	[tilespmem:s25+$0xFFFFFA10] =	vst v32  }
0x190: {  	v30 =	vor.u32 $0x4, v50;
	[tilespmem:s25+$0xFFFFF810] =	vst v29;
	v25 =	vld.idx.msk [tilespmem:v25+s11+$0x0], $0xffff  }
0x191: {  	v27 =	vor.u32 $0x5, v50;
	[tilespmem:s25+$0xFFFFFC10] =	vst v22;
	v54 =	vld.idx.msk [tilespmem:v50+s11+$0x0], $0xffff  }
0x192: {  	v52 =	vadd.s32 v15, v16;
	v53 =	vor.u32 $0x6, v50;
	[tilespmem:s25+$0xFFFFFE10] =	vst v26;
	v28 =	vld.idx.msk [tilespmem:v28+s11+$0x0], $0xffff  }
0x193: {  	v22 =	vor.u32 $0x7, v52;
	v23 =	vld.idx.msk [tilespmem:v23+s11+$0x0], $0xffff;
	[tilespmem:s25+$0x10] =	vst v51  }
0x194: {  	v19 =	vld.idx.msk [tilespmem:v19+s11+$0x0], $0xffff;
	[tilespmem:s25+$0x210] =	vst v24  }
0x195: {  	v26 =	vor.u32 $0x1, v52;
	v30 =	vld.idx.msk [tilespmem:v30+s11+$0x0], $0xffff;
	[tilespmem:s25+$0x410] =	vst v31  }
0x196: {  	v24 =	vor.u32 $0x2, v52;
	v27 =	vld.idx.msk [tilespmem:v27+s11+$0x0], $0xffff;
	[tilespmem:s25+$0x680] =	vst v25  }
0x197: {  	v25 =	vor.u32 $0x3, v52;
	v32 =	vld.idx.msk [tilespmem:v53+s11+$0x0], $0xffff;
	[tilespmem:s25+$0xFFFFF880] =	vst v54  }
0x198: {  	v17 =	vadd.s32 $0x8, v17;
	v31 =	vor.u32 $0x4, v52;
	v22 =	vld.idx.msk [tilespmem:v22+s11+$0x0], $0xffff;
	[tilespmem:s25+$0xFFFFFA80] =	vst v28  }
0x199: {  	v55 =	vor.u32 $0x5, v52;
	v29 =	vadd.s32 v14, v17;
	v34 =	vld.idx.msk [tilespmem:v52+s11+$0x0], $0xffff;
	[tilespmem:s25+$0xFFFFFC80] =	vst v23  }
0x19a: {  	v28 =	vor.u32 $0x7, v29;
	v26 =	vld.idx.msk [tilespmem:v26+s11+$0x0], $0xffff;
	[tilespmem:s25+$0xFFFFFE80] =	vst v19  }
0x19b: {  	v23 =	vor.u32 $0x6, v52;
	v24 =	vld.idx.msk [tilespmem:v24+s11+$0x0], $0xffff;
	[tilespmem:s25+$0x80] =	vst v30  }
0x19c: {  	[tilespmem:s25+$0x280] =	vst v27;
	v19 =	vld.idx.msk [tilespmem:v25+s11+$0x0], $0xffff  }
0x19d: {  	v25 =	vor.u32 $0x1, v29;
	v30 =	vld.idx.msk [tilespmem:v31+s11+$0x0], $0xffff;
	[tilespmem:s25+$0x480] =	vst v32  }
0x19e: {  	v35 =	vld.idx.msk [tilespmem:v55+s11+$0x0], $0xffff;
	[tilespmem:s25+$0x690] =	vst v22;
	v22 =	vor.u32 $0x2, v29  }
0x19f: {  	v57 =	vor.u32 $0x4, v29;
	[tilespmem:s25+$0xFFFFF890] =	vst v34;
	v27 =	vld.idx.msk [tilespmem:v28+s11+$0x0], $0xffff  }
0x1a0: {  	v31 =	vadd.s32 v15, v17;
	v28 =	vor.u32 $0x3, v29;
	v23 =	vld.idx.msk [tilespmem:v23+s11+$0x0], $0xffff;
	[tilespmem:s25+$0xFFFFFA90] =	vst v26  }
0x1a1: {  	v56 =	vor.u32 $0x7, v31;
	v26 =	vor.u32 $0x5, v29;
	[tilespmem:s25+$0xFFFFFC90] =	vst v24;
	v24 =	vor.u32 $0x6, v29;
	v29 =	vld.idx.msk [tilespmem:v29+s11+$0x0], $0xffff  }
0x1a2: {  	v25 =	vld.idx.msk [tilespmem:v25+s11+$0x0], $0xffff;
	[tilespmem:s25+$0xFFFFFE90] =	vst v19  }
0x1a3: {  	[tilespmem:s25+$0x90] =	vst v30;
	v22 =	vld.idx.msk [tilespmem:v22+s11+$0x0], $0xffff  }
0x1a4: {  	[tilespmem:s25+$0x290] =	vst v35;
	v58 =	vld.idx.msk [tilespmem:v57+s11+$0x0], $0xffff  }
0x1a5: {  	v18 =	vadd.s32 $0x8, v18;
	v19 =	vld.idx.msk [tilespmem:v28+s11+$0x0], $0xffff;
	[tilespmem:s25+$0x700] =	vst v27;
	v27 =	vor.u32 $0x1, v31  }
0x1a6: {  	v36 =	vadd.s32 v14, v18;
	v30 =	vor.u32 $0x2, v31;
	[tilespmem:s25+$0x490] =	vst v23;
	v28 =	vld.idx.msk [tilespmem:v56+s11+$0x0], $0xffff  }
0x1a7: {  	v26 =	vld.idx.msk [tilespmem:v26+s11+$0x0], $0xffff;
	v23 =	vor.u32 $0x7, v36;
	[tilespmem:s25+$0xFFFFF900] =	vst v29  }
0x1a8: {  	v60 =	vor.u32 $0x4, v31;
	v24 =	vld.idx.msk [tilespmem:v24+s11+$0x0], $0xffff;
	[tilespmem:s25+$0xFFFFFB00] =	vst v25  }
0x1a9: {  	v59 =	vor.u32 $0x3, v31;
	v62 =	vld.idx.msk [tilespmem:v31+s11+$0x0], $0xffff;
	[tilespmem:s25+$0xFFFFFD00] =	vst v22  }
0x1aa: {  	v25 =	vor.u32 $0x5, v31;
	[tilespmem:s25+$0x100] =	vst v58;
	v27 =	vld.idx.msk [tilespmem:v27+s11+$0x0], $0xffff  }
0x1ab: {  	v22 =	vor.u32 $0x6, v31;
	v30 =	vld.idx.msk [tilespmem:v30+s11+$0x0], $0xffff;
	[tilespmem:s25+$0x710] =	vst v28  }
0x1ac: {  	[tilespmem:s25+$0xFFFFFF00] =	vst v19;
	v19 =	vadd.s32 v15, v18;
	v28 =	vor.u32 $0x1, v36;
	v23 =	vld.idx.msk [tilespmem:v23+s11+$0x0], $0xffff  }
0x1ad: {  	v34 =	vld.idx.msk [tilespmem:v60+s11+$0x0], $0xffff;
	[tilespmem:s25+$0x300] =	vst v26;
	v26 =	vor.u32 $0x7, v19  }
0x1ae: {  	v61 =	vor.u32 $0x2, v36;
	v33 =	vld.idx.msk [tilespmem:v59+s11+$0x0], $0xffff;
	[tilespmem:s25+$0x500] =	vst v24  }
0x1af: {  	v29 =	vor.u32 $0x4, v36;
	[tilespmem:s25+$0xFFFFF910] =	vst v62;
	v25 =	vld.idx.msk [tilespmem:v25+s11+$0x0], $0xffff  }
0x1b0: {  	v24 =	vor.u32 $0x3, v36;
	v22 =	vld.idx.msk [tilespmem:v22+s11+$0x0], $0xffff;
	[tilespmem:s25+$0xFFFFFB10] =	vst v27  }
0x1b1: {  	v27 =	vor.u32 $0x5, v36;
	v37 =	vld.idx.msk [tilespmem:v28+s11+$0x0], $0xffff;
	[tilespmem:s25+$0x780] =	vst v23  }
0x1b2: {  	[tilespmem:s25+$0xFFFFFD10] =	vst v30;
	v26 =	vld.idx.msk [tilespmem:v26+s11+$0x0], $0xffff  }
0x1b3: {  	[tilespmem:s25+$0x110] =	vst v34;
	v38 =	vld.idx.msk [tilespmem:v61+s11+$0x0], $0xffff;
	v23 =	vor.u32 $0x6, v36  }
0x1b4: {  	[tilespmem:s25+$0xFFFFFF10] =	vst v33;
	v31 =	vld.idx.msk [tilespmem:v29+s11+$0x0], $0xffff  }
0x1b5: {  	v63 =	vor.u32 $0x1, v19;
	v32 =	vld.idx.msk [tilespmem:v24+s11+$0x0], $0xffff;
	[tilespmem:s25+$0x310] =	vst v25  }
0x1b6: {  	[tilespmem:s25+$0x510] =	vst v22;
	v28 =	vld.idx.msk [tilespmem:v27+s11+$0x0], $0xffff;
	v27 =	vor.u32 $0x2, v19  }
0x1b7: {  	v29 =	vld.idx.msk [tilespmem:v36+s11+$0x0], $0xffff;
	[tilespmem:s25+$0x790] =	vst v26;
	v26 =	vor.u32 $0x3, v19  }
0x1b8: {  	[tilespmem:s24+$0x390] =	vst v45;
	v30 =	vld.idx.msk [tilespmem:v23+s11+$0x0], $0xffff;
	v23 =	vor.u32 $0x4, v19  }
0x1b9: {  	v24 =	vor.u32 $0x5, v19;
	v22 =	vld.idx.msk [tilespmem:v20+s11+$0x0], $0xffff;
	[tilespmem:s25+$0xFFFFFB80] =	vst v37  }
0x1ba: {  	s26 =	simm.s32 $0x8;
	v25 =	vor.u32 $0x6, v19;
	v20 =	vadd.s32 $0x8, v21;
	[tilespmem:s25+$0xFFFFFD80] =	vst v38;
	v33 =	vld.idx.msk [tilespmem:v63+s11+$0x0], $0xffff  }
.LBB2_5:
0x1bb: {  	v21 =	vadd.s32 v14, v20;
	s26 =	sadd.s32 $0x8, s26;
	v27 =	vld.idx.msk [tilespmem:v27+s11+$0x0], $0xffff;
	[tilespmem:s25+$0xFFFFFF80] =	vst v32  }
0x1bc: {  	v32 =	vor.u32 $0x1, v21;
	v34 =	vor.u32 $0x2, v21;
	v35 =	vor.u32 $0x7, v21;
	p0 =	slt.u32 s26, $0x78;
	v26 =	vld.idx.msk [tilespmem:v26+s11+$0x0], $0xffff;
	[tilespmem:s25+$0x180] =	vst v31  }
0x1bd: {  	v31 =	vor.u32 $0x3, v21;
	v36 =	vor.u32 $0x4, v21;
	v37 =	vor.u32 $0x5, v21;
	v23 =	vld.idx.msk [tilespmem:v23+s11+$0x0], $0xffff;
	[tilespmem:s25+$0x380] =	vst v28  }
0x1be: {  	v28 =	vor.u32 $0x6, v21;
	v24 =	vld.idx.msk [tilespmem:v24+s11+$0x0], $0xffff;
	[tilespmem:s25+$0x580] =	vst v30  }
0x1bf: {  	[tilespmem:s25+$0xFFFFF980] =	vst v29;
	v25 =	vld.idx.msk [tilespmem:v25+s11+$0x0], $0xffff  }
0x1c0: {  	v21 =	vld.idx.msk [tilespmem:v21+s11+$0x0], $0xffff;
	[tilespmem:s25+$0xFFFFFB90] =	vst v33  }
0x1c1: {  	v29 =	vld.idx.msk [tilespmem:v35+s11+$0x0], $0xffff;
	[tilespmem:s25+$0xFFFFFD90] =	vst v27  }
0x1c2: {  	v27 =	vadd.s32 v15, v20;
	v30 =	vld.idx.msk [tilespmem:v32+s11+$0x0], $0xffff;
	[tilespmem:s25+$0xFFFFFF90] =	vst v26  }
0x1c3: {  	v26 =	vor.u32 $0x1, v27;
	v33 =	vor.u32 $0x2, v27;
	v32 =	vld.idx.msk [tilespmem:v34+s11+$0x0], $0xffff;
	v34 =	vor.u32 $0x7, v27;
	[tilespmem:s25+$0x190] =	vst v23  }
0x1c4: {  	v35 =	vor.u32 $0x4, v27;
	v38 =	vor.u32 $0x5, v27;
	v23 =	vld.idx.msk [tilespmem:v31+s11+$0x0], $0xffff;
	v31 =	vor.u32 $0x3, v27;
	[tilespmem:s25+$0x390] =	vst v24  }
0x1c5: {  	v24 =	vld.idx.msk [tilespmem:v36+s11+$0x0], $0xffff;
	v36 =	vor.u32 $0x6, v27;
	[tilespmem:s25+$0x590] =	vst v25  }
0x1c6: {  	v25 =	vld.idx.msk [tilespmem:v37+s11+$0x0], $0xffff;
	[tilespmem:s24+$0xFFFFF990] =	vst v22;
	s24 =	smov.u32 s25;
	s25 =	sadd.s32 $0x1000, s25  }
0x1c7: {  	v22 =	vld.idx.msk [tilespmem:v28+s11+$0x0], $0xffff;
	[tilespmem:s25+$0x600] =	vst v29  }
0x1c8: {  	v16 =	vadd.s32 $0x8, v16;
	[tilespmem:s25+$0xFFFFFA00] =	vst v30;
	v28 =	vld.idx.msk [tilespmem:v34+s11+$0x0], $0xffff  }
0x1c9: {  	v29 =	vadd.s32 v14, v16;
	v26 =	vld.idx.msk [tilespmem:v26+s11+$0x0], $0xffff;
	[tilespmem:s25+$0xFFFFFC00] =	vst v32  }
0x1ca: {  	v30 =	vor.u32 $0x1, v29;
	v32 =	vld.idx.msk [tilespmem:v33+s11+$0x0], $0xffff;
	v33 =	vor.u32 $0x2, v29;
	[tilespmem:s25+$0xFFFFFE00] =	vst v23;
	v23 =	vor.u32 $0x7, v29  }
0x1cb: {  	v34 =	vor.u32 $0x3, v29;
	v37 =	vor.u32 $0x5, v29;
	v31 =	vld.idx.msk [tilespmem:v31+s11+$0x0], $0xffff;
	[tilespmem:s25+$0x0] =	vst v24;
	v24 =	vor.u32 $0x4, v29  }
0x1cc: {  	v35 =	vld.idx.msk [tilespmem:v35+s11+$0x0], $0xffff;
	[tilespmem:s25+$0x200] =	vst v25;
	v25 =	vor.u32 $0x6, v29  }
0x1cd: {  	v38 =	vld.idx.msk [tilespmem:v38+s11+$0x0], $0xffff;
	[tilespmem:s25+$0x400] =	vst v22  }
0x1ce: {  	v22 =	vld.idx.msk [tilespmem:v36+s11+$0x0], $0xffff;
	[tilespmem:s25+$0x610] =	vst v28  }
0x1cf: {  	[tilespmem:s25+$0xFFFFF800] =	vst v21;
	v21 =	vld.idx.msk [tilespmem:v23+s11+$0x0], $0xffff  }
0x1d0: {  	v23 =	vld.idx.msk [tilespmem:v27+s11+$0x0], $0xffff;
	v27 =	vadd.s32 v15, v16;
	[tilespmem:s25+$0xFFFFFA10] =	vst v26  }
0x1d1: {  	v26 =	vld.idx.msk [tilespmem:v30+s11+$0x0], $0xffff;
	v28 =	vor.u32 $0x1, v27;
	[tilespmem:s25+$0xFFFFFC10] =	vst v32;
	v30 =	vor.u32 $0x2, v27;
	v32 =	vor.u32 $0x7, v27  }
0x1d2: {  	v36 =	vor.u32 $0x4, v27;
	v39 =	vor.u32 $0x5, v27;
	v33 =	vld.idx.msk [tilespmem:v33+s11+$0x0], $0xffff;
	[tilespmem:s25+$0xFFFFFE10] =	vst v31;
	v31 =	vor.u32 $0x3, v27  }
0x1d3: {  	v34 =	vld.idx.msk [tilespmem:v34+s11+$0x0], $0xffff;
	[tilespmem:s25+$0x10] =	vst v35;
	v35 =	vor.u32 $0x6, v27  }
0x1d4: {  	v24 =	vld.idx.msk [tilespmem:v24+s11+$0x0], $0xffff;
	[tilespmem:s25+$0x210] =	vst v38  }
0x1d5: {  	v37 =	vld.idx.msk [tilespmem:v37+s11+$0x0], $0xffff;
	[tilespmem:s25+$0x680] =	vst v21  }
0x1d6: {  	v17 =	vadd.s32 $0x8, v17;
	[tilespmem:s25+$0x410] =	vst v22;
	v21 =	vld.idx.msk [tilespmem:v32+s11+$0x0], $0xffff  }
0x1d7: {  	v22 =	vadd.s32 v14, v17;
	[tilespmem:s25+$0xFFFFF810] =	vst v23;
	v23 =	vld.idx.msk [tilespmem:v25+s11+$0x0], $0xffff  }
0x1d8: {  	v32 =	vor.u32 $0x7, v22;
	v25 =	vld.idx.msk [tilespmem:v29+s11+$0x0], $0xffff;
	[tilespmem:s25+$0xFFFFFA80] =	vst v26;
	v26 =	vor.u32 $0x1, v22;
	v29 =	vor.u32 $0x2, v22  }
0x1d9: {  	v38 =	vor.u32 $0x4, v22;
	v40 =	vor.u32 $0x5, v22;
	v28 =	vld.idx.msk [tilespmem:v28+s11+$0x0], $0xffff;
	[tilespmem:s25+$0xFFFFFC80] =	vst v33;
	v33 =	vor.u32 $0x3, v22  }
0x1da: {  	v30 =	vld.idx.msk [tilespmem:v30+s11+$0x0], $0xffff;
	[tilespmem:s25+$0xFFFFFE80] =	vst v34;
	v34 =	vor.u32 $0x6, v22  }
0x1db: {  	v31 =	vld.idx.msk [tilespmem:v31+s11+$0x0], $0xffff;
	[tilespmem:s25+$0x80] =	vst v24  }
0x1dc: {  	v24 =	vld.idx.msk [tilespmem:v36+s11+$0x0], $0xffff;
	[tilespmem:s25+$0x690] =	vst v21  }
0x1dd: {  	[tilespmem:s25+$0x280] =	vst v37;
	v21 =	vld.idx.msk [tilespmem:v32+s11+$0x0], $0xffff  }
0x1de: {  	v32 =	vadd.s32 v15, v17;
	v36 =	vld.idx.msk [tilespmem:v39+s11+$0x0], $0xffff;
	[tilespmem:s25+$0x480] =	vst v23  }
0x1df: {  	v23 =	vor.u32 $0x1, v32;
	v37 =	vor.u32 $0x7, v32;
	[tilespmem:s25+$0xFFFFF880] =	vst v25;
	v25 =	vor.u32 $0x2, v32;
	v35 =	vld.idx.msk [tilespmem:v35+s11+$0x0], $0xffff  }
0x1e0: {  	v39 =	vor.u32 $0x4, v32;
	v41 =	vor.u32 $0x5, v32;
	v27 =	vld.idx.msk [tilespmem:v27+s11+$0x0], $0xffff;
	[tilespmem:s25+$0xFFFFFA90] =	vst v28;
	v28 =	vor.u32 $0x3, v32  }
0x1e1: {  	v26 =	vld.idx.msk [tilespmem:v26+s11+$0x0], $0xffff;
	[tilespmem:s25+$0xFFFFFC90] =	vst v30;
	v30 =	vor.u32 $0x6, v32  }
0x1e2: {  	v29 =	vld.idx.msk [tilespmem:v29+s11+$0x0], $0xffff;
	[tilespmem:s25+$0xFFFFFE90] =	vst v31  }
0x1e3: {  	v31 =	vld.idx.msk [tilespmem:v33+s11+$0x0], $0xffff;
	[tilespmem:s25+$0x700] =	vst v21  }
0x1e4: {  	v18 =	vadd.s32 $0x8, v18;
	[tilespmem:s25+$0x90] =	vst v24;
	v21 =	vld.idx.msk [tilespmem:v37+s11+$0x0], $0xffff  }
0x1e5: {  	v33 =	vadd.s32 v14, v18;
	v24 =	vld.idx.msk [tilespmem:v38+s11+$0x0], $0xffff;
	[tilespmem:s25+$0x290] =	vst v36  }
0x1e6: {  	v37 =	vor.u32 $0x2, v33;
	v36 =	vor.u32 $0x1, v33;
	v38 =	vld.idx.msk [tilespmem:v40+s11+$0x0], $0xffff;
	[tilespmem:s25+$0x490] =	vst v35;
	v35 =	vor.u32 $0x7, v33  }
0x1e7: {  	v42 =	vor.u32 $0x4, v33;
	v43 =	vor.u32 $0x5, v33;
	v40 =	vor.u32 $0x3, v33;
	[tilespmem:s25+$0xFFFFF890] =	vst v27;
	v34 =	vld.idx.msk [tilespmem:v34+s11+$0x0], $0xffff  }
0x1e8: {  	v44 =	vor.u32 $0x6, v33;
	v22 =	vld.idx.msk [tilespmem:v22+s11+$0x0], $0xffff;
	[tilespmem:s25+$0xFFFFFB00] =	vst v26  }
0x1e9: {  	v45 =	vld.idx.msk [tilespmem:v23+s11+$0x0], $0xffff;
	[tilespmem:s25+$0xFFFFFD00] =	vst v29  }
0x1ea: {  	v29 =	vld.idx.msk [tilespmem:v25+s11+$0x0], $0xffff;
	[tilespmem:s25+$0x710] =	vst v21  }
0x1eb: {  	[tilespmem:s25+$0xFFFFFF00] =	vst v31;
	v21 =	vld.idx.msk [tilespmem:v35+s11+$0x0], $0xffff  }
0x1ec: {  	v35 =	vadd.s32 v15, v18;
	v28 =	vld.idx.msk [tilespmem:v28+s11+$0x0], $0xffff;
	[tilespmem:s25+$0x100] =	vst v24  }
0x1ed: {  	v46 =	vor.u32 $0x1, v35;
	v27 =	vor.u32 $0x2, v35;
	v31 =	vld.idx.msk [tilespmem:v39+s11+$0x0], $0xffff;
	[tilespmem:s25+$0x300] =	vst v38;
	v38 =	vor.u32 $0x7, v35  }
0x1ee: {  	v26 =	vor.u32 $0x3, v35;
	v23 =	vor.u32 $0x4, v35;
	v24 =	vor.u32 $0x5, v35;
	v39 =	vld.idx.msk [tilespmem:v41+s11+$0x0], $0xffff;
	[tilespmem:s25+$0x500] =	vst v34  }
0x1ef: {  	v25 =	vor.u32 $0x6, v35;
	[tilespmem:s25+$0xFFFFF900] =	vst v22;
	v22 =	vld.idx.msk [tilespmem:v30+s11+$0x0], $0xffff  }
0x1f0: {  	v30 =	vld.idx.msk [tilespmem:v32+s11+$0x0], $0xffff;
	[tilespmem:s25+$0xFFFFFB10] =	vst v45  }
0x1f1: {  	v34 =	vld.idx.msk [tilespmem:v36+s11+$0x0], $0xffff;
	[tilespmem:s25+$0x780] =	vst v21  }
0x1f2: {  	[tilespmem:s25+$0xFFFFFD10] =	vst v29;
	v21 =	vld.idx.msk [tilespmem:v38+s11+$0x0], $0xffff  }
0x1f3: {  	v36 =	vld.idx.msk [tilespmem:v37+s11+$0x0], $0xffff;
	[tilespmem:s25+$0xFFFFFF10] =	vst v28  }
0x1f4: {  	v32 =	vld.idx.msk [tilespmem:v40+s11+$0x0], $0xffff;
	[tilespmem:s25+$0x110] =	vst v31  }
0x1f5: {  	v31 =	vld.idx.msk [tilespmem:v42+s11+$0x0], $0xffff;
	[tilespmem:s25+$0x310] =	vst v39  }
.Ltmp1:
0x1f6: {  	v28 =	vld.idx.msk [tilespmem:v43+s11+$0x0], $0xffff;
	[tilespmem:s25+$0x510] =	vst v22;
	(pc) =	sbr.rel @p0 .LBB2_5-.Ltmp1, $4  }
0x1f7: {  	[tilespmem:s25+$0xFFFFF910] =	vst v30;
	v30 =	vld.idx.msk [tilespmem:v44+s11+$0x0], $0xffff  }
0x1f8: {  	v29 =	vld.idx.msk [tilespmem:v33+s11+$0x0], $0xffff;
	[tilespmem:s25+$0x790] =	vst v21  }
0x1f9: {  	[tilespmem:s25+$0xFFFFFB80] =	vst v34;
	v22 =	vld.idx.msk [tilespmem:v19+s11+$0x0], $0xffff;
	v19 =	vmov v35  }
0x1fa: {  	v20 =	vadd.s32 $0x8, v20;
	v33 =	vld.idx.msk [tilespmem:v46+s11+$0x0], $0xffff;
	[tilespmem:s25+$0xFFFFFD80] =	vst v36  }
0x1fb: {  	_ =	sdelay $0x1  }
0x1fc: {  	[tilespmem:s25+$0xFFFFFF80] =	vst v32  }
0x1fd: {  	[tilespmem:s25+$0x180] =	vst v31  }
0x1fe: {  	v14 =	vld.idx.msk [tilespmem:v27+s11+$0x0], $0xffff;
	[tilespmem:s25+$0x380] =	vst v28  }
0x1ff: {  	v15 =	vld.idx.msk [tilespmem:v26+s11+$0x0], $0xffff;
	[tilespmem:s25+$0x580] =	vst v30  }
0x200: {  	v16 =	vld.idx.msk [tilespmem:v23+s11+$0x0], $0xffff;
	[tilespmem:s25+$0xFFFFF980] =	vst v29  }
0x201: {  	v17 =	vld.idx.msk [tilespmem:v24+s11+$0x0], $0xffff;
	[tilespmem:s24+$0xFFFFF990] =	vst v22  }
0x202: {  	v18 =	vld.idx.msk [tilespmem:v25+s11+$0x0], $0xffff;
	[tilespmem:s25+$0xFFFFFB90] =	vst v33  }
0x203: {  	[tilespmem:s25+$0xFFFFFD90] =	vst v14;
	v14 =	vld.idx.msk [tilespmem:v19+s11+$0x0], $0xffff  }
0x204: {  	[tilespmem:s25+$0xFFFFFF90] =	vst v15  }
0x205: {  	[tilespmem:s25+$0x190] =	vst v16  }
0x206: {  	[tilespmem:s25+$0x390] =	vst v17  }
0x207: {  	[tilespmem:s25+$0x590] =	vst v18  }
0x208: {  	[tilespmem:s25+$0xFFFFF990] =	vst v14  }
0x209: {  	v14 =	vld [tilespmem:s23+$0x60];
	_ =	sdelay $0x4  }
0x20a: {  	vm0 =	vlt.s32 v14, $0x7CF  }
0x20b: {  	v14 =	vnsel vm0, $0x7CF, v14  }
0x20c: {  	v14 =	vshll.u32 v14, $0x5  }
0x20d: {  	v14 =	vor.u32 v1, v14  }
0x20e: {  	[tilespmem:$0x860] =	vst v14  }
0x20f: {  	v14 =	vld [tilespmem:s23+$0x70];
	_ =	sdelay $0x4  }
0x210: {  	vm13 =	vlt.s32 v14, $0x7CF  }
0x211: {  	v14 =	vnsel vm13, $0x7CF, v14  }
0x212: {  	v14 =	vshll.u32 v14, $0x5  }
0x213: {  	v14 =	vor.u32 v1, v14  }
0x214: {  	[tilespmem:$0x870] =	vst v14  }
0x215: {  	[tilespmem:s13], [sflag:$0x2] =	stream.indirect.gather [hbm4b:s2+s9], $0x200, s17, s9, $0xb8;
	[tilespmem:$0x18B80] =	vst v63  }
0x216: {  	_ =	swait.ge [sflag:s14], $0x4000  }
0x217: {  	[sflag:s14] =	ssyncset.done $0x0  }
0x218: {  	[sflag:s14] =	ssyncadd.s32 $0xFFFFC000  }
0x219: {  	v14 =	vld [tilespmem:s23+$0x40];
	_ =	sdelay $0x4  }
0x21a: {  	vm14 =	vlt.s32 v14, $0x7D0  }
0x21b: {  	v19 =	vimm.s32 $0x0;
	v14 =	vnsel vm14, $0x8000, v7  }
0x21c: {  	v15 =	vld [tilespmem:s23+$0x50];
	v16 =	vadd.s32 v14, v19  }
0x21d: {  	v17 =	vor.u32 $0x7, v16  }
0x21e: {  	v18 =	vor.u32 $0x1, v16  }
0x21f: {  	v20 =	vor.u32 $0x2, v16  }
0x220: {  	v21 =	vor.u32 $0x3, v16  }
0x221: {  	vm15 =	vlt.s32 v15, $0x7D0;
	v22 =	vor.u32 $0x4, v16;
	v23 =	vld.idx.msk [tilespmem:v16+s11+$0x0], $0xffff  }
0x222: {  	v15 =	vnsel vm15, $0x8000, v11;
	v24 =	vor.u32 $0x5, v16;
	v17 =	vld.idx.msk [tilespmem:v17+s11+$0x0], $0xffff  }
0x223: {  	v25 =	vadd.s32 v15, v19;
	v16 =	vor.u32 $0x6, v16;
	v18 =	vld.idx.msk [tilespmem:v18+s11+$0x0], $0xffff  }
0x224: {  	v26 =	vor.u32 $0x7, v25;
	v20 =	vld.idx.msk [tilespmem:v20+s11+$0x0], $0xffff  }
0x225: {  	v27 =	vor.u32 $0x1, v25;
	v21 =	vld.idx.msk [tilespmem:v21+s11+$0x0], $0xffff  }
0x226: {  	s24 =	simm.s32 $0x93C0;
	v28 =	vor.u32 $0x2, v25;
	v22 =	vld.idx.msk [tilespmem:v22+s11+$0x0], $0xffff  }
0x227: {  	v29 =	vor.u32 $0x3, v25;
	v24 =	vld.idx.msk [tilespmem:v24+s11+$0x0], $0xffff;
	[tilespmem:s24+$0xFFFFF800] =	vst v23  }
0x228: {  	v30 =	vor.u32 $0x4, v25;
	v31 =	vld.idx.msk [tilespmem:v16+s11+$0x0], $0xffff;
	[tilespmem:s24+$0x600] =	vst v17  }
0x229: {  	[tilespmem:s24+$0xFFFFFA00] =	vst v18;
	v18 =	vld.idx.msk [tilespmem:v26+s11+$0x0], $0xffff  }
0x22a: {  	v16 =	vimm.s32 $0x80;
	v17 =	vor.u32 $0x5, v25;
	[tilespmem:s24+$0xFFFFFC00] =	vst v20;
	v27 =	vld.idx.msk [tilespmem:v27+s11+$0x0], $0xffff  }
0x22b: {  	v61 =	vadd.s32 v14, v16;
	[tilespmem:s24+$0xFFFFFE00] =	vst v21;
	v26 =	vor.u32 $0x6, v25;
	v20 =	vld.idx.msk [tilespmem:v28+s11+$0x0], $0xffff  }
0x22c: {  	[tilespmem:s24+$0x0] =	vst v22;
	v21 =	vor.u32 $0x7, v61;
	v28 =	vld.idx.msk [tilespmem:v29+s11+$0x0], $0xffff  }
0x22d: {  	[tilespmem:s24+$0x200] =	vst v24;
	v22 =	vor.u32 $0x1, v61;
	v29 =	vld.idx.msk [tilespmem:v30+s11+$0x0], $0xffff  }
0x22e: {  	v24 =	vor.u32 $0x2, v61;
	v25 =	vld.idx.msk [tilespmem:v25+s11+$0x0], $0xffff;
	[tilespmem:s24+$0x400] =	vst v31  }
0x22f: {  	v30 =	vor.u32 $0x3, v61;
	v17 =	vld.idx.msk [tilespmem:v17+s11+$0x0], $0xffff;
	[tilespmem:s24+$0x610] =	vst v18  }
0x230: {  	v26 =	vld.idx.msk [tilespmem:v26+s11+$0x0], $0xffff;
	[tilespmem:s24+$0xFFFFFA10] =	vst v27  }
0x231: {  	v18 =	vor.u32 $0x4, v61;
	[tilespmem:s24+$0xFFFFFC10] =	vst v20;
	v21 =	vld.idx.msk [tilespmem:v21+s11+$0x0], $0xffff  }
0x232: {  	v23 =	vor.u32 $0x5, v61;
	[tilespmem:s24+$0xFFFFFE10] =	vst v28;
	v22 =	vld.idx.msk [tilespmem:v22+s11+$0x0], $0xffff  }
0x233: {  	v31 =	vadd.s32 v15, v16;
	v27 =	vor.u32 $0x6, v61;
	[tilespmem:s24+$0x10] =	vst v29;
	v24 =	vld.idx.msk [tilespmem:v24+s11+$0x0], $0xffff  }
0x234: {  	v20 =	vor.u32 $0x7, v31;
	[tilespmem:s24+$0xFFFFF810] =	vst v25;
	v28 =	vld.idx.msk [tilespmem:v30+s11+$0x0], $0xffff  }
0x235: {  	v29 =	vor.u32 $0x1, v31;
	v32 =	vld.idx.msk [tilespmem:v61+s11+$0x0], $0xffff;
	[tilespmem:s24+$0x210] =	vst v17  }
0x236: {  	v30 =	vor.u32 $0x2, v31;
	v18 =	vld.idx.msk [tilespmem:v18+s11+$0x0], $0xffff;
	[tilespmem:s24+$0x410] =	vst v26  }
0x237: {  	v23 =	vld.idx.msk [tilespmem:v23+s11+$0x0], $0xffff;
	[tilespmem:s24+$0x680] =	vst v21  }
0x238: {  	v21 =	vor.u32 $0x3, v31;
	v27 =	vld.idx.msk [tilespmem:v27+s11+$0x0], $0xffff;
	[tilespmem:s24+$0xFFFFFA80] =	vst v22  }
0x239: {  	v26 =	vor.u32 $0x4, v31;
	[tilespmem:s24+$0xFFFFFC80] =	vst v24;
	v20 =	vld.idx.msk [tilespmem:v20+s11+$0x0], $0xffff  }
0x23a: {  	v62 =	vor.u32 $0x5, v31;
	v17 =	vimm.s32 $0x100;
	[tilespmem:s24+$0xFFFFFE80] =	vst v28;
	v29 =	vld.idx.msk [tilespmem:v29+s11+$0x0], $0xffff  }
0x23b: {  	v25 =	vadd.s32 v14, v17;
	v24 =	vor.u32 $0x6, v31;
	[tilespmem:s24+$0xFFFFF880] =	vst v32;
	v30 =	vld.idx.msk [tilespmem:v30+s11+$0x0], $0xffff  }
0x23c: {  	v22 =	vor.u32 $0x7, v25;
	v31 =	vld.idx.msk [tilespmem:v31+s11+$0x0], $0xffff;
	[tilespmem:s24+$0x80] =	vst v18  }
0x23d: {  	[tilespmem:s24+$0x280] =	vst v23;
	v21 =	vld.idx.msk [tilespmem:v21+s11+$0x0], $0xffff  }
0x23e: {  	v18 =	vor.u32 $0x1, v25;
	v26 =	vld.idx.msk [tilespmem:v26+s11+$0x0], $0xffff;
	[tilespmem:s24+$0x480] =	vst v27  }
0x23f: {  	v33 =	vld.idx.msk [tilespmem:v62+s11+$0x0], $0xffff;
	[tilespmem:s24+$0x690] =	vst v20;
	v20 =	vor.u32 $0x2, v25  }
0x240: {  	v23 =	vor.u32 $0x3, v25;
	v24 =	vld.idx.msk [tilespmem:v24+s11+$0x0], $0xffff;
	[tilespmem:s24+$0xFFFFFA90] =	vst v29  }
0x241: {  	v63 =	vor.u32 $0x4, v25;
	[tilespmem:s24+$0xFFFFF890] =	vst v31;
	v22 =	vld.idx.msk [tilespmem:v22+s11+$0x0], $0xffff  }
0x242: {  	v28 =	vadd.s32 v15, v17;
	v29 =	vor.u32 $0x5, v25;
	[tilespmem:s24+$0xFFFFFC90] =	vst v30;
	v30 =	vor.u32 $0x6, v25;
	v25 =	vld.idx.msk [tilespmem:v25+s11+$0x0], $0xffff  }
0x243: {  	v27 =	vor.u32 $0x7, v28;
	v34 =	vld.idx.msk [tilespmem:v18+s11+$0x0], $0xffff;
	[tilespmem:s24+$0xFFFFFE90] =	vst v21  }
0x244: {  	[tilespmem:s24+$0x90] =	vst v26;
	v20 =	vld.idx.msk [tilespmem:v20+s11+$0x0], $0xffff  }
0x245: {  	[tilespmem:s24+$0x290] =	vst v33;
	v21 =	vld.idx.msk [tilespmem:v23+s11+$0x0], $0xffff  }
0x246: {  	v32 =	vld.idx.msk [tilespmem:v63+s11+$0x0], $0xffff;
	[tilespmem:s24+$0x700] =	vst v22;
	v22 =	vor.u32 $0x1, v28  }
0x247: {  	v18 =	vimm.s32 $0x180;
	v26 =	vor.u32 $0x2, v28;
	v29 =	vld.idx.msk [tilespmem:v29+s11+$0x0], $0xffff;
	[tilespmem:s24+$0x490] =	vst v24  }
0x248: {  	v31 =	vor.u32 $0x4, v28;
	[tilespmem:s24+$0xFFFFF900] =	vst v25;
	v23 =	vld.idx.msk [tilespmem:v27+s11+$0x0], $0xffff;
	v27 =	vadd.s32 v14, v18  }
0x249: {  	v30 =	vld.idx.msk [tilespmem:v30+s11+$0x0], $0xffff;
	v24 =	vor.u32 $0x7, v27;
	[tilespmem:s24+$0xFFFFFB00] =	vst v34  }
0x24a: {  	v36 =	vor.u32 $0x3, v28;
	v37 =	vor.u32 $0x5, v28;
	v35 =	vor.u32 $0x6, v28;
	v28 =	vld.idx.msk [tilespmem:v28+s11+$0x0], $0xffff;
	[tilespmem:s24+$0xFFFFFD00] =	vst v20  }
0x24b: {  	[tilespmem:s24+$0xFFFFFF00] =	vst v21;
	v22 =	vld.idx.msk [tilespmem:v22+s11+$0x0], $0xffff  }
0x24c: {  	[tilespmem:s24+$0x100] =	vst v32;
	v26 =	vld.idx.msk [tilespmem:v26+s11+$0x0], $0xffff  }
0x24d: {  	v31 =	vld.idx.msk [tilespmem:v31+s11+$0x0], $0xffff;
	[tilespmem:s24+$0x710] =	vst v23;
	v23 =	vor.u32 $0x1, v27  }
0x24e: {  	v40 =	vor.u32 $0x4, v27;
	v20 =	vadd.s32 v15, v18;
	[tilespmem:s24+$0x300] =	vst v29;
	v21 =	vld.idx.msk [tilespmem:v24+s11+$0x0], $0xffff  }
0x24f: {  	v29 =	vor.u32 $0x7, v20;
	v39 =	vld.idx.msk [tilespmem:v37+s11+$0x0], $0xffff;
	[tilespmem:s24+$0x500] =	vst v30  }
0x250: {  	v38 =	vor.u32 $0x2, v27;
	[tilespmem:s24+$0xFFFFF910] =	vst v28;
	v24 =	vld.idx.msk [tilespmem:v36+s11+$0x0], $0xffff  }
0x251: {  	v30 =	vor.u32 $0x3, v27;
	v25 =	vld.idx.msk [tilespmem:v35+s11+$0x0], $0xffff;
	[tilespmem:s24+$0xFFFFFB10] =	vst v22  }
0x252: {  	[tilespmem:s24+$0x110] =	vst v31;
	v23 =	vld.idx.msk [tilespmem:v23+s11+$0x0], $0xffff  }
0x253: {  	v22 =	vor.u32 $0x5, v27;
	v41 =	vld.idx.msk [tilespmem:v40+s11+$0x0], $0xffff;
	[tilespmem:s24+$0x780] =	vst v21  }
0x254: {  	[tilespmem:s24+$0xFFFFFD10] =	vst v26;
	v21 =	vor.u32 $0x6, v27;
	v26 =	vld.idx.msk [tilespmem:v29+s11+$0x0], $0xffff  }
0x255: {  	[tilespmem:s24+$0xFFFFFF10] =	vst v24;
	v24 =	vor.u32 $0x1, v20;
	v29 =	vld.idx.msk [tilespmem:v38+s11+$0x0], $0xffff  }
0x256: {  	[tilespmem:s24+$0x510] =	vst v25;
	v25 =	vor.u32 $0x4, v20;
	v30 =	vld.idx.msk [tilespmem:v30+s11+$0x0], $0xffff  }
0x257: {  	v31 =	vor.u32 $0x2, v20;
	[tilespmem:s24+$0x310] =	vst v39;
	v27 =	vld.idx.msk [tilespmem:v27+s11+$0x0], $0xffff  }
0x258: {  	v42 =	vor.u32 $0x3, v20;
	v22 =	vld.idx.msk [tilespmem:v22+s11+$0x0], $0xffff;
	[tilespmem:s24+$0xFFFFFB80] =	vst v23  }
0x259: {  	v43 =	vor.u32 $0x5, v20;
	[tilespmem:s24+$0x180] =	vst v41;
	v28 =	vld.idx.msk [tilespmem:v21+s11+$0x0], $0xffff  }
0x25a: {  	v23 =	vor.u32 $0x6, v20;
	v24 =	vld.idx.msk [tilespmem:v24+s11+$0x0], $0xffff;
	v21 =	vadd.s32 $0x8, v19;
	[tilespmem:s24+$0xFFFFFD80] =	vst v29  }
0x25b: {  	v25 =	vld.idx.msk [tilespmem:v25+s11+$0x0], $0xffff;
	v19 =	vadd.s32 v14, v21;
	[tilespmem:s24+$0xFFFFFF80] =	vst v30  }
0x25c: {  	[tilespmem:s24+$0x790] =	vst v26;
	v29 =	vld.idx.msk [tilespmem:v31+s11+$0x0], $0xffff;
	v30 =	vor.u32 $0x7, v19  }
0x25d: {  	v31 =	vld.idx.msk [tilespmem:v42+s11+$0x0], $0xffff;
	v44 =	vor.u32 $0x1, v19;
	[tilespmem:s24+$0x380] =	vst v22  }
0x25e: {  	v26 =	vor.u32 $0x3, v19;
	v45 =	vld.idx.msk [tilespmem:v43+s11+$0x0], $0xffff;
	[tilespmem:s24+$0x580] =	vst v28  }
0x25f: {  	[tilespmem:s24+$0xFFFFF980] =	vst v27;
	v22 =	vor.u32 $0x2, v19;
	v23 =	vld.idx.msk [tilespmem:v23+s11+$0x0], $0xffff  }
0x260: {  	v28 =	vor.u32 $0x4, v19;
	[tilespmem:s24+$0xFFFFFB90] =	vst v24;
	v27 =	vld.idx.msk [tilespmem:v19+s11+$0x0], $0xffff  }
0x261: {  	v46 =	vor.u32 $0x5, v19;
	[tilespmem:s24+$0x190] =	vst v25;
	v24 =	vld.idx.msk [tilespmem:v30+s11+$0x0], $0xffff  }
0x262: {  	v19 =	vor.u32 $0x6, v19;
	[tilespmem:s24+$0xFFFFFD90] =	vst v29;
	v29 =	vadd.s32 v15, v21;
	v30 =	vld.idx.msk [tilespmem:v44+s11+$0x0], $0xffff  }
0x263: {  	[tilespmem:s24+$0xFFFFFF90] =	vst v31;
	v25 =	vld.idx.msk [tilespmem:v26+s11+$0x0], $0xffff;
	v31 =	vor.u32 $0x7, v29  }
0x264: {  	v22 =	vld.idx.msk [tilespmem:v22+s11+$0x0], $0xffff;
	v47 =	vor.u32 $0x1, v29  }
0x265: {  	s25 =	simm.s32 $0xA3C0;
	v28 =	vld.idx.msk [tilespmem:v28+s11+$0x0], $0xffff;
	[tilespmem:s24+$0x590] =	vst v23  }
0x266: {  	v26 =	vor.u32 $0x2, v29;
	v23 =	vld.idx.msk [tilespmem:v46+s11+$0x0], $0xffff;
	[tilespmem:s25+$0xFFFFF800] =	vst v27  }
0x267: {  	v48 =	vor.u32 $0x3, v29;
	v19 =	vld.idx.msk [tilespmem:v19+s11+$0x0], $0xffff;
	[tilespmem:s25+$0x600] =	vst v24  }
0x268: {  	v49 =	vor.u32 $0x4, v29;
	[tilespmem:s25+$0xFFFFFA00] =	vst v30;
	v30 =	vld.idx.msk [tilespmem:v31+s11+$0x0], $0xffff  }
0x269: {  	v16 =	vadd.s32 $0x8, v16;
	v24 =	vor.u32 $0x5, v29;
	[tilespmem:s25+$0xFFFFFE00] =	vst v25;
	v32 =	vld.idx.msk [tilespmem:v47+s11+$0x0], $0xffff  }
0x26a: {  	v50 =	vadd.s32 v14, v16;
	v31 =	vor.u32 $0x6, v29;
	[tilespmem:s25+$0xFFFFFC00] =	vst v22;
	v29 =	vld.idx.msk [tilespmem:v29+s11+$0x0], $0xffff  }
0x26b: {  	v25 =	vor.u32 $0x7, v50;
	v22 =	vld.idx.msk [tilespmem:v26+s11+$0x0], $0xffff;
	[tilespmem:s25+$0x0] =	vst v28  }
0x26c: {  	v26 =	vld.idx.msk [tilespmem:v48+s11+$0x0], $0xffff;
	[tilespmem:s25+$0x200] =	vst v23  }
0x26d: {  	v28 =	vor.u32 $0x1, v50;
	v51 =	vld.idx.msk [tilespmem:v49+s11+$0x0], $0xffff;
	[tilespmem:s25+$0x400] =	vst v19  }
0x26e: {  	v23 =	vor.u32 $0x2, v50;
	v24 =	vld.idx.msk [tilespmem:v24+s11+$0x0], $0xffff;
	[tilespmem:s25+$0x610] =	vst v30  }
0x26f: {  	v19 =	vor.u32 $0x3, v50;
	v31 =	vld.idx.msk [tilespmem:v31+s11+$0x0], $0xffff;
	[tilespmem:s25+$0xFFFFFA10] =	vst v32  }
0x270: {  	v30 =	vor.u32 $0x4, v50;
	[tilespmem:s25+$0xFFFFF810] =	vst v29;
	v25 =	vld.idx.msk [tilespmem:v25+s11+$0x0], $0xffff  }
0x271: {  	v27 =	vor.u32 $0x5, v50;
	[tilespmem:s25+$0xFFFFFC10] =	vst v22;
	v54 =	vld.idx.msk [tilespmem:v50+s11+$0x0], $0xffff  }
0x272: {  	v52 =	vadd.s32 v15, v16;
	v53 =	vor.u32 $0x6, v50;
	[tilespmem:s25+$0xFFFFFE10] =	vst v26;
	v28 =	vld.idx.msk [tilespmem:v28+s11+$0x0], $0xffff  }
0x273: {  	v22 =	vor.u32 $0x7, v52;
	v23 =	vld.idx.msk [tilespmem:v23+s11+$0x0], $0xffff;
	[tilespmem:s25+$0x10] =	vst v51  }
0x274: {  	v19 =	vld.idx.msk [tilespmem:v19+s11+$0x0], $0xffff;
	[tilespmem:s25+$0x210] =	vst v24  }
0x275: {  	v26 =	vor.u32 $0x1, v52;
	v30 =	vld.idx.msk [tilespmem:v30+s11+$0x0], $0xffff;
	[tilespmem:s25+$0x410] =	vst v31  }
0x276: {  	v24 =	vor.u32 $0x2, v52;
	v27 =	vld.idx.msk [tilespmem:v27+s11+$0x0], $0xffff;
	[tilespmem:s25+$0x680] =	vst v25  }
0x277: {  	v25 =	vor.u32 $0x3, v52;
	v32 =	vld.idx.msk [tilespmem:v53+s11+$0x0], $0xffff;
	[tilespmem:s25+$0xFFFFF880] =	vst v54  }
0x278: {  	v17 =	vadd.s32 $0x8, v17;
	v31 =	vor.u32 $0x4, v52;
	v22 =	vld.idx.msk [tilespmem:v22+s11+$0x0], $0xffff;
	[tilespmem:s25+$0xFFFFFA80] =	vst v28  }
0x279: {  	v55 =	vor.u32 $0x5, v52;
	v29 =	vadd.s32 v14, v17;
	v34 =	vld.idx.msk [tilespmem:v52+s11+$0x0], $0xffff;
	[tilespmem:s25+$0xFFFFFC80] =	vst v23  }
0x27a: {  	v28 =	vor.u32 $0x7, v29;
	v26 =	vld.idx.msk [tilespmem:v26+s11+$0x0], $0xffff;
	[tilespmem:s25+$0xFFFFFE80] =	vst v19  }
0x27b: {  	v23 =	vor.u32 $0x6, v52;
	v24 =	vld.idx.msk [tilespmem:v24+s11+$0x0], $0xffff;
	[tilespmem:s25+$0x80] =	vst v30  }
0x27c: {  	[tilespmem:s25+$0x280] =	vst v27;
	v19 =	vld.idx.msk [tilespmem:v25+s11+$0x0], $0xffff  }
0x27d: {  	v25 =	vor.u32 $0x1, v29;
	v30 =	vld.idx.msk [tilespmem:v31+s11+$0x0], $0xffff;
	[tilespmem:s25+$0x480] =	vst v32  }
0x27e: {  	v35 =	vld.idx.msk [tilespmem:v55+s11+$0x0], $0xffff;
	[tilespmem:s25+$0x690] =	vst v22;
	v22 =	vor.u32 $0x2, v29  }
0x27f: {  	v57 =	vor.u32 $0x4, v29;
	[tilespmem:s25+$0xFFFFF890] =	vst v34;
	v27 =	vld.idx.msk [tilespmem:v28+s11+$0x0], $0xffff  }
0x280: {  	v31 =	vadd.s32 v15, v17;
	v28 =	vor.u32 $0x3, v29;
	v23 =	vld.idx.msk [tilespmem:v23+s11+$0x0], $0xffff;
	[tilespmem:s25+$0xFFFFFA90] =	vst v26  }
0x281: {  	v56 =	vor.u32 $0x7, v31;
	v26 =	vor.u32 $0x5, v29;
	[tilespmem:s25+$0xFFFFFC90] =	vst v24;
	v24 =	vor.u32 $0x6, v29;
	v29 =	vld.idx.msk [tilespmem:v29+s11+$0x0], $0xffff  }
0x282: {  	v25 =	vld.idx.msk [tilespmem:v25+s11+$0x0], $0xffff;
	[tilespmem:s25+$0xFFFFFE90] =	vst v19  }
0x283: {  	[tilespmem:s25+$0x90] =	vst v30;
	v22 =	vld.idx.msk [tilespmem:v22+s11+$0x0], $0xffff  }
0x284: {  	[tilespmem:s25+$0x290] =	vst v35;
	v58 =	vld.idx.msk [tilespmem:v57+s11+$0x0], $0xffff  }
0x285: {  	v18 =	vadd.s32 $0x8, v18;
	v19 =	vld.idx.msk [tilespmem:v28+s11+$0x0], $0xffff;
	[tilespmem:s25+$0x700] =	vst v27;
	v27 =	vor.u32 $0x1, v31  }
0x286: {  	v36 =	vadd.s32 v14, v18;
	v30 =	vor.u32 $0x2, v31;
	[tilespmem:s25+$0x490] =	vst v23;
	v28 =	vld.idx.msk [tilespmem:v56+s11+$0x0], $0xffff  }
0x287: {  	v26 =	vld.idx.msk [tilespmem:v26+s11+$0x0], $0xffff;
	v23 =	vor.u32 $0x7, v36;
	[tilespmem:s25+$0xFFFFF900] =	vst v29  }
0x288: {  	v60 =	vor.u32 $0x4, v31;
	v24 =	vld.idx.msk [tilespmem:v24+s11+$0x0], $0xffff;
	[tilespmem:s25+$0xFFFFFB00] =	vst v25  }
0x289: {  	v59 =	vor.u32 $0x3, v31;
	v62 =	vld.idx.msk [tilespmem:v31+s11+$0x0], $0xffff;
	[tilespmem:s25+$0xFFFFFD00] =	vst v22  }
0x28a: {  	v25 =	vor.u32 $0x5, v31;
	[tilespmem:s25+$0x100] =	vst v58;
	v27 =	vld.idx.msk [tilespmem:v27+s11+$0x0], $0xffff  }
0x28b: {  	v22 =	vor.u32 $0x6, v31;
	v30 =	vld.idx.msk [tilespmem:v30+s11+$0x0], $0xffff;
	[tilespmem:s25+$0x710] =	vst v28  }
0x28c: {  	[tilespmem:s25+$0xFFFFFF00] =	vst v19;
	v19 =	vadd.s32 v15, v18;
	v28 =	vor.u32 $0x1, v36;
	v23 =	vld.idx.msk [tilespmem:v23+s11+$0x0], $0xffff  }
0x28d: {  	v34 =	vld.idx.msk [tilespmem:v60+s11+$0x0], $0xffff;
	[tilespmem:s25+$0x300] =	vst v26;
	v26 =	vor.u32 $0x7, v19  }
0x28e: {  	v61 =	vor.u32 $0x2, v36;
	v33 =	vld.idx.msk [tilespmem:v59+s11+$0x0], $0xffff;
	[tilespmem:s25+$0x500] =	vst v24  }
0x28f: {  	v29 =	vor.u32 $0x4, v36;
	[tilespmem:s25+$0xFFFFF910] =	vst v62;
	v25 =	vld.idx.msk [tilespmem:v25+s11+$0x0], $0xffff  }
0x290: {  	v24 =	vor.u32 $0x3, v36;
	v22 =	vld.idx.msk [tilespmem:v22+s11+$0x0], $0xffff;
	[tilespmem:s25+$0xFFFFFB10] =	vst v27  }
0x291: {  	v27 =	vor.u32 $0x5, v36;
	v37 =	vld.idx.msk [tilespmem:v28+s11+$0x0], $0xffff;
	[tilespmem:s25+$0x780] =	vst v23  }
0x292: {  	[tilespmem:s25+$0xFFFFFD10] =	vst v30;
	v26 =	vld.idx.msk [tilespmem:v26+s11+$0x0], $0xffff  }
0x293: {  	[tilespmem:s25+$0x110] =	vst v34;
	v38 =	vld.idx.msk [tilespmem:v61+s11+$0x0], $0xffff;
	v23 =	vor.u32 $0x6, v36  }
0x294: {  	[tilespmem:s25+$0xFFFFFF10] =	vst v33;
	v31 =	vld.idx.msk [tilespmem:v29+s11+$0x0], $0xffff  }
0x295: {  	v63 =	vor.u32 $0x1, v19;
	v32 =	vld.idx.msk [tilespmem:v24+s11+$0x0], $0xffff;
	[tilespmem:s25+$0x310] =	vst v25  }
0x296: {  	[tilespmem:s25+$0x510] =	vst v22;
	v28 =	vld.idx.msk [tilespmem:v27+s11+$0x0], $0xffff;
	v27 =	vor.u32 $0x2, v19  }
0x297: {  	v29 =	vld.idx.msk [tilespmem:v36+s11+$0x0], $0xffff;
	[tilespmem:s25+$0x790] =	vst v26;
	v26 =	vor.u32 $0x3, v19  }
0x298: {  	[tilespmem:s24+$0x390] =	vst v45;
	v30 =	vld.idx.msk [tilespmem:v23+s11+$0x0], $0xffff;
	v23 =	vor.u32 $0x4, v19  }
0x299: {  	v24 =	vor.u32 $0x5, v19;
	v22 =	vld.idx.msk [tilespmem:v20+s11+$0x0], $0xffff;
	[tilespmem:s25+$0xFFFFFB80] =	vst v37  }
0x29a: {  	s26 =	simm.s32 $0x8;
	v25 =	vor.u32 $0x6, v19;
	v20 =	vadd.s32 $0x8, v21;
	[tilespmem:s25+$0xFFFFFD80] =	vst v38;
	v33 =	vld.idx.msk [tilespmem:v63+s11+$0x0], $0xffff  }
.LBB2_7:
0x29b: {  	v21 =	vadd.s32 v14, v20;
	s26 =	sadd.s32 $0x8, s26;
	v27 =	vld.idx.msk [tilespmem:v27+s11+$0x0], $0xffff;
	[tilespmem:s25+$0xFFFFFF80] =	vst v32  }
0x29c: {  	v32 =	vor.u32 $0x1, v21;
	v34 =	vor.u32 $0x2, v21;
	v35 =	vor.u32 $0x7, v21;
	p0 =	slt.u32 s26, $0x78;
	v26 =	vld.idx.msk [tilespmem:v26+s11+$0x0], $0xffff;
	[tilespmem:s25+$0x180] =	vst v31  }
0x29d: {  	v31 =	vor.u32 $0x3, v21;
	v36 =	vor.u32 $0x4, v21;
	v37 =	vor.u32 $0x5, v21;
	v23 =	vld.idx.msk [tilespmem:v23+s11+$0x0], $0xffff;
	[tilespmem:s25+$0x380] =	vst v28  }
0x29e: {  	v28 =	vor.u32 $0x6, v21;
	v24 =	vld.idx.msk [tilespmem:v24+s11+$0x0], $0xffff;
	[tilespmem:s25+$0x580] =	vst v30  }
0x29f: {  	[tilespmem:s25+$0xFFFFF980] =	vst v29;
	v25 =	vld.idx.msk [tilespmem:v25+s11+$0x0], $0xffff  }
0x2a0: {  	v21 =	vld.idx.msk [tilespmem:v21+s11+$0x0], $0xffff;
	[tilespmem:s25+$0xFFFFFB90] =	vst v33  }
0x2a1: {  	v29 =	vld.idx.msk [tilespmem:v35+s11+$0x0], $0xffff;
	[tilespmem:s25+$0xFFFFFD90] =	vst v27  }
0x2a2: {  	v27 =	vadd.s32 v15, v20;
	v30 =	vld.idx.msk [tilespmem:v32+s11+$0x0], $0xffff;
	[tilespmem:s25+$0xFFFFFF90] =	vst v26  }
0x2a3: {  	v26 =	vor.u32 $0x1, v27;
	v33 =	vor.u32 $0x2, v27;
	v32 =	vld.idx.msk [tilespmem:v34+s11+$0x0], $0xffff;
	v34 =	vor.u32 $0x7, v27;
	[tilespmem:s25+$0x190] =	vst v23  }
0x2a4: {  	v35 =	vor.u32 $0x4, v27;
	v38 =	vor.u32 $0x5, v27;
	v23 =	vld.idx.msk [tilespmem:v31+s11+$0x0], $0xffff;
	v31 =	vor.u32 $0x3, v27;
	[tilespmem:s25+$0x390] =	vst v24  }
0x2a5: {  	v24 =	vld.idx.msk [tilespmem:v36+s11+$0x0], $0xffff;
	v36 =	vor.u32 $0x6, v27;
	[tilespmem:s25+$0x590] =	vst v25  }
0x2a6: {  	v25 =	vld.idx.msk [tilespmem:v37+s11+$0x0], $0xffff;
	[tilespmem:s24+$0xFFFFF990] =	vst v22;
	s24 =	smov.u32 s25;
	s25 =	sadd.s32 $0x1000, s25  }
0x2a7: {  	v22 =	vld.idx.msk [tilespmem:v28+s11+$0x0], $0xffff;
	[tilespmem:s25+$0x600] =	vst v29  }
0x2a8: {  	v16 =	vadd.s32 $0x8, v16;
	[tilespmem:s25+$0xFFFFFA00] =	vst v30;
	v28 =	vld.idx.msk [tilespmem:v34+s11+$0x0], $0xffff  }
0x2a9: {  	v29 =	vadd.s32 v14, v16;
	v26 =	vld.idx.msk [tilespmem:v26+s11+$0x0], $0xffff;
	[tilespmem:s25+$0xFFFFFC00] =	vst v32  }
0x2aa: {  	v30 =	vor.u32 $0x1, v29;
	v32 =	vld.idx.msk [tilespmem:v33+s11+$0x0], $0xffff;
	v33 =	vor.u32 $0x2, v29;
	[tilespmem:s25+$0xFFFFFE00] =	vst v23;
	v23 =	vor.u32 $0x7, v29  }
0x2ab: {  	v34 =	vor.u32 $0x3, v29;
	v37 =	vor.u32 $0x5, v29;
	v31 =	vld.idx.msk [tilespmem:v31+s11+$0x0], $0xffff;
	[tilespmem:s25+$0x0] =	vst v24;
	v24 =	vor.u32 $0x4, v29  }
0x2ac: {  	v35 =	vld.idx.msk [tilespmem:v35+s11+$0x0], $0xffff;
	[tilespmem:s25+$0x200] =	vst v25;
	v25 =	vor.u32 $0x6, v29  }
0x2ad: {  	v38 =	vld.idx.msk [tilespmem:v38+s11+$0x0], $0xffff;
	[tilespmem:s25+$0x400] =	vst v22  }
0x2ae: {  	v22 =	vld.idx.msk [tilespmem:v36+s11+$0x0], $0xffff;
	[tilespmem:s25+$0x610] =	vst v28  }
0x2af: {  	[tilespmem:s25+$0xFFFFF800] =	vst v21;
	v21 =	vld.idx.msk [tilespmem:v23+s11+$0x0], $0xffff  }
0x2b0: {  	v23 =	vld.idx.msk [tilespmem:v27+s11+$0x0], $0xffff;
	v27 =	vadd.s32 v15, v16;
	[tilespmem:s25+$0xFFFFFA10] =	vst v26  }
0x2b1: {  	v26 =	vld.idx.msk [tilespmem:v30+s11+$0x0], $0xffff;
	v28 =	vor.u32 $0x1, v27;
	[tilespmem:s25+$0xFFFFFC10] =	vst v32;
	v30 =	vor.u32 $0x2, v27;
	v32 =	vor.u32 $0x7, v27  }
0x2b2: {  	v36 =	vor.u32 $0x4, v27;
	v39 =	vor.u32 $0x5, v27;
	v33 =	vld.idx.msk [tilespmem:v33+s11+$0x0], $0xffff;
	[tilespmem:s25+$0xFFFFFE10] =	vst v31;
	v31 =	vor.u32 $0x3, v27  }
0x2b3: {  	v34 =	vld.idx.msk [tilespmem:v34+s11+$0x0], $0xffff;
	[tilespmem:s25+$0x10] =	vst v35;
	v35 =	vor.u32 $0x6, v27  }
0x2b4: {  	v24 =	vld.idx.msk [tilespmem:v24+s11+$0x0], $0xffff;
	[tilespmem:s25+$0x210] =	vst v38  }
0x2b5: {  	v37 =	vld.idx.msk [tilespmem:v37+s11+$0x0], $0xffff;
	[tilespmem:s25+$0x680] =	vst v21  }
0x2b6: {  	v17 =	vadd.s32 $0x8, v17;
	[tilespmem:s25+$0x410] =	vst v22;
	v21 =	vld.idx.msk [tilespmem:v32+s11+$0x0], $0xffff  }
0x2b7: {  	v22 =	vadd.s32 v14, v17;
	[tilespmem:s25+$0xFFFFF810] =	vst v23;
	v23 =	vld.idx.msk [tilespmem:v25+s11+$0x0], $0xffff  }
0x2b8: {  	v32 =	vor.u32 $0x7, v22;
	v25 =	vld.idx.msk [tilespmem:v29+s11+$0x0], $0xffff;
	[tilespmem:s25+$0xFFFFFA80] =	vst v26;
	v26 =	vor.u32 $0x1, v22;
	v29 =	vor.u32 $0x2, v22  }
0x2b9: {  	v38 =	vor.u32 $0x4, v22;
	v40 =	vor.u32 $0x5, v22;
	v28 =	vld.idx.msk [tilespmem:v28+s11+$0x0], $0xffff;
	[tilespmem:s25+$0xFFFFFC80] =	vst v33;
	v33 =	vor.u32 $0x3, v22  }
0x2ba: {  	v30 =	vld.idx.msk [tilespmem:v30+s11+$0x0], $0xffff;
	[tilespmem:s25+$0xFFFFFE80] =	vst v34;
	v34 =	vor.u32 $0x6, v22  }
0x2bb: {  	v31 =	vld.idx.msk [tilespmem:v31+s11+$0x0], $0xffff;
	[tilespmem:s25+$0x80] =	vst v24  }
0x2bc: {  	v24 =	vld.idx.msk [tilespmem:v36+s11+$0x0], $0xffff;
	[tilespmem:s25+$0x690] =	vst v21  }
0x2bd: {  	[tilespmem:s25+$0x280] =	vst v37;
	v21 =	vld.idx.msk [tilespmem:v32+s11+$0x0], $0xffff  }
0x2be: {  	v32 =	vadd.s32 v15, v17;
	v36 =	vld.idx.msk [tilespmem:v39+s11+$0x0], $0xffff;
	[tilespmem:s25+$0x480] =	vst v23  }
0x2bf: {  	v23 =	vor.u32 $0x1, v32;
	v37 =	vor.u32 $0x7, v32;
	[tilespmem:s25+$0xFFFFF880] =	vst v25;
	v25 =	vor.u32 $0x2, v32;
	v35 =	vld.idx.msk [tilespmem:v35+s11+$0x0], $0xffff  }
0x2c0: {  	v39 =	vor.u32 $0x4, v32;
	v41 =	vor.u32 $0x5, v32;
	v27 =	vld.idx.msk [tilespmem:v27+s11+$0x0], $0xffff;
	[tilespmem:s25+$0xFFFFFA90] =	vst v28;
	v28 =	vor.u32 $0x3, v32  }
0x2c1: {  	v26 =	vld.idx.msk [tilespmem:v26+s11+$0x0], $0xffff;
	[tilespmem:s25+$0xFFFFFC90] =	vst v30;
	v30 =	vor.u32 $0x6, v32  }
0x2c2: {  	v29 =	vld.idx.msk [tilespmem:v29+s11+$0x0], $0xffff;
	[tilespmem:s25+$0xFFFFFE90] =	vst v31  }
0x2c3: {  	v31 =	vld.idx.msk [tilespmem:v33+s11+$0x0], $0xffff;
	[tilespmem:s25+$0x700] =	vst v21  }
0x2c4: {  	v18 =	vadd.s32 $0x8, v18;
	[tilespmem:s25+$0x90] =	vst v24;
	v21 =	vld.idx.msk [tilespmem:v37+s11+$0x0], $0xffff  }
0x2c5: {  	v33 =	vadd.s32 v14, v18;
	v24 =	vld.idx.msk [tilespmem:v38+s11+$0x0], $0xffff;
	[tilespmem:s25+$0x290] =	vst v36  }
0x2c6: {  	v37 =	vor.u32 $0x2, v33;
	v36 =	vor.u32 $0x1, v33;
	v38 =	vld.idx.msk [tilespmem:v40+s11+$0x0], $0xffff;
	[tilespmem:s25+$0x490] =	vst v35;
	v35 =	vor.u32 $0x7, v33  }
0x2c7: {  	v42 =	vor.u32 $0x4, v33;
	v43 =	vor.u32 $0x5, v33;
	v40 =	vor.u32 $0x3, v33;
	[tilespmem:s25+$0xFFFFF890] =	vst v27;
	v34 =	vld.idx.msk [tilespmem:v34+s11+$0x0], $0xffff  }
0x2c8: {  	v44 =	vor.u32 $0x6, v33;
	v22 =	vld.idx.msk [tilespmem:v22+s11+$0x0], $0xffff;
	[tilespmem:s25+$0xFFFFFB00] =	vst v26  }
0x2c9: {  	v45 =	vld.idx.msk [tilespmem:v23+s11+$0x0], $0xffff;
	[tilespmem:s25+$0xFFFFFD00] =	vst v29  }
0x2ca: {  	v29 =	vld.idx.msk [tilespmem:v25+s11+$0x0], $0xffff;
	[tilespmem:s25+$0x710] =	vst v21  }
0x2cb: {  	[tilespmem:s25+$0xFFFFFF00] =	vst v31;
	v21 =	vld.idx.msk [tilespmem:v35+s11+$0x0], $0xffff  }
0x2cc: {  	v35 =	vadd.s32 v15, v18;
	v28 =	vld.idx.msk [tilespmem:v28+s11+$0x0], $0xffff;
	[tilespmem:s25+$0x100] =	vst v24  }
0x2cd: {  	v46 =	vor.u32 $0x1, v35;
	v27 =	vor.u32 $0x2, v35;
	v31 =	vld.idx.msk [tilespmem:v39+s11+$0x0], $0xffff;
	[tilespmem:s25+$0x300] =	vst v38;
	v38 =	vor.u32 $0x7, v35  }
0x2ce: {  	v26 =	vor.u32 $0x3, v35;
	v23 =	vor.u32 $0x4, v35;
	v24 =	vor.u32 $0x5, v35;
	v39 =	vld.idx.msk [tilespmem:v41+s11+$0x0], $0xffff;
	[tilespmem:s25+$0x500] =	vst v34  }
0x2cf: {  	v25 =	vor.u32 $0x6, v35;
	[tilespmem:s25+$0xFFFFF900] =	vst v22;
	v22 =	vld.idx.msk [tilespmem:v30+s11+$0x0], $0xffff  }
0x2d0: {  	v30 =	vld.idx.msk [tilespmem:v32+s11+$0x0], $0xffff;
	[tilespmem:s25+$0xFFFFFB10] =	vst v45  }
0x2d1: {  	v34 =	vld.idx.msk [tilespmem:v36+s11+$0x0], $0xffff;
	[tilespmem:s25+$0x780] =	vst v21  }
0x2d2: {  	[tilespmem:s25+$0xFFFFFD10] =	vst v29;
	v21 =	vld.idx.msk [tilespmem:v38+s11+$0x0], $0xffff  }
0x2d3: {  	v36 =	vld.idx.msk [tilespmem:v37+s11+$0x0], $0xffff;
	[tilespmem:s25+$0xFFFFFF10] =	vst v28  }
0x2d4: {  	v32 =	vld.idx.msk [tilespmem:v40+s11+$0x0], $0xffff;
	[tilespmem:s25+$0x110] =	vst v31  }
0x2d5: {  	v31 =	vld.idx.msk [tilespmem:v42+s11+$0x0], $0xffff;
	[tilespmem:s25+$0x310] =	vst v39  }
.Ltmp2:
0x2d6: {  	v28 =	vld.idx.msk [tilespmem:v43+s11+$0x0], $0xffff;
	[tilespmem:s25+$0x510] =	vst v22;
	(pc) =	sbr.rel @p0 .LBB2_7-.Ltmp2, $4  }
0x2d7: {  	[tilespmem:s25+$0xFFFFF910] =	vst v30;
	v30 =	vld.idx.msk [tilespmem:v44+s11+$0x0], $0xffff  }
0x2d8: {  	v29 =	vld.idx.msk [tilespmem:v33+s11+$0x0], $0xffff;
	[tilespmem:s25+$0x790] =	vst v21  }
0x2d9: {  	[tilespmem:s25+$0xFFFFFB80] =	vst v34;
	v22 =	vld.idx.msk [tilespmem:v19+s11+$0x0], $0xffff;
	v19 =	vmov v35  }
0x2da: {  	v20 =	vadd.s32 $0x8, v20;
	v33 =	vld.idx.msk [tilespmem:v46+s11+$0x0], $0xffff;
	[tilespmem:s25+$0xFFFFFD80] =	vst v36  }
0x2db: {  	_ =	sdelay $0x1  }
0x2dc: {  	[tilespmem:s25+$0xFFFFFF80] =	vst v32  }
0x2dd: {  	[tilespmem:s25+$0x180] =	vst v31  }
0x2de: {  	v14 =	vld.idx.msk [tilespmem:v27+s11+$0x0], $0xffff;
	[tilespmem:s25+$0x380] =	vst v28  }
0x2df: {  	v15 =	vld.idx.msk [tilespmem:v26+s11+$0x0], $0xffff;
	[tilespmem:s25+$0x580] =	vst v30  }
0x2e0: {  	v16 =	vld.idx.msk [tilespmem:v23+s11+$0x0], $0xffff;
	[tilespmem:s25+$0xFFFFF980] =	vst v29  }
0x2e1: {  	v17 =	vld.idx.msk [tilespmem:v24+s11+$0x0], $0xffff;
	[tilespmem:s24+$0xFFFFF990] =	vst v22  }
0x2e2: {  	v18 =	vld.idx.msk [tilespmem:v25+s11+$0x0], $0xffff;
	[tilespmem:s25+$0xFFFFFB90] =	vst v33  }
0x2e3: {  	[tilespmem:s25+$0xFFFFFD90] =	vst v14;
	v14 =	vld.idx.msk [tilespmem:v19+s11+$0x0], $0xffff  }
0x2e4: {  	[tilespmem:s25+$0xFFFFFF90] =	vst v15  }
0x2e5: {  	[tilespmem:s25+$0x190] =	vst v16  }
0x2e6: {  	[tilespmem:s25+$0x390] =	vst v17  }
0x2e7: {  	[tilespmem:s25+$0x590] =	vst v18  }
0x2e8: {  	p0 =	seq.s32 s21, $0xF;
	[tilespmem:s25+$0xFFFFF990] =	vst v14  }
0x2e9: {  	v14 =	vld @!p0 [tilespmem:s23+$0x80];
	_ =	sdelay $0x4  }
0x2ea: {  	vm0 =	vlt.s32 @!p0 v14, $0x7CF  }
0x2eb: {  	v14 =	vnsel @!p0 vm0, $0x7CF, v14  }
0x2ec: {  	v14 =	vshll.u32 @!p0 v14, $0x5  }
0x2ed: {  	v14 =	vor.u32 @!p0 v1, v14  }
0x2ee: {  	[tilespmem:$0x800] =	vst @!p0 v14  }
0x2ef: {  	v14 =	vld @!p0 [tilespmem:s23+$0x90];
	_ =	sdelay $0x4  }
0x2f0: {  	vm0 =	vlt.s32 @!p0 v14, $0x7CF  }
0x2f1: {  	v14 =	vnsel @!p0 vm0, $0x7CF, v14  }
0x2f2: {  	v14 =	vshll.u32 @!p0 v14, $0x5  }
0x2f3: {  	v14 =	vor.u32 @!p0 v1, v14  }
0x2f4: {  	s26 =	simm.s32 @!p0 $0x980;
	s24 =	simm.s32 @!p0 $0x20;
	s25 =	simm.s32 @!p0 $0x800;
	[tilespmem:$0x810] =	vst @!p0 v14  }
0x2f5: {  	[tilespmem:s26], [sflag:$0x1] =	stream.indirect.gather @!p0 [hbm4b:s2+s24], $0x200, s25, s24, $0xb8;
	[tilespmem:$0x18B80] =	vst v63  }
0x2f6: {  	_ =	swait.ge [sflag:s16], $0x4000  }
0x2f7: {  	[sflag:s16] =	ssyncset.done $0x0  }
0x2f8: {  	[sflag:s16] =	ssyncadd.s32 $0xFFFFC000  }
0x2f9: {  	v14 =	vld [tilespmem:s23+$0x60];
	_ =	sdelay $0x4  }
0x2fa: {  	vm14 =	vlt.s32 v14, $0x7D0  }
0x2fb: {  	v19 =	vimm.s32 $0x0;
	v14 =	vnsel vm14, $0x8000, v12  }
0x2fc: {  	v15 =	vld [tilespmem:s23+$0x70];
	v16 =	vadd.s32 v14, v19  }
0x2fd: {  	v17 =	vor.u32 $0x7, v16  }
0x2fe: {  	v18 =	vor.u32 $0x1, v16  }
0x2ff: {  	v20 =	vor.u32 $0x2, v16  }
0x300: {  	v21 =	vor.u32 $0x3, v16  }
0x301: {  	vm15 =	vlt.s32 v15, $0x7D0;
	v22 =	vor.u32 $0x4, v16;
	v23 =	vld.idx.msk [tilespmem:v16+s11+$0x0], $0xffff  }
0x302: {  	v15 =	vnsel vm15, $0x8000, v13;
	v24 =	vor.u32 $0x5, v16;
	v17 =	vld.idx.msk [tilespmem:v17+s11+$0x0], $0xffff  }
0x303: {  	v25 =	vadd.s32 v15, v19;
	v16 =	vor.u32 $0x6, v16;
	v18 =	vld.idx.msk [tilespmem:v18+s11+$0x0], $0xffff  }
0x304: {  	v26 =	vor.u32 $0x7, v25;
	v20 =	vld.idx.msk [tilespmem:v20+s11+$0x0], $0xffff  }
0x305: {  	v27 =	vor.u32 $0x1, v25;
	v21 =	vld.idx.msk [tilespmem:v21+s11+$0x0], $0xffff  }
0x306: {  	s23 =	simm.s32 $0x93E0;
	v28 =	vor.u32 $0x2, v25;
	v22 =	vld.idx.msk [tilespmem:v22+s11+$0x0], $0xffff  }
0x307: {  	v29 =	vor.u32 $0x3, v25;
	v24 =	vld.idx.msk [tilespmem:v24+s11+$0x0], $0xffff;
	[tilespmem:s23+$0xFFFFF800] =	vst v23  }
0x308: {  	v30 =	vor.u32 $0x4, v25;
	v31 =	vld.idx.msk [tilespmem:v16+s11+$0x0], $0xffff;
	[tilespmem:s23+$0x600] =	vst v17  }
0x309: {  	[tilespmem:s23+$0xFFFFFA00] =	vst v18;
	v18 =	vld.idx.msk [tilespmem:v26+s11+$0x0], $0xffff  }
0x30a: {  	v16 =	vimm.s32 $0x80;
	v17 =	vor.u32 $0x5, v25;
	[tilespmem:s23+$0xFFFFFC00] =	vst v20;
	v27 =	vld.idx.msk [tilespmem:v27+s11+$0x0], $0xffff  }
0x30b: {  	v61 =	vadd.s32 v14, v16;
	[tilespmem:s23+$0xFFFFFE00] =	vst v21;
	v26 =	vor.u32 $0x6, v25;
	v20 =	vld.idx.msk [tilespmem:v28+s11+$0x0], $0xffff  }
0x30c: {  	[tilespmem:s23+$0x0] =	vst v22;
	v21 =	vor.u32 $0x7, v61;
	v28 =	vld.idx.msk [tilespmem:v29+s11+$0x0], $0xffff  }
0x30d: {  	[tilespmem:s23+$0x200] =	vst v24;
	v22 =	vor.u32 $0x1, v61;
	v29 =	vld.idx.msk [tilespmem:v30+s11+$0x0], $0xffff  }
0x30e: {  	v24 =	vor.u32 $0x2, v61;
	v25 =	vld.idx.msk [tilespmem:v25+s11+$0x0], $0xffff;
	[tilespmem:s23+$0x400] =	vst v31  }
0x30f: {  	v30 =	vor.u32 $0x3, v61;
	v17 =	vld.idx.msk [tilespmem:v17+s11+$0x0], $0xffff;
	[tilespmem:s23+$0x610] =	vst v18  }
0x310: {  	v26 =	vld.idx.msk [tilespmem:v26+s11+$0x0], $0xffff;
	[tilespmem:s23+$0xFFFFFA10] =	vst v27  }
0x311: {  	v18 =	vor.u32 $0x4, v61;
	[tilespmem:s23+$0xFFFFFC10] =	vst v20;
	v21 =	vld.idx.msk [tilespmem:v21+s11+$0x0], $0xffff  }
0x312: {  	v23 =	vor.u32 $0x5, v61;
	[tilespmem:s23+$0xFFFFFE10] =	vst v28;
	v22 =	vld.idx.msk [tilespmem:v22+s11+$0x0], $0xffff  }
0x313: {  	v31 =	vadd.s32 v15, v16;
	v27 =	vor.u32 $0x6, v61;
	[tilespmem:s23+$0x10] =	vst v29;
	v24 =	vld.idx.msk [tilespmem:v24+s11+$0x0], $0xffff  }
0x314: {  	v20 =	vor.u32 $0x7, v31;
	[tilespmem:s23+$0xFFFFF810] =	vst v25;
	v28 =	vld.idx.msk [tilespmem:v30+s11+$0x0], $0xffff  }
0x315: {  	v29 =	vor.u32 $0x1, v31;
	v32 =	vld.idx.msk [tilespmem:v61+s11+$0x0], $0xffff;
	[tilespmem:s23+$0x210] =	vst v17  }
0x316: {  	v30 =	vor.u32 $0x2, v31;
	v18 =	vld.idx.msk [tilespmem:v18+s11+$0x0], $0xffff;
	[tilespmem:s23+$0x410] =	vst v26  }
0x317: {  	v23 =	vld.idx.msk [tilespmem:v23+s11+$0x0], $0xffff;
	[tilespmem:s23+$0x680] =	vst v21  }
0x318: {  	v21 =	vor.u32 $0x3, v31;
	v27 =	vld.idx.msk [tilespmem:v27+s11+$0x0], $0xffff;
	[tilespmem:s23+$0xFFFFFA80] =	vst v22  }
0x319: {  	v26 =	vor.u32 $0x4, v31;
	[tilespmem:s23+$0xFFFFFC80] =	vst v24;
	v20 =	vld.idx.msk [tilespmem:v20+s11+$0x0], $0xffff  }
0x31a: {  	v62 =	vor.u32 $0x5, v31;
	v17 =	vimm.s32 $0x100;
	[tilespmem:s23+$0xFFFFFE80] =	vst v28;
	v29 =	vld.idx.msk [tilespmem:v29+s11+$0x0], $0xffff  }
0x31b: {  	v25 =	vadd.s32 v14, v17;
	v24 =	vor.u32 $0x6, v31;
	[tilespmem:s23+$0xFFFFF880] =	vst v32;
	v30 =	vld.idx.msk [tilespmem:v30+s11+$0x0], $0xffff  }
0x31c: {  	v22 =	vor.u32 $0x7, v25;
	v31 =	vld.idx.msk [tilespmem:v31+s11+$0x0], $0xffff;
	[tilespmem:s23+$0x80] =	vst v18  }
0x31d: {  	[tilespmem:s23+$0x280] =	vst v23;
	v21 =	vld.idx.msk [tilespmem:v21+s11+$0x0], $0xffff  }
0x31e: {  	v18 =	vor.u32 $0x1, v25;
	v26 =	vld.idx.msk [tilespmem:v26+s11+$0x0], $0xffff;
	[tilespmem:s23+$0x480] =	vst v27  }
0x31f: {  	v33 =	vld.idx.msk [tilespmem:v62+s11+$0x0], $0xffff;
	[tilespmem:s23+$0x690] =	vst v20;
	v20 =	vor.u32 $0x2, v25  }
0x320: {  	v23 =	vor.u32 $0x3, v25;
	v24 =	vld.idx.msk [tilespmem:v24+s11+$0x0], $0xffff;
	[tilespmem:s23+$0xFFFFFA90] =	vst v29  }
0x321: {  	v63 =	vor.u32 $0x4, v25;
	[tilespmem:s23+$0xFFFFF890] =	vst v31;
	v22 =	vld.idx.msk [tilespmem:v22+s11+$0x0], $0xffff  }
0x322: {  	v28 =	vadd.s32 v15, v17;
	v29 =	vor.u32 $0x5, v25;
	[tilespmem:s23+$0xFFFFFC90] =	vst v30;
	v30 =	vor.u32 $0x6, v25;
	v25 =	vld.idx.msk [tilespmem:v25+s11+$0x0], $0xffff  }
0x323: {  	v27 =	vor.u32 $0x7, v28;
	v34 =	vld.idx.msk [tilespmem:v18+s11+$0x0], $0xffff;
	[tilespmem:s23+$0xFFFFFE90] =	vst v21  }
0x324: {  	[tilespmem:s23+$0x90] =	vst v26;
	v20 =	vld.idx.msk [tilespmem:v20+s11+$0x0], $0xffff  }
0x325: {  	[tilespmem:s23+$0x290] =	vst v33;
	v21 =	vld.idx.msk [tilespmem:v23+s11+$0x0], $0xffff  }
0x326: {  	v32 =	vld.idx.msk [tilespmem:v63+s11+$0x0], $0xffff;
	[tilespmem:s23+$0x700] =	vst v22;
	v22 =	vor.u32 $0x1, v28  }
0x327: {  	v18 =	vimm.s32 $0x180;
	v26 =	vor.u32 $0x2, v28;
	v29 =	vld.idx.msk [tilespmem:v29+s11+$0x0], $0xffff;
	[tilespmem:s23+$0x490] =	vst v24  }
0x328: {  	v31 =	vor.u32 $0x4, v28;
	[tilespmem:s23+$0xFFFFF900] =	vst v25;
	v23 =	vld.idx.msk [tilespmem:v27+s11+$0x0], $0xffff;
	v27 =	vadd.s32 v14, v18  }
0x329: {  	v30 =	vld.idx.msk [tilespmem:v30+s11+$0x0], $0xffff;
	v24 =	vor.u32 $0x7, v27;
	[tilespmem:s23+$0xFFFFFB00] =	vst v34  }
0x32a: {  	v36 =	vor.u32 $0x3, v28;
	v37 =	vor.u32 $0x5, v28;
	v35 =	vor.u32 $0x6, v28;
	v28 =	vld.idx.msk [tilespmem:v28+s11+$0x0], $0xffff;
	[tilespmem:s23+$0xFFFFFD00] =	vst v20  }
0x32b: {  	[tilespmem:s23+$0xFFFFFF00] =	vst v21;
	v22 =	vld.idx.msk [tilespmem:v22+s11+$0x0], $0xffff  }
0x32c: {  	[tilespmem:s23+$0x100] =	vst v32;
	v26 =	vld.idx.msk [tilespmem:v26+s11+$0x0], $0xffff  }
0x32d: {  	v31 =	vld.idx.msk [tilespmem:v31+s11+$0x0], $0xffff;
	[tilespmem:s23+$0x710] =	vst v23;
	v23 =	vor.u32 $0x1, v27  }
0x32e: {  	v40 =	vor.u32 $0x4, v27;
	v20 =	vadd.s32 v15, v18;
	[tilespmem:s23+$0x300] =	vst v29;
	v21 =	vld.idx.msk [tilespmem:v24+s11+$0x0], $0xffff  }
0x32f: {  	v29 =	vor.u32 $0x7, v20;
	v39 =	vld.idx.msk [tilespmem:v37+s11+$0x0], $0xffff;
	[tilespmem:s23+$0x500] =	vst v30  }
0x330: {  	v38 =	vor.u32 $0x2, v27;
	[tilespmem:s23+$0xFFFFF910] =	vst v28;
	v24 =	vld.idx.msk [tilespmem:v36+s11+$0x0], $0xffff  }
0x331: {  	v30 =	vor.u32 $0x3, v27;
	v25 =	vld.idx.msk [tilespmem:v35+s11+$0x0], $0xffff;
	[tilespmem:s23+$0xFFFFFB10] =	vst v22  }
0x332: {  	[tilespmem:s23+$0x110] =	vst v31;
	v23 =	vld.idx.msk [tilespmem:v23+s11+$0x0], $0xffff  }
0x333: {  	v22 =	vor.u32 $0x5, v27;
	v41 =	vld.idx.msk [tilespmem:v40+s11+$0x0], $0xffff;
	[tilespmem:s23+$0x780] =	vst v21  }
0x334: {  	[tilespmem:s23+$0xFFFFFD10] =	vst v26;
	v21 =	vor.u32 $0x6, v27;
	v26 =	vld.idx.msk [tilespmem:v29+s11+$0x0], $0xffff  }
0x335: {  	[tilespmem:s23+$0xFFFFFF10] =	vst v24;
	v24 =	vor.u32 $0x1, v20;
	v29 =	vld.idx.msk [tilespmem:v38+s11+$0x0], $0xffff  }
0x336: {  	[tilespmem:s23+$0x510] =	vst v25;
	v25 =	vor.u32 $0x4, v20;
	v30 =	vld.idx.msk [tilespmem:v30+s11+$0x0], $0xffff  }
0x337: {  	v31 =	vor.u32 $0x2, v20;
	[tilespmem:s23+$0x310] =	vst v39;
	v27 =	vld.idx.msk [tilespmem:v27+s11+$0x0], $0xffff  }
0x338: {  	v42 =	vor.u32 $0x3, v20;
	v22 =	vld.idx.msk [tilespmem:v22+s11+$0x0], $0xffff;
	[tilespmem:s23+$0xFFFFFB80] =	vst v23  }
0x339: {  	v43 =	vor.u32 $0x5, v20;
	[tilespmem:s23+$0x180] =	vst v41;
	v28 =	vld.idx.msk [tilespmem:v21+s11+$0x0], $0xffff  }
0x33a: {  	v23 =	vor.u32 $0x6, v20;
	v24 =	vld.idx.msk [tilespmem:v24+s11+$0x0], $0xffff;
	v21 =	vadd.s32 $0x8, v19;
	[tilespmem:s23+$0xFFFFFD80] =	vst v29  }
0x33b: {  	v25 =	vld.idx.msk [tilespmem:v25+s11+$0x0], $0xffff;
	v19 =	vadd.s32 v14, v21;
	[tilespmem:s23+$0xFFFFFF80] =	vst v30  }
0x33c: {  	[tilespmem:s23+$0x790] =	vst v26;
	v29 =	vld.idx.msk [tilespmem:v31+s11+$0x0], $0xffff;
	v30 =	vor.u32 $0x7, v19  }
0x33d: {  	v31 =	vld.idx.msk [tilespmem:v42+s11+$0x0], $0xffff;
	v44 =	vor.u32 $0x1, v19;
	[tilespmem:s23+$0x380] =	vst v22  }
0x33e: {  	v26 =	vor.u32 $0x3, v19;
	v45 =	vld.idx.msk [tilespmem:v43+s11+$0x0], $0xffff;
	[tilespmem:s23+$0x580] =	vst v28  }
0x33f: {  	[tilespmem:s23+$0xFFFFF980] =	vst v27;
	v22 =	vor.u32 $0x2, v19;
	v23 =	vld.idx.msk [tilespmem:v23+s11+$0x0], $0xffff  }
0x340: {  	v28 =	vor.u32 $0x4, v19;
	[tilespmem:s23+$0xFFFFFB90] =	vst v24;
	v27 =	vld.idx.msk [tilespmem:v19+s11+$0x0], $0xffff  }
0x341: {  	v46 =	vor.u32 $0x5, v19;
	[tilespmem:s23+$0x190] =	vst v25;
	v24 =	vld.idx.msk [tilespmem:v30+s11+$0x0], $0xffff  }
0x342: {  	v19 =	vor.u32 $0x6, v19;
	[tilespmem:s23+$0xFFFFFD90] =	vst v29;
	v29 =	vadd.s32 v15, v21;
	v30 =	vld.idx.msk [tilespmem:v44+s11+$0x0], $0xffff  }
0x343: {  	[tilespmem:s23+$0xFFFFFF90] =	vst v31;
	v25 =	vld.idx.msk [tilespmem:v26+s11+$0x0], $0xffff;
	v31 =	vor.u32 $0x7, v29  }
0x344: {  	v22 =	vld.idx.msk [tilespmem:v22+s11+$0x0], $0xffff;
	v47 =	vor.u32 $0x1, v29  }
0x345: {  	s24 =	simm.s32 $0xA3E0;
	v28 =	vld.idx.msk [tilespmem:v28+s11+$0x0], $0xffff;
	[tilespmem:s23+$0x590] =	vst v23  }
0x346: {  	v26 =	vor.u32 $0x2, v29;
	v23 =	vld.idx.msk [tilespmem:v46+s11+$0x0], $0xffff;
	[tilespmem:s24+$0xFFFFF800] =	vst v27  }
0x347: {  	v48 =	vor.u32 $0x3, v29;
	v19 =	vld.idx.msk [tilespmem:v19+s11+$0x0], $0xffff;
	[tilespmem:s24+$0x600] =	vst v24  }
0x348: {  	v49 =	vor.u32 $0x4, v29;
	[tilespmem:s24+$0xFFFFFA00] =	vst v30;
	v30 =	vld.idx.msk [tilespmem:v31+s11+$0x0], $0xffff  }
0x349: {  	v16 =	vadd.s32 $0x8, v16;
	v24 =	vor.u32 $0x5, v29;
	[tilespmem:s24+$0xFFFFFE00] =	vst v25;
	v32 =	vld.idx.msk [tilespmem:v47+s11+$0x0], $0xffff  }
0x34a: {  	v50 =	vadd.s32 v14, v16;
	v31 =	vor.u32 $0x6, v29;
	[tilespmem:s24+$0xFFFFFC00] =	vst v22;
	v29 =	vld.idx.msk [tilespmem:v29+s11+$0x0], $0xffff  }
0x34b: {  	v25 =	vor.u32 $0x7, v50;
	v22 =	vld.idx.msk [tilespmem:v26+s11+$0x0], $0xffff;
	[tilespmem:s24+$0x0] =	vst v28  }
0x34c: {  	v26 =	vld.idx.msk [tilespmem:v48+s11+$0x0], $0xffff;
	[tilespmem:s24+$0x200] =	vst v23  }
0x34d: {  	v28 =	vor.u32 $0x1, v50;
	v51 =	vld.idx.msk [tilespmem:v49+s11+$0x0], $0xffff;
	[tilespmem:s24+$0x400] =	vst v19  }
0x34e: {  	v23 =	vor.u32 $0x2, v50;
	v24 =	vld.idx.msk [tilespmem:v24+s11+$0x0], $0xffff;
	[tilespmem:s24+$0x610] =	vst v30  }
0x34f: {  	v19 =	vor.u32 $0x3, v50;
	v31 =	vld.idx.msk [tilespmem:v31+s11+$0x0], $0xffff;
	[tilespmem:s24+$0xFFFFFA10] =	vst v32  }
0x350: {  	v30 =	vor.u32 $0x4, v50;
	[tilespmem:s24+$0xFFFFF810] =	vst v29;
	v25 =	vld.idx.msk [tilespmem:v25+s11+$0x0], $0xffff  }
0x351: {  	v27 =	vor.u32 $0x5, v50;
	[tilespmem:s24+$0xFFFFFC10] =	vst v22;
	v54 =	vld.idx.msk [tilespmem:v50+s11+$0x0], $0xffff  }
0x352: {  	v52 =	vadd.s32 v15, v16;
	v53 =	vor.u32 $0x6, v50;
	[tilespmem:s24+$0xFFFFFE10] =	vst v26;
	v28 =	vld.idx.msk [tilespmem:v28+s11+$0x0], $0xffff  }
0x353: {  	v22 =	vor.u32 $0x7, v52;
	v23 =	vld.idx.msk [tilespmem:v23+s11+$0x0], $0xffff;
	[tilespmem:s24+$0x10] =	vst v51  }
0x354: {  	v19 =	vld.idx.msk [tilespmem:v19+s11+$0x0], $0xffff;
	[tilespmem:s24+$0x210] =	vst v24  }
0x355: {  	v26 =	vor.u32 $0x1, v52;
	v30 =	vld.idx.msk [tilespmem:v30+s11+$0x0], $0xffff;
	[tilespmem:s24+$0x410] =	vst v31  }
0x356: {  	v24 =	vor.u32 $0x2, v52;
	v27 =	vld.idx.msk [tilespmem:v27+s11+$0x0], $0xffff;
	[tilespmem:s24+$0x680] =	vst v25  }
0x357: {  	v25 =	vor.u32 $0x3, v52;
	v32 =	vld.idx.msk [tilespmem:v53+s11+$0x0], $0xffff;
	[tilespmem:s24+$0xFFFFF880] =	vst v54  }
0x358: {  	v17 =	vadd.s32 $0x8, v17;
	v31 =	vor.u32 $0x4, v52;
	v22 =	vld.idx.msk [tilespmem:v22+s11+$0x0], $0xffff;
	[tilespmem:s24+$0xFFFFFA80] =	vst v28  }
0x359: {  	v55 =	vor.u32 $0x5, v52;
	v29 =	vadd.s32 v14, v17;
	v34 =	vld.idx.msk [tilespmem:v52+s11+$0x0], $0xffff;
	[tilespmem:s24+$0xFFFFFC80] =	vst v23  }
0x35a: {  	v28 =	vor.u32 $0x7, v29;
	v26 =	vld.idx.msk [tilespmem:v26+s11+$0x0], $0xffff;
	[tilespmem:s24+$0xFFFFFE80] =	vst v19  }
0x35b: {  	v23 =	vor.u32 $0x6, v52;
	v24 =	vld.idx.msk [tilespmem:v24+s11+$0x0], $0xffff;
	[tilespmem:s24+$0x80] =	vst v30  }
0x35c: {  	[tilespmem:s24+$0x280] =	vst v27;
	v19 =	vld.idx.msk [tilespmem:v25+s11+$0x0], $0xffff  }
0x35d: {  	v25 =	vor.u32 $0x1, v29;
	v30 =	vld.idx.msk [tilespmem:v31+s11+$0x0], $0xffff;
	[tilespmem:s24+$0x480] =	vst v32  }
0x35e: {  	v35 =	vld.idx.msk [tilespmem:v55+s11+$0x0], $0xffff;
	[tilespmem:s24+$0x690] =	vst v22;
	v22 =	vor.u32 $0x2, v29  }
0x35f: {  	v57 =	vor.u32 $0x4, v29;
	[tilespmem:s24+$0xFFFFF890] =	vst v34;
	v27 =	vld.idx.msk [tilespmem:v28+s11+$0x0], $0xffff  }
0x360: {  	v31 =	vadd.s32 v15, v17;
	v28 =	vor.u32 $0x3, v29;
	v23 =	vld.idx.msk [tilespmem:v23+s11+$0x0], $0xffff;
	[tilespmem:s24+$0xFFFFFA90] =	vst v26  }
0x361: {  	v56 =	vor.u32 $0x7, v31;
	v26 =	vor.u32 $0x5, v29;
	[tilespmem:s24+$0xFFFFFC90] =	vst v24;
	v24 =	vor.u32 $0x6, v29;
	v29 =	vld.idx.msk [tilespmem:v29+s11+$0x0], $0xffff  }
0x362: {  	v25 =	vld.idx.msk [tilespmem:v25+s11+$0x0], $0xffff;
	[tilespmem:s24+$0xFFFFFE90] =	vst v19  }
0x363: {  	[tilespmem:s24+$0x90] =	vst v30;
	v22 =	vld.idx.msk [tilespmem:v22+s11+$0x0], $0xffff  }
0x364: {  	[tilespmem:s24+$0x290] =	vst v35;
	v58 =	vld.idx.msk [tilespmem:v57+s11+$0x0], $0xffff  }
0x365: {  	v18 =	vadd.s32 $0x8, v18;
	v19 =	vld.idx.msk [tilespmem:v28+s11+$0x0], $0xffff;
	[tilespmem:s24+$0x700] =	vst v27;
	v27 =	vor.u32 $0x1, v31  }
0x366: {  	v36 =	vadd.s32 v14, v18;
	v30 =	vor.u32 $0x2, v31;
	[tilespmem:s24+$0x490] =	vst v23;
	v28 =	vld.idx.msk [tilespmem:v56+s11+$0x0], $0xffff  }
0x367: {  	v26 =	vld.idx.msk [tilespmem:v26+s11+$0x0], $0xffff;
	v23 =	vor.u32 $0x7, v36;
	[tilespmem:s24+$0xFFFFF900] =	vst v29  }
0x368: {  	v60 =	vor.u32 $0x4, v31;
	v24 =	vld.idx.msk [tilespmem:v24+s11+$0x0], $0xffff;
	[tilespmem:s24+$0xFFFFFB00] =	vst v25  }
0x369: {  	v59 =	vor.u32 $0x3, v31;
	v62 =	vld.idx.msk [tilespmem:v31+s11+$0x0], $0xffff;
	[tilespmem:s24+$0xFFFFFD00] =	vst v22  }
0x36a: {  	v25 =	vor.u32 $0x5, v31;
	[tilespmem:s24+$0x100] =	vst v58;
	v27 =	vld.idx.msk [tilespmem:v27+s11+$0x0], $0xffff  }
0x36b: {  	v22 =	vor.u32 $0x6, v31;
	v30 =	vld.idx.msk [tilespmem:v30+s11+$0x0], $0xffff;
	[tilespmem:s24+$0x710] =	vst v28  }
0x36c: {  	[tilespmem:s24+$0xFFFFFF00] =	vst v19;
	v19 =	vadd.s32 v15, v18;
	v28 =	vor.u32 $0x1, v36;
	v23 =	vld.idx.msk [tilespmem:v23+s11+$0x0], $0xffff  }
0x36d: {  	v34 =	vld.idx.msk [tilespmem:v60+s11+$0x0], $0xffff;
	[tilespmem:s24+$0x300] =	vst v26;
	v26 =	vor.u32 $0x7, v19  }
0x36e: {  	v61 =	vor.u32 $0x2, v36;
	v33 =	vld.idx.msk [tilespmem:v59+s11+$0x0], $0xffff;
	[tilespmem:s24+$0x500] =	vst v24  }
0x36f: {  	v29 =	vor.u32 $0x4, v36;
	[tilespmem:s24+$0xFFFFF910] =	vst v62;
	v25 =	vld.idx.msk [tilespmem:v25+s11+$0x0], $0xffff  }
0x370: {  	v24 =	vor.u32 $0x3, v36;
	v22 =	vld.idx.msk [tilespmem:v22+s11+$0x0], $0xffff;
	[tilespmem:s24+$0xFFFFFB10] =	vst v27  }
0x371: {  	v27 =	vor.u32 $0x5, v36;
	v37 =	vld.idx.msk [tilespmem:v28+s11+$0x0], $0xffff;
	[tilespmem:s24+$0x780] =	vst v23  }
0x372: {  	[tilespmem:s24+$0xFFFFFD10] =	vst v30;
	v26 =	vld.idx.msk [tilespmem:v26+s11+$0x0], $0xffff  }
0x373: {  	[tilespmem:s24+$0x110] =	vst v34;
	v38 =	vld.idx.msk [tilespmem:v61+s11+$0x0], $0xffff;
	v23 =	vor.u32 $0x6, v36  }
0x374: {  	[tilespmem:s24+$0xFFFFFF10] =	vst v33;
	v31 =	vld.idx.msk [tilespmem:v29+s11+$0x0], $0xffff  }
0x375: {  	v63 =	vor.u32 $0x1, v19;
	v32 =	vld.idx.msk [tilespmem:v24+s11+$0x0], $0xffff;
	[tilespmem:s24+$0x310] =	vst v25  }
0x376: {  	[tilespmem:s24+$0x510] =	vst v22;
	v28 =	vld.idx.msk [tilespmem:v27+s11+$0x0], $0xffff;
	v27 =	vor.u32 $0x2, v19  }
0x377: {  	v29 =	vld.idx.msk [tilespmem:v36+s11+$0x0], $0xffff;
	[tilespmem:s24+$0x790] =	vst v26;
	v26 =	vor.u32 $0x3, v19  }
0x378: {  	[tilespmem:s23+$0x390] =	vst v45;
	v30 =	vld.idx.msk [tilespmem:v23+s11+$0x0], $0xffff;
	v23 =	vor.u32 $0x4, v19  }
0x379: {  	v24 =	vor.u32 $0x5, v19;
	v22 =	vld.idx.msk [tilespmem:v20+s11+$0x0], $0xffff;
	[tilespmem:s24+$0xFFFFFB80] =	vst v37  }
0x37a: {  	s25 =	simm.s32 $0x8;
	v25 =	vor.u32 $0x6, v19;
	v20 =	vadd.s32 $0x8, v21;
	[tilespmem:s24+$0xFFFFFD80] =	vst v38;
	v33 =	vld.idx.msk [tilespmem:v63+s11+$0x0], $0xffff  }
.LBB2_9:
0x37b: {  	v21 =	vadd.s32 v14, v20;
	s25 =	sadd.s32 $0x8, s25;
	v27 =	vld.idx.msk [tilespmem:v27+s11+$0x0], $0xffff;
	[tilespmem:s24+$0xFFFFFF80] =	vst v32  }
0x37c: {  	v32 =	vor.u32 $0x1, v21;
	v34 =	vor.u32 $0x2, v21;
	v35 =	vor.u32 $0x7, v21;
	p0 =	slt.u32 s25, $0x78;
	v26 =	vld.idx.msk [tilespmem:v26+s11+$0x0], $0xffff;
	[tilespmem:s24+$0x180] =	vst v31  }
0x37d: {  	v31 =	vor.u32 $0x3, v21;
	v36 =	vor.u32 $0x4, v21;
	v37 =	vor.u32 $0x5, v21;
	v23 =	vld.idx.msk [tilespmem:v23+s11+$0x0], $0xffff;
	[tilespmem:s24+$0x380] =	vst v28  }
0x37e: {  	v28 =	vor.u32 $0x6, v21;
	v24 =	vld.idx.msk [tilespmem:v24+s11+$0x0], $0xffff;
	[tilespmem:s24+$0x580] =	vst v30  }
0x37f: {  	[tilespmem:s24+$0xFFFFF980] =	vst v29;
	v25 =	vld.idx.msk [tilespmem:v25+s11+$0x0], $0xffff  }
0x380: {  	v21 =	vld.idx.msk [tilespmem:v21+s11+$0x0], $0xffff;
	[tilespmem:s24+$0xFFFFFB90] =	vst v33  }
0x381: {  	v29 =	vld.idx.msk [tilespmem:v35+s11+$0x0], $0xffff;
	[tilespmem:s24+$0xFFFFFD90] =	vst v27  }
0x382: {  	v27 =	vadd.s32 v15, v20;
	v30 =	vld.idx.msk [tilespmem:v32+s11+$0x0], $0xffff;
	[tilespmem:s24+$0xFFFFFF90] =	vst v26  }
0x383: {  	v26 =	vor.u32 $0x1, v27;
	v33 =	vor.u32 $0x2, v27;
	v32 =	vld.idx.msk [tilespmem:v34+s11+$0x0], $0xffff;
	v34 =	vor.u32 $0x7, v27;
	[tilespmem:s24+$0x190] =	vst v23  }
0x384: {  	v35 =	vor.u32 $0x4, v27;
	v38 =	vor.u32 $0x5, v27;
	v23 =	vld.idx.msk [tilespmem:v31+s11+$0x0], $0xffff;
	v31 =	vor.u32 $0x3, v27;
	[tilespmem:s24+$0x390] =	vst v24  }
0x385: {  	v24 =	vld.idx.msk [tilespmem:v36+s11+$0x0], $0xffff;
	v36 =	vor.u32 $0x6, v27;
	[tilespmem:s24+$0x590] =	vst v25  }
0x386: {  	v25 =	vld.idx.msk [tilespmem:v37+s11+$0x0], $0xffff;
	[tilespmem:s23+$0xFFFFF990] =	vst v22;
	s23 =	smov.u32 s24;
	s24 =	sadd.s32 $0x1000, s24  }
0x387: {  	v22 =	vld.idx.msk [tilespmem:v28+s11+$0x0], $0xffff;
	[tilespmem:s24+$0x600] =	vst v29  }
0x388: {  	v16 =	vadd.s32 $0x8, v16;
	[tilespmem:s24+$0xFFFFFA00] =	vst v30;
	v28 =	vld.idx.msk [tilespmem:v34+s11+$0x0], $0xffff  }
0x389: {  	v29 =	vadd.s32 v14, v16;
	v26 =	vld.idx.msk [tilespmem:v26+s11+$0x0], $0xffff;
	[tilespmem:s24+$0xFFFFFC00] =	vst v32  }
0x38a: {  	v30 =	vor.u32 $0x1, v29;
	v32 =	vld.idx.msk [tilespmem:v33+s11+$0x0], $0xffff;
	v33 =	vor.u32 $0x2, v29;
	[tilespmem:s24+$0xFFFFFE00] =	vst v23;
	v23 =	vor.u32 $0x7, v29  }
0x38b: {  	v34 =	vor.u32 $0x3, v29;
	v37 =	vor.u32 $0x5, v29;
	v31 =	vld.idx.msk [tilespmem:v31+s11+$0x0], $0xffff;
	[tilespmem:s24+$0x0] =	vst v24;
	v24 =	vor.u32 $0x4, v29  }
0x38c: {  	v35 =	vld.idx.msk [tilespmem:v35+s11+$0x0], $0xffff;
	[tilespmem:s24+$0x200] =	vst v25;
	v25 =	vor.u32 $0x6, v29  }
0x38d: {  	v38 =	vld.idx.msk [tilespmem:v38+s11+$0x0], $0xffff;
	[tilespmem:s24+$0x400] =	vst v22  }
0x38e: {  	v22 =	vld.idx.msk [tilespmem:v36+s11+$0x0], $0xffff;
	[tilespmem:s24+$0x610] =	vst v28  }
0x38f: {  	[tilespmem:s24+$0xFFFFF800] =	vst v21;
	v21 =	vld.idx.msk [tilespmem:v23+s11+$0x0], $0xffff  }
0x390: {  	v23 =	vld.idx.msk [tilespmem:v27+s11+$0x0], $0xffff;
	v27 =	vadd.s32 v15, v16;
	[tilespmem:s24+$0xFFFFFA10] =	vst v26  }
0x391: {  	v26 =	vld.idx.msk [tilespmem:v30+s11+$0x0], $0xffff;
	v28 =	vor.u32 $0x1, v27;
	[tilespmem:s24+$0xFFFFFC10] =	vst v32;
	v30 =	vor.u32 $0x2, v27;
	v32 =	vor.u32 $0x7, v27  }
0x392: {  	v36 =	vor.u32 $0x4, v27;
	v39 =	vor.u32 $0x5, v27;
	v33 =	vld.idx.msk [tilespmem:v33+s11+$0x0], $0xffff;
	[tilespmem:s24+$0xFFFFFE10] =	vst v31;
	v31 =	vor.u32 $0x3, v27  }
0x393: {  	v34 =	vld.idx.msk [tilespmem:v34+s11+$0x0], $0xffff;
	[tilespmem:s24+$0x10] =	vst v35;
	v35 =	vor.u32 $0x6, v27  }
0x394: {  	v24 =	vld.idx.msk [tilespmem:v24+s11+$0x0], $0xffff;
	[tilespmem:s24+$0x210] =	vst v38  }
0x395: {  	v37 =	vld.idx.msk [tilespmem:v37+s11+$0x0], $0xffff;
	[tilespmem:s24+$0x680] =	vst v21  }
0x396: {  	v17 =	vadd.s32 $0x8, v17;
	[tilespmem:s24+$0x410] =	vst v22;
	v21 =	vld.idx.msk [tilespmem:v32+s11+$0x0], $0xffff  }
0x397: {  	v22 =	vadd.s32 v14, v17;
	[tilespmem:s24+$0xFFFFF810] =	vst v23;
	v23 =	vld.idx.msk [tilespmem:v25+s11+$0x0], $0xffff  }
0x398: {  	v32 =	vor.u32 $0x7, v22;
	v25 =	vld.idx.msk [tilespmem:v29+s11+$0x0], $0xffff;
	[tilespmem:s24+$0xFFFFFA80] =	vst v26;
	v26 =	vor.u32 $0x1, v22;
	v29 =	vor.u32 $0x2, v22  }
0x399: {  	v38 =	vor.u32 $0x4, v22;
	v40 =	vor.u32 $0x5, v22;
	v28 =	vld.idx.msk [tilespmem:v28+s11+$0x0], $0xffff;
	[tilespmem:s24+$0xFFFFFC80] =	vst v33;
	v33 =	vor.u32 $0x3, v22  }
0x39a: {  	v30 =	vld.idx.msk [tilespmem:v30+s11+$0x0], $0xffff;
	[tilespmem:s24+$0xFFFFFE80] =	vst v34;
	v34 =	vor.u32 $0x6, v22  }
0x39b: {  	v31 =	vld.idx.msk [tilespmem:v31+s11+$0x0], $0xffff;
	[tilespmem:s24+$0x80] =	vst v24  }
0x39c: {  	v24 =	vld.idx.msk [tilespmem:v36+s11+$0x0], $0xffff;
	[tilespmem:s24+$0x690] =	vst v21  }
0x39d: {  	[tilespmem:s24+$0x280] =	vst v37;
	v21 =	vld.idx.msk [tilespmem:v32+s11+$0x0], $0xffff  }
0x39e: {  	v32 =	vadd.s32 v15, v17;
	v36 =	vld.idx.msk [tilespmem:v39+s11+$0x0], $0xffff;
	[tilespmem:s24+$0x480] =	vst v23  }
0x39f: {  	v23 =	vor.u32 $0x1, v32;
	v37 =	vor.u32 $0x7, v32;
	[tilespmem:s24+$0xFFFFF880] =	vst v25;
	v25 =	vor.u32 $0x2, v32;
	v35 =	vld.idx.msk [tilespmem:v35+s11+$0x0], $0xffff  }
0x3a0: {  	v39 =	vor.u32 $0x4, v32;
	v41 =	vor.u32 $0x5, v32;
	v27 =	vld.idx.msk [tilespmem:v27+s11+$0x0], $0xffff;
	[tilespmem:s24+$0xFFFFFA90] =	vst v28;
	v28 =	vor.u32 $0x3, v32  }
0x3a1: {  	v26 =	vld.idx.msk [tilespmem:v26+s11+$0x0], $0xffff;
	[tilespmem:s24+$0xFFFFFC90] =	vst v30;
	v30 =	vor.u32 $0x6, v32  }
0x3a2: {  	v29 =	vld.idx.msk [tilespmem:v29+s11+$0x0], $0xffff;
	[tilespmem:s24+$0xFFFFFE90] =	vst v31  }
0x3a3: {  	v31 =	vld.idx.msk [tilespmem:v33+s11+$0x0], $0xffff;
	[tilespmem:s24+$0x700] =	vst v21  }
0x3a4: {  	v18 =	vadd.s32 $0x8, v18;
	[tilespmem:s24+$0x90] =	vst v24;
	v21 =	vld.idx.msk [tilespmem:v37+s11+$0x0], $0xffff  }
0x3a5: {  	v33 =	vadd.s32 v14, v18;
	v24 =	vld.idx.msk [tilespmem:v38+s11+$0x0], $0xffff;
	[tilespmem:s24+$0x290] =	vst v36  }
0x3a6: {  	v37 =	vor.u32 $0x2, v33;
	v36 =	vor.u32 $0x1, v33;
	v38 =	vld.idx.msk [tilespmem:v40+s11+$0x0], $0xffff;
	[tilespmem:s24+$0x490] =	vst v35;
	v35 =	vor.u32 $0x7, v33  }
0x3a7: {  	v42 =	vor.u32 $0x4, v33;
	v43 =	vor.u32 $0x5, v33;
	v40 =	vor.u32 $0x3, v33;
	[tilespmem:s24+$0xFFFFF890] =	vst v27;
	v34 =	vld.idx.msk [tilespmem:v34+s11+$0x0], $0xffff  }
0x3a8: {  	v44 =	vor.u32 $0x6, v33;
	v22 =	vld.idx.msk [tilespmem:v22+s11+$0x0], $0xffff;
	[tilespmem:s24+$0xFFFFFB00] =	vst v26  }
0x3a9: {  	v45 =	vld.idx.msk [tilespmem:v23+s11+$0x0], $0xffff;
	[tilespmem:s24+$0xFFFFFD00] =	vst v29  }
0x3aa: {  	v29 =	vld.idx.msk [tilespmem:v25+s11+$0x0], $0xffff;
	[tilespmem:s24+$0x710] =	vst v21  }
0x3ab: {  	[tilespmem:s24+$0xFFFFFF00] =	vst v31;
	v21 =	vld.idx.msk [tilespmem:v35+s11+$0x0], $0xffff  }
0x3ac: {  	v35 =	vadd.s32 v15, v18;
	v28 =	vld.idx.msk [tilespmem:v28+s11+$0x0], $0xffff;
	[tilespmem:s24+$0x100] =	vst v24  }
0x3ad: {  	v46 =	vor.u32 $0x1, v35;
	v27 =	vor.u32 $0x2, v35;
	v31 =	vld.idx.msk [tilespmem:v39+s11+$0x0], $0xffff;
	[tilespmem:s24+$0x300] =	vst v38;
	v38 =	vor.u32 $0x7, v35  }
0x3ae: {  	v26 =	vor.u32 $0x3, v35;
	v23 =	vor.u32 $0x4, v35;
	v24 =	vor.u32 $0x5, v35;
	v39 =	vld.idx.msk [tilespmem:v41+s11+$0x0], $0xffff;
	[tilespmem:s24+$0x500] =	vst v34  }
0x3af: {  	v25 =	vor.u32 $0x6, v35;
	[tilespmem:s24+$0xFFFFF900] =	vst v22;
	v22 =	vld.idx.msk [tilespmem:v30+s11+$0x0], $0xffff  }
0x3b0: {  	v30 =	vld.idx.msk [tilespmem:v32+s11+$0x0], $0xffff;
	[tilespmem:s24+$0xFFFFFB10] =	vst v45  }
0x3b1: {  	v34 =	vld.idx.msk [tilespmem:v36+s11+$0x0], $0xffff;
	[tilespmem:s24+$0x780] =	vst v21  }
0x3b2: {  	[tilespmem:s24+$0xFFFFFD10] =	vst v29;
	v21 =	vld.idx.msk [tilespmem:v38+s11+$0x0], $0xffff  }
0x3b3: {  	v36 =	vld.idx.msk [tilespmem:v37+s11+$0x0], $0xffff;
	[tilespmem:s24+$0xFFFFFF10] =	vst v28  }
0x3b4: {  	v32 =	vld.idx.msk [tilespmem:v40+s11+$0x0], $0xffff;
	[tilespmem:s24+$0x110] =	vst v31  }
0x3b5: {  	v31 =	vld.idx.msk [tilespmem:v42+s11+$0x0], $0xffff;
	[tilespmem:s24+$0x310] =	vst v39  }
.Ltmp3:
0x3b6: {  	v28 =	vld.idx.msk [tilespmem:v43+s11+$0x0], $0xffff;
	[tilespmem:s24+$0x510] =	vst v22;
	(pc) =	sbr.rel @p0 .LBB2_9-.Ltmp3, $4  }
0x3b7: {  	[tilespmem:s24+$0xFFFFF910] =	vst v30;
	v30 =	vld.idx.msk [tilespmem:v44+s11+$0x0], $0xffff  }
0x3b8: {  	v29 =	vld.idx.msk [tilespmem:v33+s11+$0x0], $0xffff;
	[tilespmem:s24+$0x790] =	vst v21  }
0x3b9: {  	[tilespmem:s24+$0xFFFFFB80] =	vst v34;
	v22 =	vld.idx.msk [tilespmem:v19+s11+$0x0], $0xffff;
	v19 =	vmov v35  }
0x3ba: {  	v20 =	vadd.s32 $0x8, v20;
	v33 =	vld.idx.msk [tilespmem:v46+s11+$0x0], $0xffff;
	[tilespmem:s24+$0xFFFFFD80] =	vst v36  }
0x3bb: {  	_ =	sdelay $0x1  }
0x3bc: {  	[tilespmem:s24+$0xFFFFFF80] =	vst v32  }
0x3bd: {  	[tilespmem:s24+$0x180] =	vst v31  }
0x3be: {  	v14 =	vld.idx.msk [tilespmem:v27+s11+$0x0], $0xffff;
	[tilespmem:s24+$0x380] =	vst v28  }
0x3bf: {  	v15 =	vld.idx.msk [tilespmem:v26+s11+$0x0], $0xffff;
	[tilespmem:s24+$0x580] =	vst v30  }
0x3c0: {  	v16 =	vld.idx.msk [tilespmem:v23+s11+$0x0], $0xffff;
	[tilespmem:s24+$0xFFFFF980] =	vst v29  }
0x3c1: {  	v17 =	vld.idx.msk [tilespmem:v24+s11+$0x0], $0xffff;
	[tilespmem:s23+$0xFFFFF990] =	vst v22  }
0x3c2: {  	v18 =	vld.idx.msk [tilespmem:v25+s11+$0x0], $0xffff;
	[tilespmem:s24+$0xFFFFFB90] =	vst v33  }
0x3c3: {  	s21 =	sadd.s32 $0x1, s21;
	[tilespmem:s24+$0xFFFFFD90] =	vst v14;
	v14 =	vld.idx.msk [tilespmem:v19+s11+$0x0], $0xffff  }
0x3c4: {  	p0 =	sne.s32 s21, $0x10;
	[tilespmem:s24+$0xFFFFFF90] =	vst v15  }
.Ltmp4:
0x3c5: {  	[tilespmem:s24+$0x190] =	vst v16;
	(pc) =	sbr.rel @p0 .LBB2_2-.Ltmp4, $4  }
0x3c6: {  	[tilespmem:s24+$0x390] =	vst v17  }
0x3c7: {  	[tilespmem:s24+$0x590] =	vst v18  }
0x3c8: {  	[tilespmem:s24+$0xFFFFF990] =	vst v14  }
0x3c9: {  	[hbm4b:s4+s18] =	stream.indirect.scatter [tilespmem:s19], [sflag:$0x3], $0x200, s22, s18, $0xb8;
	[tilespmem:$0x18B80] =	vst v63  }
0x3ca: {  	s20 =	sadd.s32 $0x1, s20  }
0x3cb: {  	p0 =	sne.s32 s20, s6  }
.Ltmp5:
0x3cc: {  	_ = 	snop;
	(pc) =	sbr.rel @p0 .LBB2_1-.Ltmp5, $4  }
0x3cd: {  	_ = 	snop  }
0x3ce: {  	_ =	swait.ge [sflag:s8], $0x10000  }
0x3cf: {  	[sflag:s8] =	ssyncset.done $0x0  }
0x3d0: {  	[sflag:s8] =	ssyncadd.s32 $0xFFFF0000  }
0x3d1: {  	_ =	sfence.sel $0x180000  }
0x3d2: {  	[bflag:$0x0] =	sbarrier.arrive $0xFFFF  }
0x3d3: {  	p0 =	sne.s32 s1, $0x0;
	_ =	strace $0x90000047  }
0x3d4: {  	s0 =	sadd.s32 @!p0 $0x100000, s0;
	[bflag:$0x2] =	sbarrier.arrive $0xFFFF  }
0x3d5: {  	[sflag:s0] =	ssyncadd.tile.s32 @!p0 $0x1;
	_ =	shalt  }
.Lfunc_end2:
_tile_overlayer_lowered:
.L_overlay_start_2:
0x3d6: {  	(tag) =	ssettag $0x2  }
0x3d7: {  	s0 =	rddreg [dreg:$0x0];
	s2 =	stileid.u32  }
0x3d8: {  	s1 =	rddreg [dreg:$0x1];
	p0 =	sne.s32 s2, $0x0  }
0x3d9: {  	s3 =	rddreg [dreg:$0x2];
	[bflag:$0x3] =	sbarrier.arrive $0xFFFF;
	s2 =	simm.s32 @!p0 $0x1C04  }
0x3da: {  	[timem:s3], [sflag:s2] =	dma.local @!p0 [hbm:s0], s1  }
0x3db: {  	s0 =	simm.s32 @!p0 $0x4  }
0x3dc: {  	_ =	swait.ge @!p0 [sflag:s0], s1  }
0x3dd: {  	s1 =	ssub.s32 @!p0 $0x0, s1;
	[sflag:s0] =	ssyncset.done @!p0 $0x0  }
0x3de: {  	[sflag:s0] =	ssyncadd.s32 @!p0 s1  }
0x3df: {  	[bflag:$0x3] =	sbarrier.arrive $0xFFFF  }
0x3e0: {  	_ =	shalt  }

</sc_bundles>
